<compile_context>
chip_gen: v7x
topology: tpu7x:2x2x1
jax: 0.10.2.dev20260603
libtpu: 0.0.44.dev20260713+nightly
codegen_flags: <defaults>
</compile_context>

<pallas_src>
import functools

import jax
import jax.numpy as jnp
from jax import lax
from jax.experimental import pallas as pl
from jax.experimental.pallas import tpu as pltpu
from jax.experimental.pallas import tpu_sc as plsc

NC = 2
NS = 16
NW = NC * NS
C = 40
RAW = 128


HALF = RAW // 2


def _sc_gather(table, row, col):
    E = row.shape[0]
    per_w = E // NW
    nch = per_w // C
    n_pairs = nch // 2
    mesh = plsc.VectorSubcoreMesh(
        core_axis_name="c", subcore_axis_name="s", num_cores=NC,
        num_subcores=NS)
    fdt = jax.ShapeDtypeStruct((E, RAW), jnp.float32)
    row_rs = row.reshape(NW, nch, C)
    col_rs = col.reshape(NW, nch, C)

    @functools.partial(
        pl.kernel, mesh=mesh,
        out_type=(fdt, fdt),
        scratch_types=[
            pltpu.VMEM((nch, C), jnp.int32),
            pltpu.VMEM((nch, C), jnp.int32),
            pltpu.VMEM((C, RAW), jnp.float32),
            pltpu.VMEM((C, RAW), jnp.float32),
            pltpu.VMEM((C, RAW), jnp.float32),
            pltpu.VMEM((C, RAW), jnp.float32),
            pltpu.SemaphoreType.DMA,
            pltpu.SemaphoreType.DMA,
        ],
    )
    def k(t_hbm, row_hbm, col_hbm, gr_out, gc_out,
          ri, ci, gr_a, gc_a, gr_b, gc_b, sem_a, sem_b):
        wid = lax.axis_index("s") * NC + lax.axis_index("c")
        w_base = wid * per_w
        pltpu.sync_copy(row_hbm.at[wid], ri)
        pltpu.sync_copy(col_hbm.at[wid], ci)

        def drain_b():
            pltpu.make_async_copy(t_hbm.at[pl.ds(0, C)], gr_b, sem_b).wait()
            pltpu.make_async_copy(t_hbm.at[pl.ds(0, C)], gc_b, sem_b).wait()

        def body(i, _):
            a = w_base + (2 * i) * C
            b = a + C
            da0 = pltpu.async_copy(t_hbm.at[ri.at[2 * i]], gr_a, sem_a)
            da1 = pltpu.async_copy(t_hbm.at[ci.at[2 * i]], gc_a, sem_a)

            @pl.when(i > 0)
            def _prev():
                bp = a - C
                drain_b()
                pltpu.sync_copy(gr_b, gr_out.at[pl.ds(bp, C)])
                pltpu.sync_copy(gc_b, gc_out.at[pl.ds(bp, C)])

            pltpu.async_copy(t_hbm.at[ri.at[2 * i + 1]], gr_b, sem_b)
            pltpu.async_copy(t_hbm.at[ci.at[2 * i + 1]], gc_b, sem_b)
            da0.wait()
            da1.wait()
            pltpu.sync_copy(gr_a, gr_out.at[pl.ds(a, C)])
            pltpu.sync_copy(gc_a, gc_out.at[pl.ds(a, C)])
            return _

        lax.fori_loop(0, n_pairs, body, None)
        if nch % 2 == 0:
            bl = w_base + per_w - C
            drain_b()
            pltpu.sync_copy(gr_b, gr_out.at[pl.ds(bl, C)])
            pltpu.sync_copy(gc_b, gc_out.at[pl.ds(bl, C)])
        else:
            bl = w_base + per_w - C
            da0 = pltpu.async_copy(t_hbm.at[ri.at[nch - 1]], gr_a, sem_a)
            da1 = pltpu.async_copy(t_hbm.at[ci.at[nch - 1]], gc_a, sem_a)
            drain_b()
            pltpu.sync_copy(gr_b, gr_out.at[pl.ds(bl - C, C)])
            pltpu.sync_copy(gc_b, gc_out.at[pl.ds(bl - C, C)])
            da0.wait()
            da1.wait()
            pltpu.sync_copy(gr_a, gr_out.at[pl.ds(bl, C)])
            pltpu.sync_copy(gc_a, gc_out.at[pl.ds(bl, C)])

    return k(table, row_rs, col_rs)


def _tc_pre(xn, w1a):
    n = xn.shape[0]
    BP = 2000

    def body(xn_ref, w_ref, out_ref):
        out_ref[...] = jnp.dot(xn_ref[...], w_ref[...],
                               preferred_element_type=jnp.float32)

    return pl.pallas_call(
        body,
        grid=(n // BP,),
        in_specs=[pl.BlockSpec((BP, RAW), lambda i: (i, 0)),
                  pl.BlockSpec((RAW, HALF), lambda i: (0, 0))],
        out_specs=pl.BlockSpec((BP, HALF), lambda i: (i, 0)),
        out_shape=jax.ShapeDtypeStruct((n, HALF), jnp.float32),
    )(xn, w1a)


def _tc_mlp(grow, gcol, row3, n_proto, trash,
            w1b, b1, w2, b2, tw1, tb1, tw2, tb2, tw3):
    E = grow.shape[0]
    B = 4000
    grid = (E // B,)

    def unpack(packed):
        u = lax.bitcast_convert_type(packed, jnp.int32)
        lo = lax.bitcast_convert_type(u << 16, jnp.float32)
        hi = lax.bitcast_convert_type(u & jnp.int32(-65536), jnp.float32)
        return jnp.concatenate([lo, hi], axis=1)

    def body(gr_ref, gc_ref, row_ref, w1b_ref, b1_ref,
             w2_ref, b2_ref, tw1_ref, tb1_ref, tw2_ref, tb2_ref, tw3_ref,
             out_ref, rowq_ref):
        r = row_ref[0, 0, :]
        rowq_ref[0, 0, :] = jnp.where(r >= n_proto, r - n_proto, trash)
        diff = unpack(gr_ref[:, :HALF]) - unpack(gc_ref[:, :HALF])
        sqd = jnp.sum(diff * diff, axis=1, keepdims=True)
        h = gc_ref[:, HALF:] + sqd * w1b_ref[...] + b1_ref[...]
        h = h * jax.nn.sigmoid(h)
        h = jnp.dot(h.astype(jnp.bfloat16), w2_ref[...],
                    preferred_element_type=jnp.float32)
        h = h + b2_ref[...]
        h = h * jax.nn.sigmoid(h)
        h = jnp.dot(h.astype(jnp.bfloat16), tw1_ref[...],
                    preferred_element_type=jnp.float32)
        h = h + tb1_ref[...]
        h = h * jax.nn.sigmoid(h)
        h = jnp.dot(h.astype(jnp.bfloat16), tw2_ref[...],
                    preferred_element_type=jnp.float32)
        h = h + tb2_ref[...]
        h = h * jax.nn.sigmoid(h)
        t = jnp.sum(h * tw3_ref[...], axis=1, keepdims=True)
        out_ref[...] = diff * t

    blk_o = pl.BlockSpec((B, RAW), lambda i: (i, 0))
    blk_r = pl.BlockSpec((1, 1, B), lambda i: (i, 0, 0))
    full = lambda shape: pl.BlockSpec(shape, lambda i: tuple(0 for _ in shape))
    return pl.pallas_call(
        body,
        grid=grid,
        in_specs=[
            blk_o, blk_o, blk_r,
            full((1, 64)), full((1, 64)),
            full((64, 64)), full((1, 64)),
            full((64, 64)), full((1, 64)),
            full((64, 64)), full((1, 64)),
            full((1, 64)),
        ],
        out_specs=(blk_o, blk_r),
        out_shape=(jax.ShapeDtypeStruct((E, RAW), jnp.float32),
                   jax.ShapeDtypeStruct((E // B, 1, B), jnp.int32)),
    )(grow, gcol, row3, w1b, b1, w2, b2, tw1, tb1, tw2, tb2, tw3)


def _sc_scatter(trans, rowq, zrow, ones_c, NQ):
    E, _ = trans.shape
    per_w = E // NW
    n_chunks = per_w // C
    rows_per_tile = NQ // NS
    n_init = rows_per_tile // C
    mesh = plsc.VectorSubcoreMesh(
        core_axis_name="c", subcore_axis_name="s", num_cores=NC,
        num_subcores=NS)
    fdt = jax.ShapeDtypeStruct((NC, NQ, RAW), jnp.float32)
    rowq_rs = rowq.reshape(NW, n_chunks, C)

    n_pairs = n_chunks // 2

    @functools.partial(
        pl.kernel, mesh=mesh,
        out_type=(fdt, fdt),
        scratch_types=[
            pltpu.VMEM_SHARED((NQ, RAW), jnp.float32),
            pltpu.VMEM_SHARED((NQ, RAW), jnp.float32),
            pltpu.VMEM((n_chunks, C), jnp.int32),
            pltpu.VMEM((C, RAW), jnp.float32),
            pltpu.VMEM((C, RAW), jnp.float32),
            pltpu.VMEM((C, RAW), jnp.float32),
            pltpu.SemaphoreType.DMA,
            pltpu.SemaphoreType.DMA,
        ],
    )
    def k(trans_hbm, rowq_hbm, zrow_hbm, ones_hbm, s_out, cnt_out,
          acc_sh, cnt_sh, rq, tr_a, tr_b, ones_v, sem_a, sem_b):
        cid = lax.axis_index("c")
        sid = lax.axis_index("s")
        wid = sid * NC + cid
        w_base = wid * per_w
        tile_rows = sid * rows_per_tile
        pltpu.sync_copy(rowq_hbm.at[wid], rq)

        pltpu.sync_copy(zrow_hbm, tr_a)

        def zbody(j, _):
            pltpu.sync_copy(tr_a, acc_sh.at[pl.ds(tile_rows + j * C, C)])
            pltpu.sync_copy(tr_a, cnt_sh.at[pl.ds(tile_rows + j * C, C)])
            return _

        lax.fori_loop(0, n_init, zbody, None)
        pltpu.sync_copy(ones_hbm, ones_v)
        plsc.subcore_barrier()

        def scat_b(j):
            pltpu.make_async_copy(
                trans_hbm.at[pl.ds(0, C)], tr_b, sem_b).wait()
            pltpu.sync_copy(tr_b, acc_sh.at[rq.at[j]], add=True)
            pltpu.sync_copy(ones_v, cnt_sh.at[rq.at[j]], add=True)

        def body(i, _):
            a = w_base + (2 * i) * C
            b = a + C
            da = pltpu.async_copy(trans_hbm.at[pl.ds(a, C)], tr_a, sem_a)

            @pl.when(i > 0)
            def _prev():
                scat_b(2 * i - 1)

            pltpu.async_copy(trans_hbm.at[pl.ds(b, C)], tr_b, sem_b)
            da.wait()
            pltpu.sync_copy(tr_a, acc_sh.at[rq.at[2 * i]], add=True)
            pltpu.sync_copy(ones_v, cnt_sh.at[rq.at[2 * i]], add=True)
            return _

        lax.fori_loop(0, n_pairs, body, None)
        if n_chunks % 2 == 0:
            scat_b(n_chunks - 1)
        else:
            da = pltpu.async_copy(
                trans_hbm.at[pl.ds(w_base + per_w - C, C)], tr_a, sem_a)
            scat_b(n_chunks - 2)
            da.wait()
            pltpu.sync_copy(tr_a, acc_sh.at[rq.at[n_chunks - 1]], add=True)
            pltpu.sync_copy(ones_v, cnt_sh.at[rq.at[n_chunks - 1]], add=True)
        plsc.subcore_barrier()

        def obody(j, _):
            r = tile_rows + j * C
            pltpu.sync_copy(acc_sh.at[pl.ds(r, C)], tr_a)
            pltpu.sync_copy(tr_a, s_out.at[cid, pl.ds(r, C)])
            pltpu.sync_copy(cnt_sh.at[pl.ds(r, C)], ones_v)
            pltpu.sync_copy(ones_v, cnt_out.at[cid, pl.ds(r, C)])
            return _

        lax.fori_loop(0, n_init, obody, None)

    return k(trans, rowq_rs, zrow, ones_c)


def _tc_finish(qry, s_parts, cnt_parts):
    nq = qry.shape[0]
    P = s_parts.shape[0]

    def body(qry_ref, s_ref, cnt_ref, out_ref):
        s = s_ref[0]
        cnt = cnt_ref[0, :, 0:1]
        for p in range(1, P):
            s = s + s_ref[p]
            cnt = cnt + cnt_ref[p, :, 0:1]
        out_ref[...] = qry_ref[...] + s / jnp.maximum(cnt, 1.0)

    BQ = 1000
    return pl.pallas_call(
        body,
        grid=(nq // BQ,),
        in_specs=[
            pl.BlockSpec((BQ, RAW), lambda i: (i, 0)),
            pl.BlockSpec((P, BQ, RAW), lambda i: (0, i, 0)),
            pl.BlockSpec((P, BQ, RAW), lambda i: (0, i, 0)),
        ],
        out_specs=pl.BlockSpec((BQ, RAW), lambda i: (i, 0)),
        out_shape=jax.ShapeDtypeStruct((nq, RAW), jnp.float32),
    )(qry, s_parts, cnt_parts)


def kernel(edge_index, neighbor, qry_embeds, proto_embeds,
           msg_W1, msg_b1, msg_W2, msg_b2,
           trans_W1, trans_b1, trans_W2, trans_b2, trans_W3):
    n_proto = proto_embeds.shape[0]
    x = jnp.concatenate([proto_embeds, qry_embeds], axis=0)
    xn = jnp.concatenate([proto_embeds, neighbor], axis=0)
    E = edge_index.shape[1]

    def pack(a):
        ab = a.astype(jnp.bfloat16)
        pair = jnp.stack([ab[:, :HALF], ab[:, HALF:]], axis=-1)
        return lax.bitcast_convert_type(pair, jnp.float32)

    A = _tc_pre(xn, msg_W1[:RAW])
    table = jnp.concatenate([pack(x), A], axis=1)

    nq = qry_embeds.shape[0]
    nq_pad = ((nq + 1 + NS * C - 1) // (NS * C)) * (NS * C)
    B = 4000
    bf = jnp.bfloat16
    w1b = msg_W1[RAW:RAW + 1]
    zrow = jnp.zeros((C, RAW), jnp.float32)
    ones_c = jnp.ones((C, RAW), jnp.float32)

    NSPLIT = 2
    h = E // NSPLIT
    parts = []
    for lohi in range(NSPLIT):
        sl = slice(lohi * h, (lohi + 1) * h)
        row_h = edge_index[0, sl]
        grow, gcol = _sc_gather(table, row_h, edge_index[1, sl])
        row3 = row_h.reshape(h // B, 1, B)
        trans, rowq3 = _tc_mlp(grow, gcol, row3, n_proto, nq_pad - 1,
                               w1b, msg_b1.reshape(1, -1),
                               msg_W2.astype(bf), msg_b2.reshape(1, -1),
                               trans_W1.astype(bf), trans_b1.reshape(1, -1),
                               trans_W2.astype(bf), trans_b2.reshape(1, -1),
                               trans_W3.reshape(1, -1))
        parts.append(_sc_scatter(trans, rowq3.reshape(h), zrow, ones_c,
                                 nq_pad))

    s_parts = jnp.concatenate([p[0] for p in parts], axis=0)
    cnt_parts = jnp.concatenate([p[1] for p in parts], axis=0)
    qry_new = _tc_finish(qry_embeds, s_parts, cnt_parts)
    return (neighbor, qry_new)

# --- scband reference (transcript-rebuilt; emitter-appended) ---
"""Pipeline reference for scband-clsf-module-49228915147352 (READ-ONLY COPY).

The authoritative reference and input builder live on the scoring server;
editing this copy changes nothing except your own understanding.
"""

import jax, jax.numpy as jnp
import numpy as np

N_PROTO = 5000
N_QRY = 5000
N_NODES = N_PROTO + N_QRY
E = 320000
RAW = 128
HID = 64


def _lin(k, fin, fout, scale=None):
    s = scale if scale is not None else (1.0 / np.sqrt(fin))
    return jax.random.uniform(k, (fin, fout), jnp.float32, -s, s)


def setup_inputs(seed: int = 0) -> dict:
    key = jax.random.key(seed)
    ks = jax.random.split(key, 12)
    inp = {}
    inp["edge_index"] = jax.random.randint(ks[0], (2, E), 0, N_NODES)
    inp["neighbor"] = jax.random.normal(ks[1], (N_QRY, RAW), dtype=jnp.float32)
    inp["qry_embeds"] = jax.random.normal(ks[2], (N_QRY, RAW), dtype=jnp.float32)
    inp["proto_embeds"] = jax.random.normal(ks[3], (N_PROTO, RAW), dtype=jnp.float32)
    # msg_mlp: Linear(RAW+1, HID) -> SiLU -> Linear(HID, HID) -> SiLU
    inp["msg_W1"] = _lin(ks[4], RAW + 1, HID)
    inp["msg_b1"] = jnp.zeros((HID,), jnp.float32)
    inp["msg_W2"] = _lin(ks[5], HID, HID)
    inp["msg_b2"] = jnp.zeros((HID,), jnp.float32)
    # trans_mlp: Linear(HID, HID) -> SiLU -> Linear(HID, HID) -> SiLU -> Linear(HID, 1, bias=False, xavier gain=0.001)
    inp["trans_W1"] = _lin(ks[6], HID, HID)
    inp["trans_b1"] = jnp.zeros((HID,), jnp.float32)
    inp["trans_W2"] = _lin(ks[7], HID, HID)
    inp["trans_b2"] = jnp.zeros((HID,), jnp.float32)
    xav = 0.001 * np.sqrt(6.0 / (HID + 1))
    inp["trans_W3"] = _lin(ks[8], HID, 1, scale=xav)
    return inp


def reference(edge_index, neighbor, qry_embeds, proto_embeds,
              msg_W1, msg_b1, msg_W2, msg_b2,
              trans_W1, trans_b1, trans_W2, trans_b2, trans_W3):
    silu = jax.nn.silu
    x = jnp.concatenate([proto_embeds, qry_embeds], axis=0)
    x_neighbor = jnp.concatenate([proto_embeds, neighbor], axis=0)
    row = edge_index[0]
    col = edge_index[1]
    # coord2dist
    coord_diff = x[row] - x[col]
    sqr_dist = jnp.sum(coord_diff ** 2, axis=1, keepdims=True)
    # msg_model
    m = jnp.concatenate([x_neighbor[col], sqr_dist], axis=1)
    m = silu(m @ msg_W1 + msg_b1)
    m = silu(m @ msg_W2 + msg_b2)
    # coord_model
    t = silu(m @ trans_W1 + trans_b1)
    t = silu(t @ trans_W2 + trans_b2)
    t = t @ trans_W3  # [E, 1]
    trans = coord_diff * t  # [E, RAW]
    num_nodes = x.shape[0]
    s = jax.ops.segment_sum(trans, row, num_segments=num_nodes)
    cnt = jax.ops.segment_sum(jnp.ones_like(trans), row, num_segments=num_nodes)
    mean = s / jnp.clip(cnt, 1.0, None)
    qry_new = qry_embeds + mean[proto_embeds.shape[0]:]
    return (neighbor, qry_new)

if __name__ == "__main__":
    import jax
    _d = setup_inputs()
    print(jax.jit(kernel)(*tuple(_d.values())))

</pallas_src>

<mosaic_0001>
#map = affine_map<(d0, d1) -> (0, 0)>
#map1 = affine_map<(d0, d1) -> (0, 0, 0)>
module attributes {stable_mosaic.version = 14 : i64} {
  func.func @k(%arg0: i32, %arg1: i32, %arg2: memref<10000x128xf32, #tpu.memory_space<hbm>>, %arg3: memref<32x125x40xi32, #tpu.memory_space<hbm>>, %arg4: memref<32x125x40xi32, #tpu.memory_space<hbm>>, %arg5: memref<160000x128xf32, #tpu.memory_space<hbm>>, %arg6: memref<160000x128xf32, #tpu.memory_space<hbm>>, %arg7: memref<125x40xi32, #tpu.memory_space<vmem>>, %arg8: memref<125x40xi32, #tpu.memory_space<vmem>>, %arg9: memref<40x128xf32, #tpu.memory_space<vmem>>, %arg10: memref<40x128xf32, #tpu.memory_space<vmem>>, %arg11: memref<40x128xf32, #tpu.memory_space<vmem>>, %arg12: memref<40x128xf32, #tpu.memory_space<vmem>>, %arg13: memref<!tpu.dma_semaphore, #tpu.memory_space<semaphore_mem>>, %arg14: memref<!tpu.dma_semaphore, #tpu.memory_space<semaphore_mem>>) attributes {dimension_semantics = [#tpu.dimension_semantics<core_parallel>, #tpu.dimension_semantics<subcore_parallel>], iteration_bounds = array<i64: 2, 16>, scalar_prefetch = 0 : i64, scratch_operands = 8 : i64, tpu.core_type = #tpu.core_type<sc_vector_subcore>, window_params = [{transform_indices = #map}, {transform_indices = #map1}, {transform_indices = #map1}, {transform_indices = #map}, {transform_indices = #map}]} {
    %mul3A = arith.constant 2 : i32
    %mul3A_0 = arith.muli %arg1, %mul3A : i32
    %add3A = arith.addi %mul3A_0, %arg0 : i32
    %mul3A_1 = arith.constant 5000 : i32
    %mul3A_2 = arith.muli %add3A, %mul3A_1 : i32
    "tpu.region"() ({
      %run_scoped3A = tpu.sem_alloc : memref<!tpu.dma_semaphore, #tpu.memory_space<semaphore_mem>>
      %dma_start3A_52 = arith.constant 0 : i32
      %dma_start3A_53 = arith.constant 0 : i32
      %dma_start3A_54 = tpu.memref_slice %arg3[%add3A, %dma_start3A_52, %dma_start3A_53] : memref<32x125x40xi32, #tpu.memory_space<hbm>> -> memref<1x125x40xi32, #tpu.memory_space<hbm>>
      %dma_start3A_55 = tpu.memref_squeeze %dma_start3A_54 : memref<1x125x40xi32, #tpu.memory_space<hbm>> -> memref<125x40xi32, #tpu.memory_space<hbm>>
      %dma_start3A_56 = arith.constant 0 : i32
      %dma_start3A_57 = arith.constant 0 : i32
      %dma_start3A_58 = tpu.memref_slice %arg3[%add3A, %dma_start3A_56, %dma_start3A_57] : memref<32x125x40xi32, #tpu.memory_space<hbm>> -> memref<1x125x40xi32, #tpu.memory_space<hbm>>
      %dma_start3A_59 = tpu.memref_squeeze %dma_start3A_58 : memref<1x125x40xi32, #tpu.memory_space<hbm>> -> memref<125x40xi32, #tpu.memory_space<hbm>>
      tpu.enqueue_dma source(%dma_start3A_59 : memref<125x40xi32, #tpu.memory_space<hbm>>) target(%arg7 : memref<125x40xi32, #tpu.memory_space<vmem>>) target_semaphore(%run_scoped3A : memref<!tpu.dma_semaphore, #tpu.memory_space<semaphore_mem>>)
      %dma_wait3A_60 = arith.constant 0 : i32
      %dma_wait3A_61 = arith.constant 0 : i32
      %dma_wait3A_62 = tpu.memref_slice %arg3[%add3A, %dma_wait3A_60, %dma_wait3A_61] : memref<32x125x40xi32, #tpu.memory_space<hbm>> -> memref<1x125x40xi32, #tpu.memory_space<hbm>>
      %dma_wait3A_63 = tpu.memref_squeeze %dma_wait3A_62 : memref<1x125x40xi32, #tpu.memory_space<hbm>> -> memref<125x40xi32, #tpu.memory_space<hbm>>
      %dma_wait3A_64 = arith.constant 0 : i32
      %dma_wait3A_65 = arith.constant 0 : i32
      %dma_wait3A_66 = tpu.memref_slice %arg3[%add3A, %dma_wait3A_64, %dma_wait3A_65] : memref<32x125x40xi32, #tpu.memory_space<hbm>> -> memref<1x125x40xi32, #tpu.memory_space<hbm>>
      %dma_wait3A_67 = tpu.memref_squeeze %dma_wait3A_66 : memref<1x125x40xi32, #tpu.memory_space<hbm>> -> memref<125x40xi32, #tpu.memory_space<hbm>>
      tpu.wait_dma2 semaphore(%run_scoped3A : memref<!tpu.dma_semaphore, #tpu.memory_space<semaphore_mem>>) src(%dma_wait3A_67 : memref<125x40xi32, #tpu.memory_space<hbm>>) dst(%arg7 : memref<125x40xi32, #tpu.memory_space<vmem>>)
      tpu.yield
    }) : () -> ()
    "tpu.region"() ({
      %run_scoped3A = tpu.sem_alloc : memref<!tpu.dma_semaphore, #tpu.memory_space<semaphore_mem>>
      %dma_start3A_52 = arith.constant 0 : i32
      %dma_start3A_53 = arith.constant 0 : i32
      %dma_start3A_54 = tpu.memref_slice %arg4[%add3A, %dma_start3A_52, %dma_start3A_53] : memref<32x125x40xi32, #tpu.memory_space<hbm>> -> memref<1x125x40xi32, #tpu.memory_space<hbm>>
      %dma_start3A_55 = tpu.memref_squeeze %dma_start3A_54 : memref<1x125x40xi32, #tpu.memory_space<hbm>> -> memref<125x40xi32, #tpu.memory_space<hbm>>
      %dma_start3A_56 = arith.constant 0 : i32
      %dma_start3A_57 = arith.constant 0 : i32
      %dma_start3A_58 = tpu.memref_slice %arg4[%add3A, %dma_start3A_56, %dma_start3A_57] : memref<32x125x40xi32, #tpu.memory_space<hbm>> -> memref<1x125x40xi32, #tpu.memory_space<hbm>>
      %dma_start3A_59 = tpu.memref_squeeze %dma_start3A_58 : memref<1x125x40xi32, #tpu.memory_space<hbm>> -> memref<125x40xi32, #tpu.memory_space<hbm>>
      tpu.enqueue_dma source(%dma_start3A_59 : memref<125x40xi32, #tpu.memory_space<hbm>>) target(%arg8 : memref<125x40xi32, #tpu.memory_space<vmem>>) target_semaphore(%run_scoped3A : memref<!tpu.dma_semaphore, #tpu.memory_space<semaphore_mem>>)
      %dma_wait3A_60 = arith.constant 0 : i32
      %dma_wait3A_61 = arith.constant 0 : i32
      %dma_wait3A_62 = tpu.memref_slice %arg4[%add3A, %dma_wait3A_60, %dma_wait3A_61] : memref<32x125x40xi32, #tpu.memory_space<hbm>> -> memref<1x125x40xi32, #tpu.memory_space<hbm>>
      %dma_wait3A_63 = tpu.memref_squeeze %dma_wait3A_62 : memref<1x125x40xi32, #tpu.memory_space<hbm>> -> memref<125x40xi32, #tpu.memory_space<hbm>>
      %dma_wait3A_64 = arith.constant 0 : i32
      %dma_wait3A_65 = arith.constant 0 : i32
      %dma_wait3A_66 = tpu.memref_slice %arg4[%add3A, %dma_wait3A_64, %dma_wait3A_65] : memref<32x125x40xi32, #tpu.memory_space<hbm>> -> memref<1x125x40xi32, #tpu.memory_space<hbm>>
      %dma_wait3A_67 = tpu.memref_squeeze %dma_wait3A_66 : memref<1x125x40xi32, #tpu.memory_space<hbm>> -> memref<125x40xi32, #tpu.memory_space<hbm>>
      tpu.wait_dma2 semaphore(%run_scoped3A : memref<!tpu.dma_semaphore, #tpu.memory_space<semaphore_mem>>) src(%dma_wait3A_67 : memref<125x40xi32, #tpu.memory_space<hbm>>) dst(%arg8 : memref<125x40xi32, #tpu.memory_space<vmem>>)
      tpu.yield
    }) : () -> ()
    %scan3A = arith.constant 0 : i32
    %scan3A_3 = arith.constant 62 : i32
    %scan3A_4 = arith.addi %scan3A, %scan3A_3 : i32
    %scan3A_5 = arith.constant 1 : i32
    scf.for %scan3A_52 = %scan3A to %scan3A_4 step %scan3A_5  : i32 {
      %mul3A_53 = arith.constant 2 : i32
      %mul3A_54 = arith.muli %mul3A_53, %scan3A_52 : i32
      %mul3A_55 = arith.constant 40 : i32
      %mul3A_56 = arith.muli %mul3A_54, %mul3A_55 : i32
      %add3A_57 = arith.addi %mul3A_2, %mul3A_56 : i32
      %add3A_58 = arith.constant 40 : i32
      %add3A_59 = arith.addi %add3A_57, %add3A_58 : i32
      %mul3A_60 = arith.constant 2 : i32
      %mul3A_61 = arith.muli %mul3A_60, %scan3A_52 : i32
      %dma_start3A_62 = arith.constant 0 : i32
      %dma_start3A_63 = tpu.memref_slice %arg7[%mul3A_61, %dma_start3A_62] : memref<125x40xi32, #tpu.memory_space<vmem>> -> memref<1x40xi32, #tpu.memory_space<vmem>>
      %dma_start3A_64 = tpu.memref_squeeze %dma_start3A_63 : memref<1x40xi32, #tpu.memory_space<vmem>> -> memref<40xi32, #tpu.memory_space<vmem>>
      %dma_start3A_65 = arith.constant 0 : i32
      %dma_start3A_66 = arith.constant 0 : i32
      %dma_start3A_67 = tpu.memref_slice %arg2[%dma_start3A_65, %dma_start3A_66] : memref<10000x128xf32, #tpu.memory_space<hbm>> -> memref<10000x128xf32, #tpu.memory_space<hbm>>
      tpu.enqueue_indirect_dma source(%dma_start3A_67 : memref<10000x128xf32, #tpu.memory_space<hbm>>) target(%arg9 : memref<40x128xf32, #tpu.memory_space<vmem>>) offsets(%dma_start3A_64 : memref<40xi32, #tpu.memory_space<vmem>>) semaphore(%arg13 : memref<!tpu.dma_semaphore, #tpu.memory_space<semaphore_mem>>)
      %mul3A_68 = arith.constant 2 : i32
      %mul3A_69 = arith.muli %mul3A_68, %scan3A_52 : i32
      %dma_start3A_70 = arith.constant 0 : i32
      %dma_start3A_71 = tpu.memref_slice %arg8[%mul3A_69, %dma_start3A_70] : memref<125x40xi32, #tpu.memory_space<vmem>> -> memref<1x40xi32, #tpu.memory_space<vmem>>
      %dma_start3A_72 = tpu.memref_squeeze %dma_start3A_71 : memref<1x40xi32, #tpu.memory_space<vmem>> -> memref<40xi32, #tpu.memory_space<vmem>>
      %dma_start3A_73 = arith.constant 0 : i32
      %dma_start3A_74 = arith.constant 0 : i32
      %dma_start3A_75 = tpu.memref_slice %arg2[%dma_start3A_73, %dma_start3A_74] : memref<10000x128xf32, #tpu.memory_space<hbm>> -> memref<10000x128xf32, #tpu.memory_space<hbm>>
      tpu.enqueue_indirect_dma source(%dma_start3A_75 : memref<10000x128xf32, #tpu.memory_space<hbm>>) target(%arg10 : memref<40x128xf32, #tpu.memory_space<vmem>>) offsets(%dma_start3A_72 : memref<40xi32, #tpu.memory_space<vmem>>) semaphore(%arg13 : memref<!tpu.dma_semaphore, #tpu.memory_space<semaphore_mem>>)
      %gt3A = arith.constant 0 : i32
      %gt3A_76 = arith.cmpi sgt, %scan3A_52, %gt3A : i32
      %convert_element_type3A = arith.extui %gt3A_76 : i1 to i32
      %cond3A = arith.constant 0 : i32
      %cond3A_77 = arith.cmpi ne, %convert_element_type3A, %cond3A : i32
      scf.if %cond3A_77 {
        %sub3A_110 = arith.constant 40 : i32
        %sub3A_111 = arith.subi %add3A_57, %sub3A_110 : i32
        %dma_wait3A_112 = arith.constant 0 : i32
        %dma_wait3A_113 = arith.constant 0 : i32
        %dma_wait3A_114 = tpu.memref_slice %arg2[%dma_wait3A_112, %dma_wait3A_113] : memref<10000x128xf32, #tpu.memory_space<hbm>> -> memref<40x128xf32, #tpu.memory_space<hbm>>
        %dma_wait3A_115 = arith.constant 0 : i32
        %dma_wait3A_116 = arith.constant 0 : i32
        %dma_wait3A_117 = tpu.memref_slice %arg2[%dma_wait3A_115, %dma_wait3A_116] : memref<10000x128xf32, #tpu.memory_space<hbm>> -> memref<40x128xf32, #tpu.memory_space<hbm>>
        tpu.wait_dma2 semaphore(%arg14 : memref<!tpu.dma_semaphore, #tpu.memory_space<semaphore_mem>>) src(%dma_wait3A_117 : memref<40x128xf32, #tpu.memory_space<hbm>>) dst(%arg11 : memref<40x128xf32, #tpu.memory_space<vmem>>)
        %dma_wait3A_118 = arith.constant 0 : i32
        %dma_wait3A_119 = arith.constant 0 : i32
        %dma_wait3A_120 = tpu.memref_slice %arg2[%dma_wait3A_118, %dma_wait3A_119] : memref<10000x128xf32, #tpu.memory_space<hbm>> -> memref<40x128xf32, #tpu.memory_space<hbm>>
        %dma_wait3A_121 = arith.constant 0 : i32
        %dma_wait3A_122 = arith.constant 0 : i32
        %dma_wait3A_123 = tpu.memref_slice %arg2[%dma_wait3A_121, %dma_wait3A_122] : memref<10000x128xf32, #tpu.memory_space<hbm>> -> memref<40x128xf32, #tpu.memory_space<hbm>>
        tpu.wait_dma2 semaphore(%arg14 : memref<!tpu.dma_semaphore, #tpu.memory_space<semaphore_mem>>) src(%dma_wait3A_123 : memref<40x128xf32, #tpu.memory_space<hbm>>) dst(%arg12 : memref<40x128xf32, #tpu.memory_space<vmem>>)
        "tpu.region"() ({
          %run_scoped3A = tpu.sem_alloc : memref<!tpu.dma_semaphore, #tpu.memory_space<semaphore_mem>>
          %dma_start3A_124 = arith.constant 0 : i32
          %dma_start3A_125 = tpu.memref_slice %arg5[%sub3A_111, %dma_start3A_124] : memref<160000x128xf32, #tpu.memory_space<hbm>> -> memref<40x128xf32, #tpu.memory_space<hbm>>
          %dma_start3A_126 = arith.constant 0 : i32
          %dma_start3A_127 = tpu.memref_slice %arg5[%sub3A_111, %dma_start3A_126] : memref<160000x128xf32, #tpu.memory_space<hbm>> -> memref<40x128xf32, #tpu.memory_space<hbm>>
          tpu.enqueue_dma source(%arg11 : memref<40x128xf32, #tpu.memory_space<vmem>>) target(%dma_start3A_127 : memref<40x128xf32, #tpu.memory_space<hbm>>) target_semaphore(%run_scoped3A : memref<!tpu.dma_semaphore, #tpu.memory_space<semaphore_mem>>)
          %dma_wait3A_128 = arith.constant 0 : i32
          %dma_wait3A_129 = tpu.memref_slice %arg5[%sub3A_111, %dma_wait3A_128] : memref<160000x128xf32, #tpu.memory_space<hbm>> -> memref<40x128xf32, #tpu.memory_space<hbm>>
          %dma_wait3A_130 = arith.constant 0 : i32
          %dma_wait3A_131 = tpu.memref_slice %arg5[%sub3A_111, %dma_wait3A_130] : memref<160000x128xf32, #tpu.memory_space<hbm>> -> memref<40x128xf32, #tpu.memory_space<hbm>>
          tpu.wait_dma2 semaphore(%run_scoped3A : memref<!tpu.dma_semaphore, #tpu.memory_space<semaphore_mem>>) src(%arg11 : memref<40x128xf32, #tpu.memory_space<vmem>>) dst(%dma_wait3A_131 : memref<40x128xf32, #tpu.memory_space<hbm>>)
          tpu.yield
        }) : () -> ()
        "tpu.region"() ({
          %run_scoped3A = tpu.sem_alloc : memref<!tpu.dma_semaphore, #tpu.memory_space<semaphore_mem>>
          %dma_start3A_124 = arith.constant 0 : i32
          %dma_start3A_125 = tpu.memref_slice %arg6[%sub3A_111, %dma_start3A_124] : memref<160000x128xf32, #tpu.memory_space<hbm>> -> memref<40x128xf32, #tpu.memory_space<hbm>>
          %dma_start3A_126 = arith.constant 0 : i32
          %dma_start3A_127 = tpu.memref_slice %arg6[%sub3A_111, %dma_start3A_126] : memref<160000x128xf32, #tpu.memory_space<hbm>> -> memref<40x128xf32, #tpu.memory_space<hbm>>
          tpu.enqueue_dma source(%arg12 : memref<40x128xf32, #tpu.memory_space<vmem>>) target(%dma_start3A_127 : memref<40x128xf32, #tpu.memory_space<hbm>>) target_semaphore(%run_scoped3A : memref<!tpu.dma_semaphore, #tpu.memory_space<semaphore_mem>>)
          %dma_wait3A_128 = arith.constant 0 : i32
          %dma_wait3A_129 = tpu.memref_slice %arg6[%sub3A_111, %dma_wait3A_128] : memref<160000x128xf32, #tpu.memory_space<hbm>> -> memref<40x128xf32, #tpu.memory_space<hbm>>
          %dma_wait3A_130 = arith.constant 0 : i32
          %dma_wait3A_131 = tpu.memref_slice %arg6[%sub3A_111, %dma_wait3A_130] : memref<160000x128xf32, #tpu.memory_space<hbm>> -> memref<40x128xf32, #tpu.memory_space<hbm>>
          tpu.wait_dma2 semaphore(%run_scoped3A : memref<!tpu.dma_semaphore, #tpu.memory_space<semaphore_mem>>) src(%arg12 : memref<40x128xf32, #tpu.memory_space<vmem>>) dst(%dma_wait3A_131 : memref<40x128xf32, #tpu.memory_space<hbm>>)
          tpu.yield
        }) : () -> ()
      } else {
      }
      %mul3A_78 = arith.constant 2 : i32
      %mul3A_79 = arith.muli %mul3A_78, %scan3A_52 : i32
      %add3A_80 = arith.constant 1 : i32
      %add3A_81 = arith.addi %mul3A_79, %add3A_80 : i32
      %dma_start3A_82 = arith.constant 0 : i32
      %dma_start3A_83 = tpu.memref_slice %arg7[%add3A_81, %dma_start3A_82] : memref<125x40xi32, #tpu.memory_space<vmem>> -> memref<1x40xi32, #tpu.memory_space<vmem>>
      %dma_start3A_84 = tpu.memref_squeeze %dma_start3A_83 : memref<1x40xi32, #tpu.memory_space<vmem>> -> memref<40xi32, #tpu.memory_space<vmem>>
      %dma_start3A_85 = arith.constant 0 : i32
      %dma_start3A_86 = arith.constant 0 : i32
      %dma_start3A_87 = tpu.memref_slice %arg2[%dma_start3A_85, %dma_start3A_86] : memref<10000x128xf32, #tpu.memory_space<hbm>> -> memref<10000x128xf32, #tpu.memory_space<hbm>>
      tpu.enqueue_indirect_dma source(%dma_start3A_87 : memref<10000x128xf32, #tpu.memory_space<hbm>>) target(%arg11 : memref<40x128xf32, #tpu.memory_space<vmem>>) offsets(%dma_start3A_84 : memref<40xi32, #tpu.memory_space<vmem>>) semaphore(%arg14 : memref<!tpu.dma_semaphore, #tpu.memory_space<semaphore_mem>>)
      %mul3A_88 = arith.constant 2 : i32
      %mul3A_89 = arith.muli %mul3A_88, %scan3A_52 : i32
      %add3A_90 = arith.constant 1 : i32
      %add3A_91 = arith.addi %mul3A_89, %add3A_90 : i32
      %dma_start3A_92 = arith.constant 0 : i32
      %dma_start3A_93 = tpu.memref_slice %arg8[%add3A_91, %dma_start3A_92] : memref<125x40xi32, #tpu.memory_space<vmem>> -> memref<1x40xi32, #tpu.memory_space<vmem>>
      %dma_start3A_94 = tpu.memref_squeeze %dma_start3A_93 : memref<1x40xi32, #tpu.memory_space<vmem>> -> memref<40xi32, #tpu.memory_space<vmem>>
      %dma_start3A_95 = arith.constant 0 : i32
      %dma_start3A_96 = arith.constant 0 : i32
      %dma_start3A_97 = tpu.memref_slice %arg2[%dma_start3A_95, %dma_start3A_96] : memref<10000x128xf32, #tpu.memory_space<hbm>> -> memref<10000x128xf32, #tpu.memory_space<hbm>>
      tpu.enqueue_indirect_dma source(%dma_start3A_97 : memref<10000x128xf32, #tpu.memory_space<hbm>>) target(%arg12 : memref<40x128xf32, #tpu.memory_space<vmem>>) offsets(%dma_start3A_94 : memref<40xi32, #tpu.memory_space<vmem>>) semaphore(%arg14 : memref<!tpu.dma_semaphore, #tpu.memory_space<semaphore_mem>>)
      %dma_wait3A_98 = arith.constant 0 : i32
      %dma_wait3A_99 = tpu.memref_slice %arg7[%mul3A_61, %dma_wait3A_98] : memref<125x40xi32, #tpu.memory_space<vmem>> -> memref<1x40xi32, #tpu.memory_space<vmem>>
      %dma_wait3A_100 = tpu.memref_squeeze %dma_wait3A_99 : memref<1x40xi32, #tpu.memory_space<vmem>> -> memref<40xi32, #tpu.memory_space<vmem>>
      %dma_wait3A_101 = arith.constant 0 : i32
      %dma_wait3A_102 = arith.constant 0 : i32
      %dma_wait3A_103 = tpu.memref_slice %arg2[%dma_wait3A_101, %dma_wait3A_102] : memref<10000x128xf32, #tpu.memory_space<hbm>> -> memref<10000x128xf32, #tpu.memory_space<hbm>>
      tpu.wait_indirect_dma semaphore(%arg13 : memref<!tpu.dma_semaphore, #tpu.memory_space<semaphore_mem>>) src(%dma_wait3A_103 : memref<10000x128xf32, #tpu.memory_space<hbm>>) dst(%arg9 : memref<40x128xf32, #tpu.memory_space<vmem>>)
      %dma_wait3A_104 = arith.constant 0 : i32
      %dma_wait3A_105 = tpu.memref_slice %arg8[%mul3A_69, %dma_wait3A_104] : memref<125x40xi32, #tpu.memory_space<vmem>> -> memref<1x40xi32, #tpu.memory_space<vmem>>
      %dma_wait3A_106 = tpu.memref_squeeze %dma_wait3A_105 : memref<1x40xi32, #tpu.memory_space<vmem>> -> memref<40xi32, #tpu.memory_space<vmem>>
      %dma_wait3A_107 = arith.constant 0 : i32
      %dma_wait3A_108 = arith.constant 0 : i32
      %dma_wait3A_109 = tpu.memref_slice %arg2[%dma_wait3A_107, %dma_wait3A_108] : memref<10000x128xf32, #tpu.memory_space<hbm>> -> memref<10000x128xf32, #tpu.memory_space<hbm>>
      tpu.wait_indirect_dma semaphore(%arg13 : memref<!tpu.dma_semaphore, #tpu.memory_space<semaphore_mem>>) src(%dma_wait3A_109 : memref<10000x128xf32, #tpu.memory_space<hbm>>) dst(%arg10 : memref<40x128xf32, #tpu.memory_space<vmem>>)
      "tpu.region"() ({
        %run_scoped3A = tpu.sem_alloc : memref<!tpu.dma_semaphore, #tpu.memory_space<semaphore_mem>>
        %dma_start3A_110 = arith.constant 0 : i32
        %dma_start3A_111 = tpu.memref_slice %arg5[%add3A_57, %dma_start3A_110] : memref<160000x128xf32, #tpu.memory_space<hbm>> -> memref<40x128xf32, #tpu.memory_space<hbm>>
        %dma_start3A_112 = arith.constant 0 : i32
        %dma_start3A_113 = tpu.memref_slice %arg5[%add3A_57, %dma_start3A_112] : memref<160000x128xf32, #tpu.memory_space<hbm>> -> memref<40x128xf32, #tpu.memory_space<hbm>>
        tpu.enqueue_dma source(%arg9 : memref<40x128xf32, #tpu.memory_space<vmem>>) target(%dma_start3A_113 : memref<40x128xf32, #tpu.memory_space<hbm>>) target_semaphore(%run_scoped3A : memref<!tpu.dma_semaphore, #tpu.memory_space<semaphore_mem>>)
        %dma_wait3A_114 = arith.constant 0 : i32
        %dma_wait3A_115 = tpu.memref_slice %arg5[%add3A_57, %dma_wait3A_114] : memref<160000x128xf32, #tpu.memory_space<hbm>> -> memref<40x128xf32, #tpu.memory_space<hbm>>
        %dma_wait3A_116 = arith.constant 0 : i32
        %dma_wait3A_117 = tpu.memref_slice %arg5[%add3A_57, %dma_wait3A_116] : memref<160000x128xf32, #tpu.memory_space<hbm>> -> memref<40x128xf32, #tpu.memory_space<hbm>>
        tpu.wait_dma2 semaphore(%run_scoped3A : memref<!tpu.dma_semaphore, #tpu.memory_space<semaphore_mem>>) src(%arg9 : memref<40x128xf32, #tpu.memory_space<vmem>>) dst(%dma_wait3A_117 : memref<40x128xf32, #tpu.memory_space<hbm>>)
        tpu.yield
      }) : () -> ()
      "tpu.region"() ({
        %run_scoped3A = tpu.sem_alloc : memref<!tpu.dma_semaphore, #tpu.memory_space<semaphore_mem>>
        %dma_start3A_110 = arith.constant 0 : i32
        %dma_start3A_111 = tpu.memref_slice %arg6[%add3A_57, %dma_start3A_110] : memref<160000x128xf32, #tpu.memory_space<hbm>> -> memref<40x128xf32, #tpu.memory_space<hbm>>
        %dma_start3A_112 = arith.constant 0 : i32
        %dma_start3A_113 = tpu.memref_slice %arg6[%add3A_57, %dma_start3A_112] : memref<160000x128xf32, #tpu.memory_space<hbm>> -> memref<40x128xf32, #tpu.memory_space<hbm>>
        tpu.enqueue_dma source(%arg10 : memref<40x128xf32, #tpu.memory_space<vmem>>) target(%dma_start3A_113 : memref<40x128xf32, #tpu.memory_space<hbm>>) target_semaphore(%run_scoped3A : memref<!tpu.dma_semaphore, #tpu.memory_space<semaphore_mem>>)
        %dma_wait3A_114 = arith.constant 0 : i32
        %dma_wait3A_115 = tpu.memref_slice %arg6[%add3A_57, %dma_wait3A_114] : memref<160000x128xf32, #tpu.memory_space<hbm>> -> memref<40x128xf32, #tpu.memory_space<hbm>>
        %dma_wait3A_116 = arith.constant 0 : i32
        %dma_wait3A_117 = tpu.memref_slice %arg6[%add3A_57, %dma_wait3A_116] : memref<160000x128xf32, #tpu.memory_space<hbm>> -> memref<40x128xf32, #tpu.memory_space<hbm>>
        tpu.wait_dma2 semaphore(%run_scoped3A : memref<!tpu.dma_semaphore, #tpu.memory_space<semaphore_mem>>) src(%arg10 : memref<40x128xf32, #tpu.memory_space<vmem>>) dst(%dma_wait3A_117 : memref<40x128xf32, #tpu.memory_space<hbm>>)
        tpu.yield
      }) : () -> ()
    }
    %scan3A_6 = arith.constant 62 : i32
    %add3A_7 = arith.constant 5000 : i32
    %add3A_8 = arith.addi %mul3A_2, %add3A_7 : i32
    %sub3A = arith.constant 40 : i32
    %sub3A_9 = arith.subi %add3A_8, %sub3A : i32
    %dma_start3A = arith.constant 124 : i32
    %dma_start3A_10 = arith.constant 0 : i32
    %dma_start3A_11 = tpu.memref_slice %arg7[%dma_start3A, %dma_start3A_10] : memref<125x40xi32, #tpu.memory_space<vmem>> -> memref<1x40xi32, #tpu.memory_space<vmem>>
    %dma_start3A_12 = tpu.memref_squeeze %dma_start3A_11 : memref<1x40xi32, #tpu.memory_space<vmem>> -> memref<40xi32, #tpu.memory_space<vmem>>
    %dma_start3A_13 = arith.constant 0 : i32
    %dma_start3A_14 = arith.constant 0 : i32
    %dma_start3A_15 = tpu.memref_slice %arg2[%dma_start3A_13, %dma_start3A_14] : memref<10000x128xf32, #tpu.memory_space<hbm>> -> memref<10000x128xf32, #tpu.memory_space<hbm>>
    tpu.enqueue_indirect_dma source(%dma_start3A_15 : memref<10000x128xf32, #tpu.memory_space<hbm>>) target(%arg9 : memref<40x128xf32, #tpu.memory_space<vmem>>) offsets(%dma_start3A_12 : memref<40xi32, #tpu.memory_space<vmem>>) semaphore(%arg13 : memref<!tpu.dma_semaphore, #tpu.memory_space<semaphore_mem>>)
    %dma_start3A_16 = arith.constant 124 : i32
    %dma_start3A_17 = arith.constant 0 : i32
    %dma_start3A_18 = tpu.memref_slice %arg8[%dma_start3A_16, %dma_start3A_17] : memref<125x40xi32, #tpu.memory_space<vmem>> -> memref<1x40xi32, #tpu.memory_space<vmem>>
    %dma_start3A_19 = tpu.memref_squeeze %dma_start3A_18 : memref<1x40xi32, #tpu.memory_space<vmem>> -> memref<40xi32, #tpu.memory_space<vmem>>
    %dma_start3A_20 = arith.constant 0 : i32
    %dma_start3A_21 = arith.constant 0 : i32
    %dma_start3A_22 = tpu.memref_slice %arg2[%dma_start3A_20, %dma_start3A_21] : memref<10000x128xf32, #tpu.memory_space<hbm>> -> memref<10000x128xf32, #tpu.memory_space<hbm>>
    tpu.enqueue_indirect_dma source(%dma_start3A_22 : memref<10000x128xf32, #tpu.memory_space<hbm>>) target(%arg10 : memref<40x128xf32, #tpu.memory_space<vmem>>) offsets(%dma_start3A_19 : memref<40xi32, #tpu.memory_space<vmem>>) semaphore(%arg13 : memref<!tpu.dma_semaphore, #tpu.memory_space<semaphore_mem>>)
    %dma_wait3A = arith.constant 0 : i32
    %dma_wait3A_23 = arith.constant 0 : i32
    %dma_wait3A_24 = tpu.memref_slice %arg2[%dma_wait3A, %dma_wait3A_23] : memref<10000x128xf32, #tpu.memory_space<hbm>> -> memref<40x128xf32, #tpu.memory_space<hbm>>
    %dma_wait3A_25 = arith.constant 0 : i32
    %dma_wait3A_26 = arith.constant 0 : i32
    %dma_wait3A_27 = tpu.memref_slice %arg2[%dma_wait3A_25, %dma_wait3A_26] : memref<10000x128xf32, #tpu.memory_space<hbm>> -> memref<40x128xf32, #tpu.memory_space<hbm>>
    tpu.wait_dma2 semaphore(%arg14 : memref<!tpu.dma_semaphore, #tpu.memory_space<semaphore_mem>>) src(%dma_wait3A_27 : memref<40x128xf32, #tpu.memory_space<hbm>>) dst(%arg11 : memref<40x128xf32, #tpu.memory_space<vmem>>)
    %dma_wait3A_28 = arith.constant 0 : i32
    %dma_wait3A_29 = arith.constant 0 : i32
    %dma_wait3A_30 = tpu.memref_slice %arg2[%dma_wait3A_28, %dma_wait3A_29] : memref<10000x128xf32, #tpu.memory_space<hbm>> -> memref<40x128xf32, #tpu.memory_space<hbm>>
    %dma_wait3A_31 = arith.constant 0 : i32
    %dma_wait3A_32 = arith.constant 0 : i32
    %dma_wait3A_33 = tpu.memref_slice %arg2[%dma_wait3A_31, %dma_wait3A_32] : memref<10000x128xf32, #tpu.memory_space<hbm>> -> memref<40x128xf32, #tpu.memory_space<hbm>>
    tpu.wait_dma2 semaphore(%arg14 : memref<!tpu.dma_semaphore, #tpu.memory_space<semaphore_mem>>) src(%dma_wait3A_33 : memref<40x128xf32, #tpu.memory_space<hbm>>) dst(%arg12 : memref<40x128xf32, #tpu.memory_space<vmem>>)
    %sub3A_34 = arith.constant 40 : i32
    %sub3A_35 = arith.subi %sub3A_9, %sub3A_34 : i32
    "tpu.region"() ({
      %run_scoped3A = tpu.sem_alloc : memref<!tpu.dma_semaphore, #tpu.memory_space<semaphore_mem>>
      %dma_start3A_52 = arith.constant 0 : i32
      %dma_start3A_53 = tpu.memref_slice %arg5[%sub3A_35, %dma_start3A_52] : memref<160000x128xf32, #tpu.memory_space<hbm>> -> memref<40x128xf32, #tpu.memory_space<hbm>>
      %dma_start3A_54 = arith.constant 0 : i32
      %dma_start3A_55 = tpu.memref_slice %arg5[%sub3A_35, %dma_start3A_54] : memref<160000x128xf32, #tpu.memory_space<hbm>> -> memref<40x128xf32, #tpu.memory_space<hbm>>
      tpu.enqueue_dma source(%arg11 : memref<40x128xf32, #tpu.memory_space<vmem>>) target(%dma_start3A_55 : memref<40x128xf32, #tpu.memory_space<hbm>>) target_semaphore(%run_scoped3A : memref<!tpu.dma_semaphore, #tpu.memory_space<semaphore_mem>>)
      %dma_wait3A_56 = arith.constant 0 : i32
      %dma_wait3A_57 = tpu.memref_slice %arg5[%sub3A_35, %dma_wait3A_56] : memref<160000x128xf32, #tpu.memory_space<hbm>> -> memref<40x128xf32, #tpu.memory_space<hbm>>
      %dma_wait3A_58 = arith.constant 0 : i32
      %dma_wait3A_59 = tpu.memref_slice %arg5[%sub3A_35, %dma_wait3A_58] : memref<160000x128xf32, #tpu.memory_space<hbm>> -> memref<40x128xf32, #tpu.memory_space<hbm>>
      tpu.wait_dma2 semaphore(%run_scoped3A : memref<!tpu.dma_semaphore, #tpu.memory_space<semaphore_mem>>) src(%arg11 : memref<40x128xf32, #tpu.memory_space<vmem>>) dst(%dma_wait3A_59 : memref<40x128xf32, #tpu.memory_space<hbm>>)
      tpu.yield
    }) : () -> ()
    %sub3A_36 = arith.constant 40 : i32
    %sub3A_37 = arith.subi %sub3A_9, %sub3A_36 : i32
    "tpu.region"() ({
      %run_scoped3A = tpu.sem_alloc : memref<!tpu.dma_semaphore, #tpu.memory_space<semaphore_mem>>
      %dma_start3A_52 = arith.constant 0 : i32
      %dma_start3A_53 = tpu.memref_slice %arg6[%sub3A_37, %dma_start3A_52] : memref<160000x128xf32, #tpu.memory_space<hbm>> -> memref<40x128xf32, #tpu.memory_space<hbm>>
      %dma_start3A_54 = arith.constant 0 : i32
      %dma_start3A_55 = tpu.memref_slice %arg6[%sub3A_37, %dma_start3A_54] : memref<160000x128xf32, #tpu.memory_space<hbm>> -> memref<40x128xf32, #tpu.memory_space<hbm>>
      tpu.enqueue_dma source(%arg12 : memref<40x128xf32, #tpu.memory_space<vmem>>) target(%dma_start3A_55 : memref<40x128xf32, #tpu.memory_space<hbm>>) target_semaphore(%run_scoped3A : memref<!tpu.dma_semaphore, #tpu.memory_space<semaphore_mem>>)
      %dma_wait3A_56 = arith.constant 0 : i32
      %dma_wait3A_57 = tpu.memref_slice %arg6[%sub3A_37, %dma_wait3A_56] : memref<160000x128xf32, #tpu.memory_space<hbm>> -> memref<40x128xf32, #tpu.memory_space<hbm>>
      %dma_wait3A_58 = arith.constant 0 : i32
      %dma_wait3A_59 = tpu.memref_slice %arg6[%sub3A_37, %dma_wait3A_58] : memref<160000x128xf32, #tpu.memory_space<hbm>> -> memref<40x128xf32, #tpu.memory_space<hbm>>
      tpu.wait_dma2 semaphore(%run_scoped3A : memref<!tpu.dma_semaphore, #tpu.memory_space<semaphore_mem>>) src(%arg12 : memref<40x128xf32, #tpu.memory_space<vmem>>) dst(%dma_wait3A_59 : memref<40x128xf32, #tpu.memory_space<hbm>>)
      tpu.yield
    }) : () -> ()
    %dma_wait3A_38 = arith.constant 124 : i32
    %dma_wait3A_39 = arith.constant 0 : i32
    %dma_wait3A_40 = tpu.memref_slice %arg7[%dma_wait3A_38, %dma_wait3A_39] : memref<125x40xi32, #tpu.memory_space<vmem>> -> memref<1x40xi32, #tpu.memory_space<vmem>>
    %dma_wait3A_41 = tpu.memref_squeeze %dma_wait3A_40 : memref<1x40xi32, #tpu.memory_space<vmem>> -> memref<40xi32, #tpu.memory_space<vmem>>
    %dma_wait3A_42 = arith.constant 0 : i32
    %dma_wait3A_43 = arith.constant 0 : i32
    %dma_wait3A_44 = tpu.memref_slice %arg2[%dma_wait3A_42, %dma_wait3A_43] : memref<10000x128xf32, #tpu.memory_space<hbm>> -> memref<10000x128xf32, #tpu.memory_space<hbm>>
    tpu.wait_indirect_dma semaphore(%arg13 : memref<!tpu.dma_semaphore, #tpu.memory_space<semaphore_mem>>) src(%dma_wait3A_44 : memref<10000x128xf32, #tpu.memory_space<hbm>>) dst(%arg9 : memref<40x128xf32, #tpu.memory_space<vmem>>)
    %dma_wait3A_45 = arith.constant 124 : i32
    %dma_wait3A_46 = arith.constant 0 : i32
    %dma_wait3A_47 = tpu.memref_slice %arg8[%dma_wait3A_45, %dma_wait3A_46] : memref<125x40xi32, #tpu.memory_space<vmem>> -> memref<1x40xi32, #tpu.memory_space<vmem>>
    %dma_wait3A_48 = tpu.memref_squeeze %dma_wait3A_47 : memref<1x40xi32, #tpu.memory_space<vmem>> -> memref<40xi32, #tpu.memory_space<vmem>>
    %dma_wait3A_49 = arith.constant 0 : i32
    %dma_wait3A_50 = arith.constant 0 : i32
    %dma_wait3A_51 = tpu.memref_slice %arg2[%dma_wait3A_49, %dma_wait3A_50] : memref<10000x128xf32, #tpu.memory_space<hbm>> -> memref<10000x128xf32, #tpu.memory_space<hbm>>
    tpu.wait_indirect_dma semaphore(%arg13 : memref<!tpu.dma_semaphore, #tpu.memory_space<semaphore_mem>>) src(%dma_wait3A_51 : memref<10000x128xf32, #tpu.memory_space<hbm>>) dst(%arg10 : memref<40x128xf32, #tpu.memory_space<vmem>>)
    "tpu.region"() ({
      %run_scoped3A = tpu.sem_alloc : memref<!tpu.dma_semaphore, #tpu.memory_space<semaphore_mem>>
      %dma_start3A_52 = arith.constant 0 : i32
      %dma_start3A_53 = tpu.memref_slice %arg5[%sub3A_9, %dma_start3A_52] : memref<160000x128xf32, #tpu.memory_space<hbm>> -> memref<40x128xf32, #tpu.memory_space<hbm>>
      %dma_start3A_54 = arith.constant 0 : i32
      %dma_start3A_55 = tpu.memref_slice %arg5[%sub3A_9, %dma_start3A_54] : memref<160000x128xf32, #tpu.memory_space<hbm>> -> memref<40x128xf32, #tpu.memory_space<hbm>>
      tpu.enqueue_dma source(%arg9 : memref<40x128xf32, #tpu.memory_space<vmem>>) target(%dma_start3A_55 : memref<40x128xf32, #tpu.memory_space<hbm>>) target_semaphore(%run_scoped3A : memref<!tpu.dma_semaphore, #tpu.memory_space<semaphore_mem>>)
      %dma_wait3A_56 = arith.constant 0 : i32
      %dma_wait3A_57 = tpu.memref_slice %arg5[%sub3A_9, %dma_wait3A_56] : memref<160000x128xf32, #tpu.memory_space<hbm>> -> memref<40x128xf32, #tpu.memory_space<hbm>>
      %dma_wait3A_58 = arith.constant 0 : i32
      %dma_wait3A_59 = tpu.memref_slice %arg5[%sub3A_9, %dma_wait3A_58] : memref<160000x128xf32, #tpu.memory_space<hbm>> -> memref<40x128xf32, #tpu.memory_space<hbm>>
      tpu.wait_dma2 semaphore(%run_scoped3A : memref<!tpu.dma_semaphore, #tpu.memory_space<semaphore_mem>>) src(%arg9 : memref<40x128xf32, #tpu.memory_space<vmem>>) dst(%dma_wait3A_59 : memref<40x128xf32, #tpu.memory_space<hbm>>)
      tpu.yield
    }) : () -> ()
    "tpu.region"() ({
      %run_scoped3A = tpu.sem_alloc : memref<!tpu.dma_semaphore, #tpu.memory_space<semaphore_mem>>
      %dma_start3A_52 = arith.constant 0 : i32
      %dma_start3A_53 = tpu.memref_slice %arg6[%sub3A_9, %dma_start3A_52] : memref<160000x128xf32, #tpu.memory_space<hbm>> -> memref<40x128xf32, #tpu.memory_space<hbm>>
      %dma_start3A_54 = arith.constant 0 : i32
      %dma_start3A_55 = tpu.memref_slice %arg6[%sub3A_9, %dma_start3A_54] : memref<160000x128xf32, #tpu.memory_space<hbm>> -> memref<40x128xf32, #tpu.memory_space<hbm>>
      tpu.enqueue_dma source(%arg10 : memref<40x128xf32, #tpu.memory_space<vmem>>) target(%dma_start3A_55 : memref<40x128xf32, #tpu.memory_space<hbm>>) target_semaphore(%run_scoped3A : memref<!tpu.dma_semaphore, #tpu.memory_space<semaphore_mem>>)
      %dma_wait3A_56 = arith.constant 0 : i32
      %dma_wait3A_57 = tpu.memref_slice %arg6[%sub3A_9, %dma_wait3A_56] : memref<160000x128xf32, #tpu.memory_space<hbm>> -> memref<40x128xf32, #tpu.memory_space<hbm>>
      %dma_wait3A_58 = arith.constant 0 : i32
      %dma_wait3A_59 = tpu.memref_slice %arg6[%sub3A_9, %dma_wait3A_58] : memref<160000x128xf32, #tpu.memory_space<hbm>> -> memref<40x128xf32, #tpu.memory_space<hbm>>
      tpu.wait_dma2 semaphore(%run_scoped3A : memref<!tpu.dma_semaphore, #tpu.memory_space<semaphore_mem>>) src(%arg10 : memref<40x128xf32, #tpu.memory_space<vmem>>) dst(%dma_wait3A_59 : memref<40x128xf32, #tpu.memory_space<hbm>>)
      tpu.yield
    }) : () -> ()
    return
  }
}

#map = affine_map<(d0, d1) -> (0, 0)>
#map1 = affine_map<(d0, d1) -> (0, 0, 0)>
module attributes {stable_mosaic.version = 14 : i64} {
  func.func @k(%arg0: i32, %arg1: i32, %arg2: memref<10000x128xf32, #tpu.memory_space<hbm>>, %arg3: memref<32x125x40xi32, #tpu.memory_space<hbm>>, %arg4: memref<32x125x40xi32, #tpu.memory_space<hbm>>, %arg5: memref<160000x128xf32, #tpu.memory_space<hbm>>, %arg6: memref<160000x128xf32, #tpu.memory_space<hbm>>, %arg7: memref<125x40xi32, #tpu.memory_space<vmem>>, %arg8: memref<125x40xi32, #tpu.memory_space<vmem>>, %arg9: memref<40x128xf32, #tpu.memory_space<vmem>>, %arg10: memref<40x128xf32, #tpu.memory_space<vmem>>, %arg11: memref<40x128xf32, #tpu.memory_space<vmem>>, %arg12: memref<40x128xf32, #tpu.memory_space<vmem>>, %arg13: memref<!tpu.dma_semaphore, #tpu.memory_space<semaphore_mem>>, %arg14: memref<!tpu.dma_semaphore, #tpu.memory_space<semaphore_mem>>) attributes {dimension_semantics = [#tpu.dimension_semantics<core_parallel>, #tpu.dimension_semantics<subcore_parallel>], iteration_bounds = array<i64: 2, 16>, scalar_prefetch = 0 : i64, scratch_operands = 8 : i64, tpu.core_type = #tpu.core_type<sc_vector_subcore>, window_params = [{transform_indices = #map}, {transform_indices = #map1}, {transform_indices = #map1}, {transform_indices = #map}, {transform_indices = #map}]} {
    %mul3A = arith.constant 2 : i32
    %mul3A_0 = arith.muli %arg1, %mul3A : i32
    %add3A = arith.addi %mul3A_0, %arg0 : i32
    %mul3A_1 = arith.constant 5000 : i32
    %mul3A_2 = arith.muli %add3A, %mul3A_1 : i32
    "tpu.region"() ({
      %run_scoped3A = tpu.sem_alloc : memref<!tpu.dma_semaphore, #tpu.memory_space<semaphore_mem>>
      %dma_start3A_52 = arith.constant 0 : i32
      %dma_start3A_53 = arith.constant 0 : i32
      %dma_start3A_54 = tpu.memref_slice %arg3[%add3A, %dma_start3A_52, %dma_start3A_53] : memref<32x125x40xi32, #tpu.memory_space<hbm>> -> memref<1x125x40xi32, #tpu.memory_space<hbm>>
      %dma_start3A_55 = tpu.memref_squeeze %dma_start3A_54 : memref<1x125x40xi32, #tpu.memory_space<hbm>> -> memref<125x40xi32, #tpu.memory_space<hbm>>
      %dma_start3A_56 = arith.constant 0 : i32
      %dma_start3A_57 = arith.constant 0 : i32
      %dma_start3A_58 = tpu.memref_slice %arg3[%add3A, %dma_start3A_56, %dma_start3A_57] : memref<32x125x40xi32, #tpu.memory_space<hbm>> -> memref<1x125x40xi32, #tpu.memory_space<hbm>>
      %dma_start3A_59 = tpu.memref_squeeze %dma_start3A_58 : memref<1x125x40xi32, #tpu.memory_space<hbm>> -> memref<125x40xi32, #tpu.memory_space<hbm>>
      tpu.enqueue_dma source(%dma_start3A_59 : memref<125x40xi32, #tpu.memory_space<hbm>>) target(%arg7 : memref<125x40xi32, #tpu.memory_space<vmem>>) target_semaphore(%run_scoped3A : memref<!tpu.dma_semaphore, #tpu.memory_space<semaphore_mem>>)
      %dma_wait3A_60 = arith.constant 0 : i32
      %dma_wait3A_61 = arith.constant 0 : i32
      %dma_wait3A_62 = tpu.memref_slice %arg3[%add3A, %dma_wait3A_60, %dma_wait3A_61] : memref<32x125x40xi32, #tpu.memory_space<hbm>> -> memref<1x125x40xi32, #tpu.memory_space<hbm>>
      %dma_wait3A_63 = tpu.memref_squeeze %dma_wait3A_62 : memref<1x125x40xi32, #tpu.memory_space<hbm>> -> memref<125x40xi32, #tpu.memory_space<hbm>>
      %dma_wait3A_64 = arith.constant 0 : i32
      %dma_wait3A_65 = arith.constant 0 : i32
      %dma_wait3A_66 = tpu.memref_slice %arg3[%add3A, %dma_wait3A_64, %dma_wait3A_65] : memref<32x125x40xi32, #tpu.memory_space<hbm>> -> memref<1x125x40xi32, #tpu.memory_space<hbm>>
      %dma_wait3A_67 = tpu.memref_squeeze %dma_wait3A_66 : memref<1x125x40xi32, #tpu.memory_space<hbm>> -> memref<125x40xi32, #tpu.memory_space<hbm>>
      tpu.wait_dma2 semaphore(%run_scoped3A : memref<!tpu.dma_semaphore, #tpu.memory_space<semaphore_mem>>) src(%dma_wait3A_67 : memref<125x40xi32, #tpu.memory_space<hbm>>) dst(%arg7 : memref<125x40xi32, #tpu.memory_space<vmem>>)
      tpu.yield
    }) : () -> ()
    "tpu.region"() ({
      %run_scoped3A = tpu.sem_alloc : memref<!tpu.dma_semaphore, #tpu.memory_space<semaphore_mem>>
      %dma_start3A_52 = arith.constant 0 : i32
      %dma_start3A_53 = arith.constant 0 : i32
      %dma_start3A_54 = tpu.memref_slice %arg4[%add3A, %dma_start3A_52, %dma_start3A_53] : memref<32x125x40xi32, #tpu.memory_space<hbm>> -> memref<1x125x40xi32, #tpu.memory_space<hbm>>
      %dma_start3A_55 = tpu.memref_squeeze %dma_start3A_54 : memref<1x125x40xi32, #tpu.memory_space<hbm>> -> memref<125x40xi32, #tpu.memory_space<hbm>>
      %dma_start3A_56 = arith.constant 0 : i32
      %dma_start3A_57 = arith.constant 0 : i32
      %dma_start3A_58 = tpu.memref_slice %arg4[%add3A, %dma_start3A_56, %dma_start3A_57] : memref<32x125x40xi32, #tpu.memory_space<hbm>> -> memref<1x125x40xi32, #tpu.memory_space<hbm>>
      %dma_start3A_59 = tpu.memref_squeeze %dma_start3A_58 : memref<1x125x40xi32, #tpu.memory_space<hbm>> -> memref<125x40xi32, #tpu.memory_space<hbm>>
      tpu.enqueue_dma source(%dma_start3A_59 : memref<125x40xi32, #tpu.memory_space<hbm>>) target(%arg8 : memref<125x40xi32, #tpu.memory_space<vmem>>) target_semaphore(%run_scoped3A : memref<!tpu.dma_semaphore, #tpu.memory_space<semaphore_mem>>)
      %dma_wait3A_60 = arith.constant 0 : i32
      %dma_wait3A_61 = arith.constant 0 : i32
      %dma_wait3A_62 = tpu.memref_slice %arg4[%add3A, %dma_wait3A_60, %dma_wait3A_61] : memref<32x125x40xi32, #tpu.memory_space<hbm>> -> memref<1x125x40xi32, #tpu.memory_space<hbm>>
      %dma_wait3A_63 = tpu.memref_squeeze %dma_wait3A_62 : memref<1x125x40xi32, #tpu.memory_space<hbm>> -> memref<125x40xi32, #tpu.memory_space<hbm>>
      %dma_wait3A_64 = arith.constant 0 : i32
      %dma_wait3A_65 = arith.constant 0 : i32
      %dma_wait3A_66 = tpu.memref_slice %arg4[%add3A, %dma_wait3A_64, %dma_wait3A_65] : memref<32x125x40xi32, #tpu.memory_space<hbm>> -> memref<1x125x40xi32, #tpu.memory_space<hbm>>
      %dma_wait3A_67 = tpu.memref_squeeze %dma_wait3A_66 : memref<1x125x40xi32, #tpu.memory_space<hbm>> -> memref<125x40xi32, #tpu.memory_space<hbm>>
      tpu.wait_dma2 semaphore(%run_scoped3A : memref<!tpu.dma_semaphore, #tpu.memory_space<semaphore_mem>>) src(%dma_wait3A_67 : memref<125x40xi32, #tpu.memory_space<hbm>>) dst(%arg8 : memref<125x40xi32, #tpu.memory_space<vmem>>)
      tpu.yield
    }) : () -> ()
    %scan3A = arith.constant 0 : i32
    %scan3A_3 = arith.constant 62 : i32
    %scan3A_4 = arith.addi %scan3A, %scan3A_3 : i32
    %scan3A_5 = arith.constant 1 : i32
    scf.for %scan3A_52 = %scan3A to %scan3A_4 step %scan3A_5  : i32 {
      %mul3A_53 = arith.constant 2 : i32
      %mul3A_54 = arith.muli %mul3A_53, %scan3A_52 : i32
      %mul3A_55 = arith.constant 40 : i32
      %mul3A_56 = arith.muli %mul3A_54, %mul3A_55 : i32
      %add3A_57 = arith.addi %mul3A_2, %mul3A_56 : i32
      %add3A_58 = arith.constant 40 : i32
      %add3A_59 = arith.addi %add3A_57, %add3A_58 : i32
      %mul3A_60 = arith.constant 2 : i32
      %mul3A_61 = arith.muli %mul3A_60, %scan3A_52 : i32
      %dma_start3A_62 = arith.constant 0 : i32
      %dma_start3A_63 = tpu.memref_slice %arg7[%mul3A_61, %dma_start3A_62] : memref<125x40xi32, #tpu.memory_space<vmem>> -> memref<1x40xi32, #tpu.memory_space<vmem>>
      %dma_start3A_64 = tpu.memref_squeeze %dma_start3A_63 : memref<1x40xi32, #tpu.memory_space<vmem>> -> memref<40xi32, #tpu.memory_space<vmem>>
      %dma_start3A_65 = arith.constant 0 : i32
      %dma_start3A_66 = arith.constant 0 : i32
      %dma_start3A_67 = tpu.memref_slice %arg2[%dma_start3A_65, %dma_start3A_66] : memref<10000x128xf32, #tpu.memory_space<hbm>> -> memref<10000x128xf32, #tpu.memory_space<hbm>>
      tpu.enqueue_indirect_dma source(%dma_start3A_67 : memref<10000x128xf32, #tpu.memory_space<hbm>>) target(%arg9 : memref<40x128xf32, #tpu.memory_space<vmem>>) offsets(%dma_start3A_64 : memref<40xi32, #tpu.memory_space<vmem>>) semaphore(%arg13 : memref<!tpu.dma_semaphore, #tpu.memory_space<semaphore_mem>>)
      %mul3A_68 = arith.constant 2 : i32
      %mul3A_69 = arith.muli %mul3A_68, %scan3A_52 : i32
      %dma_start3A_70 = arith.constant 0 : i32
      %dma_start3A_71 = tpu.memref_slice %arg8[%mul3A_69, %dma_start3A_70] : memref<125x40xi32, #tpu.memory_space<vmem>> -> memref<1x40xi32, #tpu.memory_space<vmem>>
      %dma_start3A_72 = tpu.memref_squeeze %dma_start3A_71 : memref<1x40xi32, #tpu.memory_space<vmem>> -> memref<40xi32, #tpu.memory_space<vmem>>
      %dma_start3A_73 = arith.constant 0 : i32
      %dma_start3A_74 = arith.constant 0 : i32
      %dma_start3A_75 = tpu.memref_slice %arg2[%dma_start3A_73, %dma_start3A_74] : memref<10000x128xf32, #tpu.memory_space<hbm>> -> memref<10000x128xf32, #tpu.memory_space<hbm>>
      tpu.enqueue_indirect_dma source(%dma_start3A_75 : memref<10000x128xf32, #tpu.memory_space<hbm>>) target(%arg10 : memref<40x128xf32, #tpu.memory_space<vmem>>) offsets(%dma_start3A_72 : memref<40xi32, #tpu.memory_space<vmem>>) semaphore(%arg13 : memref<!tpu.dma_semaphore, #tpu.memory_space<semaphore_mem>>)
      %gt3A = arith.constant 0 : i32
      %gt3A_76 = arith.cmpi sgt, %scan3A_52, %gt3A : i32
      %convert_element_type3A = arith.extui %gt3A_76 : i1 to i32
      %cond3A = arith.constant 0 : i32
      %cond3A_77 = arith.cmpi ne, %convert_element_type3A, %cond3A : i32
      scf.if %cond3A_77 {
        %sub3A_110 = arith.constant 40 : i32
        %sub3A_111 = arith.subi %add3A_57, %sub3A_110 : i32
        %dma_wait3A_112 = arith.constant 0 : i32
        %dma_wait3A_113 = arith.constant 0 : i32
        %dma_wait3A_114 = tpu.memref_slice %arg2[%dma_wait3A_112, %dma_wait3A_113] : memref<10000x128xf32, #tpu.memory_space<hbm>> -> memref<40x128xf32, #tpu.memory_space<hbm>>
        %dma_wait3A_115 = arith.constant 0 : i32
        %dma_wait3A_116 = arith.constant 0 : i32
        %dma_wait3A_117 = tpu.memref_slice %arg2[%dma_wait3A_115, %dma_wait3A_116] : memref<10000x128xf32, #tpu.memory_space<hbm>> -> memref<40x128xf32, #tpu.memory_space<hbm>>
        tpu.wait_dma2 semaphore(%arg14 : memref<!tpu.dma_semaphore, #tpu.memory_space<semaphore_mem>>) src(%dma_wait3A_117 : memref<40x128xf32, #tpu.memory_space<hbm>>) dst(%arg11 : memref<40x128xf32, #tpu.memory_space<vmem>>)
        %dma_wait3A_118 = arith.constant 0 : i32
        %dma_wait3A_119 = arith.constant 0 : i32
        %dma_wait3A_120 = tpu.memref_slice %arg2[%dma_wait3A_118, %dma_wait3A_119] : memref<10000x128xf32, #tpu.memory_space<hbm>> -> memref<40x128xf32, #tpu.memory_space<hbm>>
        %dma_wait3A_121 = arith.constant 0 : i32
        %dma_wait3A_122 = arith.constant 0 : i32
        %dma_wait3A_123 = tpu.memref_slice %arg2[%dma_wait3A_121, %dma_wait3A_122] : memref<10000x128xf32, #tpu.memory_space<hbm>> -> memref<40x128xf32, #tpu.memory_space<hbm>>
        tpu.wait_dma2 semaphore(%arg14 : memref<!tpu.dma_semaphore, #tpu.memory_space<semaphore_mem>>) src(%dma_wait3A_123 : memref<40x128xf32, #tpu.memory_space<hbm>>) dst(%arg12 : memref<40x128xf32, #tpu.memory_space<vmem>>)
        "tpu.region"() ({
          %run_scoped3A = tpu.sem_alloc : memref<!tpu.dma_semaphore, #tpu.memory_space<semaphore_mem>>
          %dma_start3A_124 = arith.constant 0 : i32
          %dma_start3A_125 = tpu.memref_slice %arg5[%sub3A_111, %dma_start3A_124] : memref<160000x128xf32, #tpu.memory_space<hbm>> -> memref<40x128xf32, #tpu.memory_space<hbm>>
          %dma_start3A_126 = arith.constant 0 : i32
          %dma_start3A_127 = tpu.memref_slice %arg5[%sub3A_111, %dma_start3A_126] : memref<160000x128xf32, #tpu.memory_space<hbm>> -> memref<40x128xf32, #tpu.memory_space<hbm>>
          tpu.enqueue_dma source(%arg11 : memref<40x128xf32, #tpu.memory_space<vmem>>) target(%dma_start3A_127 : memref<40x128xf32, #tpu.memory_space<hbm>>) target_semaphore(%run_scoped3A : memref<!tpu.dma_semaphore, #tpu.memory_space<semaphore_mem>>)
          %dma_wait3A_128 = arith.constant 0 : i32
          %dma_wait3A_129 = tpu.memref_slice %arg5[%sub3A_111, %dma_wait3A_128] : memref<160000x128xf32, #tpu.memory_space<hbm>> -> memref<40x128xf32, #tpu.memory_space<hbm>>
          %dma_wait3A_130 = arith.constant 0 : i32
          %dma_wait3A_131 = tpu.memref_slice %arg5[%sub3A_111, %dma_wait3A_130] : memref<160000x128xf32, #tpu.memory_space<hbm>> -> memref<40x128xf32, #tpu.memory_space<hbm>>
          tpu.wait_dma2 semaphore(%run_scoped3A : memref<!tpu.dma_semaphore, #tpu.memory_space<semaphore_mem>>) src(%arg11 : memref<40x128xf32, #tpu.memory_space<vmem>>) dst(%dma_wait3A_131 : memref<40x128xf32, #tpu.memory_space<hbm>>)
          tpu.yield
        }) : () -> ()
        "tpu.region"() ({
          %run_scoped3A = tpu.sem_alloc : memref<!tpu.dma_semaphore, #tpu.memory_space<semaphore_mem>>
          %dma_start3A_124 = arith.constant 0 : i32
          %dma_start3A_125 = tpu.memref_slice %arg6[%sub3A_111, %dma_start3A_124] : memref<160000x128xf32, #tpu.memory_space<hbm>> -> memref<40x128xf32, #tpu.memory_space<hbm>>
          %dma_start3A_126 = arith.constant 0 : i32
          %dma_start3A_127 = tpu.memref_slice %arg6[%sub3A_111, %dma_start3A_126] : memref<160000x128xf32, #tpu.memory_space<hbm>> -> memref<40x128xf32, #tpu.memory_space<hbm>>
          tpu.enqueue_dma source(%arg12 : memref<40x128xf32, #tpu.memory_space<vmem>>) target(%dma_start3A_127 : memref<40x128xf32, #tpu.memory_space<hbm>>) target_semaphore(%run_scoped3A : memref<!tpu.dma_semaphore, #tpu.memory_space<semaphore_mem>>)
          %dma_wait3A_128 = arith.constant 0 : i32
          %dma_wait3A_129 = tpu.memref_slice %arg6[%sub3A_111, %dma_wait3A_128] : memref<160000x128xf32, #tpu.memory_space<hbm>> -> memref<40x128xf32, #tpu.memory_space<hbm>>
          %dma_wait3A_130 = arith.constant 0 : i32
          %dma_wait3A_131 = tpu.memref_slice %arg6[%sub3A_111, %dma_wait3A_130] : memref<160000x128xf32, #tpu.memory_space<hbm>> -> memref<40x128xf32, #tpu.memory_space<hbm>>
          tpu.wait_dma2 semaphore(%run_scoped3A : memref<!tpu.dma_semaphore, #tpu.memory_space<semaphore_mem>>) src(%arg12 : memref<40x128xf32, #tpu.memory_space<vmem>>) dst(%dma_wait3A_131 : memref<40x128xf32, #tpu.memory_space<hbm>>)
          tpu.yield
        }) : () -> ()
      } else {
      }
      %mul3A_78 = arith.constant 2 : i32
      %mul3A_79 = arith.muli %mul3A_78, %scan3A_52 : i32
      %add3A_80 = arith.constant 1 : i32
      %add3A_81 = arith.addi %mul3A_79, %add3A_80 : i32
      %dma_start3A_82 = arith.constant 0 : i32
      %dma_start3A_83 = tpu.memref_slice %arg7[%add3A_81, %dma_start3A_82] : memref<125x40xi32, #tpu.memory_space<vmem>> -> memref<1x40xi32, #tpu.memory_space<vmem>>
      %dma_start3A_84 = tpu.memref_squeeze %dma_start3A_83 : memref<1x40xi32, #tpu.memory_space<vmem>> -> memref<40xi32, #tpu.memory_space<vmem>>
      %dma_start3A_85 = arith.constant 0 : i32
      %dma_start3A_86 = arith.constant 0 : i32
      %dma_start3A_87 = tpu.memref_slice %arg2[%dma_start3A_85, %dma_start3A_86] : memref<10000x128xf32, #tpu.memory_space<hbm>> -> memref<10000x128xf32, #tpu.memory_space<hbm>>
      tpu.enqueue_indirect_dma source(%dma_start3A_87 : memref<10000x128xf32, #tpu.memory_space<hbm>>) target(%arg11 : memref<40x128xf32, #tpu.memory_space<vmem>>) offsets(%dma_start3A_84 : memref<40xi32, #tpu.memory_space<vmem>>) semaphore(%arg14 : memref<!tpu.dma_semaphore, #tpu.memory_space<semaphore_mem>>)
      %mul3A_88 = arith.constant 2 : i32
      %mul3A_89 = arith.muli %mul3A_88, %scan3A_52 : i32
      %add3A_90 = arith.constant 1 : i32
      %add3A_91 = arith.addi %mul3A_89, %add3A_90 : i32
      %dma_start3A_92 = arith.constant 0 : i32
      %dma_start3A_93 = tpu.memref_slice %arg8[%add3A_91, %dma_start3A_92] : memref<125x40xi32, #tpu.memory_space<vmem>> -> memref<1x40xi32, #tpu.memory_space<vmem>>
      %dma_start3A_94 = tpu.memref_squeeze %dma_start3A_93 : memref<1x40xi32, #tpu.memory_space<vmem>> -> memref<40xi32, #tpu.memory_space<vmem>>
      %dma_start3A_95 = arith.constant 0 : i32
      %dma_start3A_96 = arith.constant 0 : i32
      %dma_start3A_97 = tpu.memref_slice %arg2[%dma_start3A_95, %dma_start3A_96] : memref<10000x128xf32, #tpu.memory_space<hbm>> -> memref<10000x128xf32, #tpu.memory_space<hbm>>
      tpu.enqueue_indirect_dma source(%dma_start3A_97 : memref<10000x128xf32, #tpu.memory_space<hbm>>) target(%arg12 : memref<40x128xf32, #tpu.memory_space<vmem>>) offsets(%dma_start3A_94 : memref<40xi32, #tpu.memory_space<vmem>>) semaphore(%arg14 : memref<!tpu.dma_semaphore, #tpu.memory_space<semaphore_mem>>)
      %dma_wait3A_98 = arith.constant 0 : i32
      %dma_wait3A_99 = tpu.memref_slice %arg7[%mul3A_61, %dma_wait3A_98] : memref<125x40xi32, #tpu.memory_space<vmem>> -> memref<1x40xi32, #tpu.memory_space<vmem>>
      %dma_wait3A_100 = tpu.memref_squeeze %dma_wait3A_99 : memref<1x40xi32, #tpu.memory_space<vmem>> -> memref<40xi32, #tpu.memory_space<vmem>>
      %dma_wait3A_101 = arith.constant 0 : i32
      %dma_wait3A_102 = arith.constant 0 : i32
      %dma_wait3A_103 = tpu.memref_slice %arg2[%dma_wait3A_101, %dma_wait3A_102] : memref<10000x128xf32, #tpu.memory_space<hbm>> -> memref<10000x128xf32, #tpu.memory_space<hbm>>
      tpu.wait_indirect_dma semaphore(%arg13 : memref<!tpu.dma_semaphore, #tpu.memory_space<semaphore_mem>>) src(%dma_wait3A_103 : memref<10000x128xf32, #tpu.memory_space<hbm>>) dst(%arg9 : memref<40x128xf32, #tpu.memory_space<vmem>>)
      %dma_wait3A_104 = arith.constant 0 : i32
      %dma_wait3A_105 = tpu.memref_slice %arg8[%mul3A_69, %dma_wait3A_104] : memref<125x40xi32, #tpu.memory_space<vmem>> -> memref<1x40xi32, #tpu.memory_space<vmem>>
      %dma_wait3A_106 = tpu.memref_squeeze %dma_wait3A_105 : memref<1x40xi32, #tpu.memory_space<vmem>> -> memref<40xi32, #tpu.memory_space<vmem>>
      %dma_wait3A_107 = arith.constant 0 : i32
      %dma_wait3A_108 = arith.constant 0 : i32
      %dma_wait3A_109 = tpu.memref_slice %arg2[%dma_wait3A_107, %dma_wait3A_108] : memref<10000x128xf32, #tpu.memory_space<hbm>> -> memref<10000x128xf32, #tpu.memory_space<hbm>>
      tpu.wait_indirect_dma semaphore(%arg13 : memref<!tpu.dma_semaphore, #tpu.memory_space<semaphore_mem>>) src(%dma_wait3A_109 : memref<10000x128xf32, #tpu.memory_space<hbm>>) dst(%arg10 : memref<40x128xf32, #tpu.memory_space<vmem>>)
      "tpu.region"() ({
        %run_scoped3A = tpu.sem_alloc : memref<!tpu.dma_semaphore, #tpu.memory_space<semaphore_mem>>
        %dma_start3A_110 = arith.constant 0 : i32
        %dma_start3A_111 = tpu.memref_slice %arg5[%add3A_57, %dma_start3A_110] : memref<160000x128xf32, #tpu.memory_space<hbm>> -> memref<40x128xf32, #tpu.memory_space<hbm>>
        %dma_start3A_112 = arith.constant 0 : i32
        %dma_start3A_113 = tpu.memref_slice %arg5[%add3A_57, %dma_start3A_112] : memref<160000x128xf32, #tpu.memory_space<hbm>> -> memref<40x128xf32, #tpu.memory_space<hbm>>
        tpu.enqueue_dma source(%arg9 : memref<40x128xf32, #tpu.memory_space<vmem>>) target(%dma_start3A_113 : memref<40x128xf32, #tpu.memory_space<hbm>>) target_semaphore(%run_scoped3A : memref<!tpu.dma_semaphore, #tpu.memory_space<semaphore_mem>>)
        %dma_wait3A_114 = arith.constant 0 : i32
        %dma_wait3A_115 = tpu.memref_slice %arg5[%add3A_57, %dma_wait3A_114] : memref<160000x128xf32, #tpu.memory_space<hbm>> -> memref<40x128xf32, #tpu.memory_space<hbm>>
        %dma_wait3A_116 = arith.constant 0 : i32
        %dma_wait3A_117 = tpu.memref_slice %arg5[%add3A_57, %dma_wait3A_116] : memref<160000x128xf32, #tpu.memory_space<hbm>> -> memref<40x128xf32, #tpu.memory_space<hbm>>
        tpu.wait_dma2 semaphore(%run_scoped3A : memref<!tpu.dma_semaphore, #tpu.memory_space<semaphore_mem>>) src(%arg9 : memref<40x128xf32, #tpu.memory_space<vmem>>) dst(%dma_wait3A_117 : memref<40x128xf32, #tpu.memory_space<hbm>>)
        tpu.yield
      }) : () -> ()
      "tpu.region"() ({
        %run_scoped3A = tpu.sem_alloc : memref<!tpu.dma_semaphore, #tpu.memory_space<semaphore_mem>>
        %dma_start3A_110 = arith.constant 0 : i32
        %dma_start3A_111 = tpu.memref_slice %arg6[%add3A_57, %dma_start3A_110] : memref<160000x128xf32, #tpu.memory_space<hbm>> -> memref<40x128xf32, #tpu.memory_space<hbm>>
        %dma_start3A_112 = arith.constant 0 : i32
        %dma_start3A_113 = tpu.memref_slice %arg6[%add3A_57, %dma_start3A_112] : memref<160000x128xf32, #tpu.memory_space<hbm>> -> memref<40x128xf32, #tpu.memory_space<hbm>>
        tpu.enqueue_dma source(%arg10 : memref<40x128xf32, #tpu.memory_space<vmem>>) target(%dma_start3A_113 : memref<40x128xf32, #tpu.memory_space<hbm>>) target_semaphore(%run_scoped3A : memref<!tpu.dma_semaphore, #tpu.memory_space<semaphore_mem>>)
        %dma_wait3A_114 = arith.constant 0 : i32
        %dma_wait3A_115 = tpu.memref_slice %arg6[%add3A_57, %dma_wait3A_114] : memref<160000x128xf32, #tpu.memory_space<hbm>> -> memref<40x128xf32, #tpu.memory_space<hbm>>
        %dma_wait3A_116 = arith.constant 0 : i32
        %dma_wait3A_117 = tpu.memref_slice %arg6[%add3A_57, %dma_wait3A_116] : memref<160000x128xf32, #tpu.memory_space<hbm>> -> memref<40x128xf32, #tpu.memory_space<hbm>>
        tpu.wait_dma2 semaphore(%run_scoped3A : memref<!tpu.dma_semaphore, #tpu.memory_space<semaphore_mem>>) src(%arg10 : memref<40x128xf32, #tpu.memory_space<vmem>>) dst(%dma_wait3A_117 : memref<40x128xf32, #tpu.memory_space<hbm>>)
        tpu.yield
      }) : () -> ()
    }
    %scan3A_6 = arith.constant 62 : i32
    %add3A_7 = arith.constant 5000 : i32
    %add3A_8 = arith.addi %mul3A_2, %add3A_7 : i32
    %sub3A = arith.constant 40 : i32
    %sub3A_9 = arith.subi %add3A_8, %sub3A : i32
    %dma_start3A = arith.constant 124 : i32
    %dma_start3A_10 = arith.constant 0 : i32
    %dma_start3A_11 = tpu.memref_slice %arg7[%dma_start3A, %dma_start3A_10] : memref<125x40xi32, #tpu.memory_space<vmem>> -> memref<1x40xi32, #tpu.memory_space<vmem>>
    %dma_start3A_12 = tpu.memref_squeeze %dma_start3A_11 : memref<1x40xi32, #tpu.memory_space<vmem>> -> memref<40xi32, #tpu.memory_space<vmem>>
    %dma_start3A_13 = arith.constant 0 : i32
    %dma_start3A_14 = arith.constant 0 : i32
    %dma_start3A_15 = tpu.memref_slice %arg2[%dma_start3A_13, %dma_start3A_14] : memref<10000x128xf32, #tpu.memory_space<hbm>> -> memref<10000x128xf32, #tpu.memory_space<hbm>>
    tpu.enqueue_indirect_dma source(%dma_start3A_15 : memref<10000x128xf32, #tpu.memory_space<hbm>>) target(%arg9 : memref<40x128xf32, #tpu.memory_space<vmem>>) offsets(%dma_start3A_12 : memref<40xi32, #tpu.memory_space<vmem>>) semaphore(%arg13 : memref<!tpu.dma_semaphore, #tpu.memory_space<semaphore_mem>>)
    %dma_start3A_16 = arith.constant 124 : i32
    %dma_start3A_17 = arith.constant 0 : i32
    %dma_start3A_18 = tpu.memref_slice %arg8[%dma_start3A_16, %dma_start3A_17] : memref<125x40xi32, #tpu.memory_space<vmem>> -> memref<1x40xi32, #tpu.memory_space<vmem>>
    %dma_start3A_19 = tpu.memref_squeeze %dma_start3A_18 : memref<1x40xi32, #tpu.memory_space<vmem>> -> memref<40xi32, #tpu.memory_space<vmem>>
    %dma_start3A_20 = arith.constant 0 : i32
    %dma_start3A_21 = arith.constant 0 : i32
    %dma_start3A_22 = tpu.memref_slice %arg2[%dma_start3A_20, %dma_start3A_21] : memref<10000x128xf32, #tpu.memory_space<hbm>> -> memref<10000x128xf32, #tpu.memory_space<hbm>>
    tpu.enqueue_indirect_dma source(%dma_start3A_22 : memref<10000x128xf32, #tpu.memory_space<hbm>>) target(%arg10 : memref<40x128xf32, #tpu.memory_space<vmem>>) offsets(%dma_start3A_19 : memref<40xi32, #tpu.memory_space<vmem>>) semaphore(%arg13 : memref<!tpu.dma_semaphore, #tpu.memory_space<semaphore_mem>>)
    %dma_wait3A = arith.constant 0 : i32
    %dma_wait3A_23 = arith.constant 0 : i32
    %dma_wait3A_24 = tpu.memref_slice %arg2[%dma_wait3A, %dma_wait3A_23] : memref<10000x128xf32, #tpu.memory_space<hbm>> -> memref<40x128xf32, #tpu.memory_space<hbm>>
    %dma_wait3A_25 = arith.constant 0 : i32
    %dma_wait3A_26 = arith.constant 0 : i32
    %dma_wait3A_27 = tpu.memref_slice %arg2[%dma_wait3A_25, %dma_wait3A_26] : memref<10000x128xf32, #tpu.memory_space<hbm>> -> memref<40x128xf32, #tpu.memory_space<hbm>>
    tpu.wait_dma2 semaphore(%arg14 : memref<!tpu.dma_semaphore, #tpu.memory_space<semaphore_mem>>) src(%dma_wait3A_27 : memref<40x128xf32, #tpu.memory_space<hbm>>) dst(%arg11 : memref<40x128xf32, #tpu.memory_space<vmem>>)
    %dma_wait3A_28 = arith.constant 0 : i32
    %dma_wait3A_29 = arith.constant 0 : i32
    %dma_wait3A_30 = tpu.memref_slice %arg2[%dma_wait3A_28, %dma_wait3A_29] : memref<10000x128xf32, #tpu.memory_space<hbm>> -> memref<40x128xf32, #tpu.memory_space<hbm>>
    %dma_wait3A_31 = arith.constant 0 : i32
    %dma_wait3A_32 = arith.constant 0 : i32
    %dma_wait3A_33 = tpu.memref_slice %arg2[%dma_wait3A_31, %dma_wait3A_32] : memref<10000x128xf32, #tpu.memory_space<hbm>> -> memref<40x128xf32, #tpu.memory_space<hbm>>
    tpu.wait_dma2 semaphore(%arg14 : memref<!tpu.dma_semaphore, #tpu.memory_space<semaphore_mem>>) src(%dma_wait3A_33 : memref<40x128xf32, #tpu.memory_space<hbm>>) dst(%arg12 : memref<40x128xf32, #tpu.memory_space<vmem>>)
    %sub3A_34 = arith.constant 40 : i32
    %sub3A_35 = arith.subi %sub3A_9, %sub3A_34 : i32
    "tpu.region"() ({
      %run_scoped3A = tpu.sem_alloc : memref<!tpu.dma_semaphore, #tpu.memory_space<semaphore_mem>>
      %dma_start3A_52 = arith.constant 0 : i32
      %dma_start3A_53 = tpu.memref_slice %arg5[%sub3A_35, %dma_start3A_52] : memref<160000x128xf32, #tpu.memory_space<hbm>> -> memref<40x128xf32, #tpu.memory_space<hbm>>
      %dma_start3A_54 = arith.constant 0 : i32
      %dma_start3A_55 = tpu.memref_slice %arg5[%sub3A_35, %dma_start3A_54] : memref<160000x128xf32, #tpu.memory_space<hbm>> -> memref<40x128xf32, #tpu.memory_space<hbm>>
      tpu.enqueue_dma source(%arg11 : memref<40x128xf32, #tpu.memory_space<vmem>>) target(%dma_start3A_55 : memref<40x128xf32, #tpu.memory_space<hbm>>) target_semaphore(%run_scoped3A : memref<!tpu.dma_semaphore, #tpu.memory_space<semaphore_mem>>)
      %dma_wait3A_56 = arith.constant 0 : i32
      %dma_wait3A_57 = tpu.memref_slice %arg5[%sub3A_35, %dma_wait3A_56] : memref<160000x128xf32, #tpu.memory_space<hbm>> -> memref<40x128xf32, #tpu.memory_space<hbm>>
      %dma_wait3A_58 = arith.constant 0 : i32
      %dma_wait3A_59 = tpu.memref_slice %arg5[%sub3A_35, %dma_wait3A_58] : memref<160000x128xf32, #tpu.memory_space<hbm>> -> memref<40x128xf32, #tpu.memory_space<hbm>>
      tpu.wait_dma2 semaphore(%run_scoped3A : memref<!tpu.dma_semaphore, #tpu.memory_space<semaphore_mem>>) src(%arg11 : memref<40x128xf32, #tpu.memory_space<vmem>>) dst(%dma_wait3A_59 : memref<40x128xf32, #tpu.memory_space<hbm>>)
      tpu.yield
    }) : () -> ()
    %sub3A_36 = arith.constant 40 : i32
    %sub3A_37 = arith.subi %sub3A_9, %sub3A_36 : i32
    "tpu.region"() ({
      %run_scoped3A = tpu.sem_alloc : memref<!tpu.dma_semaphore, #tpu.memory_space<semaphore_mem>>
      %dma_start3A_52 = arith.constant 0 : i32
      %dma_start3A_53 = tpu.memref_slice %arg6[%sub3A_37, %dma_start3A_52] : memref<160000x128xf32, #tpu.memory_space<hbm>> -> memref<40x128xf32, #tpu.memory_space<hbm>>
      %dma_start3A_54 = arith.constant 0 : i32
      %dma_start3A_55 = tpu.memref_slice %arg6[%sub3A_37, %dma_start3A_54] : memref<160000x128xf32, #tpu.memory_space<hbm>> -> memref<40x128xf32, #tpu.memory_space<hbm>>
      tpu.enqueue_dma source(%arg12 : memref<40x128xf32, #tpu.memory_space<vmem>>) target(%dma_start3A_55 : memref<40x128xf32, #tpu.memory_space<hbm>>) target_semaphore(%run_scoped3A : memref<!tpu.dma_semaphore, #tpu.memory_space<semaphore_mem>>)
      %dma_wait3A_56 = arith.constant 0 : i32
      %dma_wait3A_57 = tpu.memref_slice %arg6[%sub3A_37, %dma_wait3A_56] : memref<160000x128xf32, #tpu.memory_space<hbm>> -> memref<40x128xf32, #tpu.memory_space<hbm>>
      %dma_wait3A_58 = arith.constant 0 : i32
      %dma_wait3A_59 = tpu.memref_slice %arg6[%sub3A_37, %dma_wait3A_58] : memref<160000x128xf32, #tpu.memory_space<hbm>> -> memref<40x128xf32, #tpu.memory_space<hbm>>
      tpu.wait_dma2 semaphore(%run_scoped3A : memref<!tpu.dma_semaphore, #tpu.memory_space<semaphore_mem>>) src(%arg12 : memref<40x128xf32, #tpu.memory_space<vmem>>) dst(%dma_wait3A_59 : memref<40x128xf32, #tpu.memory_space<hbm>>)
      tpu.yield
    }) : () -> ()
    %dma_wait3A_38 = arith.constant 124 : i32
    %dma_wait3A_39 = arith.constant 0 : i32
    %dma_wait3A_40 = tpu.memref_slice %arg7[%dma_wait3A_38, %dma_wait3A_39] : memref<125x40xi32, #tpu.memory_space<vmem>> -> memref<1x40xi32, #tpu.memory_space<vmem>>
    %dma_wait3A_41 = tpu.memref_squeeze %dma_wait3A_40 : memref<1x40xi32, #tpu.memory_space<vmem>> -> memref<40xi32, #tpu.memory_space<vmem>>
    %dma_wait3A_42 = arith.constant 0 : i32
    %dma_wait3A_43 = arith.constant 0 : i32
    %dma_wait3A_44 = tpu.memref_slice %arg2[%dma_wait3A_42, %dma_wait3A_43] : memref<10000x128xf32, #tpu.memory_space<hbm>> -> memref<10000x128xf32, #tpu.memory_space<hbm>>
    tpu.wait_indirect_dma semaphore(%arg13 : memref<!tpu.dma_semaphore, #tpu.memory_space<semaphore_mem>>) src(%dma_wait3A_44 : memref<10000x128xf32, #tpu.memory_space<hbm>>) dst(%arg9 : memref<40x128xf32, #tpu.memory_space<vmem>>)
    %dma_wait3A_45 = arith.constant 124 : i32
    %dma_wait3A_46 = arith.constant 0 : i32
    %dma_wait3A_47 = tpu.memref_slice %arg8[%dma_wait3A_45, %dma_wait3A_46] : memref<125x40xi32, #tpu.memory_space<vmem>> -> memref<1x40xi32, #tpu.memory_space<vmem>>
    %dma_wait3A_48 = tpu.memref_squeeze %dma_wait3A_47 : memref<1x40xi32, #tpu.memory_space<vmem>> -> memref<40xi32, #tpu.memory_space<vmem>>
    %dma_wait3A_49 = arith.constant 0 : i32
    %dma_wait3A_50 = arith.constant 0 : i32
    %dma_wait3A_51 = tpu.memref_slice %arg2[%dma_wait3A_49, %dma_wait3A_50] : memref<10000x128xf32, #tpu.memory_space<hbm>> -> memref<10000x128xf32, #tpu.memory_space<hbm>>
    tpu.wait_indirect_dma semaphore(%arg13 : memref<!tpu.dma_semaphore, #tpu.memory_space<semaphore_mem>>) src(%dma_wait3A_51 : memref<10000x128xf32, #tpu.memory_space<hbm>>) dst(%arg10 : memref<40x128xf32, #tpu.memory_space<vmem>>)
    "tpu.region"() ({
      %run_scoped3A = tpu.sem_alloc : memref<!tpu.dma_semaphore, #tpu.memory_space<semaphore_mem>>
      %dma_start3A_52 = arith.constant 0 : i32
      %dma_start3A_53 = tpu.memref_slice %arg5[%sub3A_9, %dma_start3A_52] : memref<160000x128xf32, #tpu.memory_space<hbm>> -> memref<40x128xf32, #tpu.memory_space<hbm>>
      %dma_start3A_54 = arith.constant 0 : i32
      %dma_start3A_55 = tpu.memref_slice %arg5[%sub3A_9, %dma_start3A_54] : memref<160000x128xf32, #tpu.memory_space<hbm>> -> memref<40x128xf32, #tpu.memory_space<hbm>>
      tpu.enqueue_dma source(%arg9 : memref<40x128xf32, #tpu.memory_space<vmem>>) target(%dma_start3A_55 : memref<40x128xf32, #tpu.memory_space<hbm>>) target_semaphore(%run_scoped3A : memref<!tpu.dma_semaphore, #tpu.memory_space<semaphore_mem>>)
      %dma_wait3A_56 = arith.constant 0 : i32
      %dma_wait3A_57 = tpu.memref_slice %arg5[%sub3A_9, %dma_wait3A_56] : memref<160000x128xf32, #tpu.memory_space<hbm>> -> memref<40x128xf32, #tpu.memory_space<hbm>>
      %dma_wait3A_58 = arith.constant 0 : i32
      %dma_wait3A_59 = tpu.memref_slice %arg5[%sub3A_9, %dma_wait3A_58] : memref<160000x128xf32, #tpu.memory_space<hbm>> -> memref<40x128xf32, #tpu.memory_space<hbm>>
      tpu.wait_dma2 semaphore(%run_scoped3A : memref<!tpu.dma_semaphore, #tpu.memory_space<semaphore_mem>>) src(%arg9 : memref<40x128xf32, #tpu.memory_space<vmem>>) dst(%dma_wait3A_59 : memref<40x128xf32, #tpu.memory_space<hbm>>)
      tpu.yield
    }) : () -> ()
    "tpu.region"() ({
      %run_scoped3A = tpu.sem_alloc : memref<!tpu.dma_semaphore, #tpu.memory_space<semaphore_mem>>
      %dma_start3A_52 = arith.constant 0 : i32
      %dma_start3A_53 = tpu.memref_slice %arg6[%sub3A_9, %dma_start3A_52] : memref<160000x128xf32, #tpu.memory_space<hbm>> -> memref<40x128xf32, #tpu.memory_space<hbm>>
      %dma_start3A_54 = arith.constant 0 : i32
      %dma_start3A_55 = tpu.memref_slice %arg6[%sub3A_9, %dma_start3A_54] : memref<160000x128xf32, #tpu.memory_space<hbm>> -> memref<40x128xf32, #tpu.memory_space<hbm>>
      tpu.enqueue_dma source(%arg10 : memref<40x128xf32, #tpu.memory_space<vmem>>) target(%dma_start3A_55 : memref<40x128xf32, #tpu.memory_space<hbm>>) target_semaphore(%run_scoped3A : memref<!tpu.dma_semaphore, #tpu.memory_space<semaphore_mem>>)
      %dma_wait3A_56 = arith.constant 0 : i32
      %dma_wait3A_57 = tpu.memref_slice %arg6[%sub3A_9, %dma_wait3A_56] : memref<160000x128xf32, #tpu.memory_space<hbm>> -> memref<40x128xf32, #tpu.memory_space<hbm>>
      %dma_wait3A_58 = arith.constant 0 : i32
      %dma_wait3A_59 = tpu.memref_slice %arg6[%sub3A_9, %dma_wait3A_58] : memref<160000x128xf32, #tpu.memory_space<hbm>> -> memref<40x128xf32, #tpu.memory_space<hbm>>
      tpu.wait_dma2 semaphore(%run_scoped3A : memref<!tpu.dma_semaphore, #tpu.memory_space<semaphore_mem>>) src(%arg10 : memref<40x128xf32, #tpu.memory_space<vmem>>) dst(%dma_wait3A_59 : memref<40x128xf32, #tpu.memory_space<hbm>>)
      tpu.yield
    }) : () -> ()
    return
  }
}

#map = affine_map<(d0, d1) -> (0, 0)>
#map1 = affine_map<(d0, d1) -> (0, 0, 0)>
module attributes {stable_mosaic.version = 14 : i64} {
  func.func @k(%arg0: i32, %arg1: i32, %arg2: memref<160000x128xf32, #tpu.memory_space<hbm>>, %arg3: memref<32x125x40xi32, #tpu.memory_space<hbm>>, %arg4: memref<40x128xf32, #tpu.memory_space<hbm>>, %arg5: memref<40x128xf32, #tpu.memory_space<hbm>>, %arg6: memref<2x5120x128xf32, #tpu.memory_space<hbm>>, %arg7: memref<2x5120x128xf32, #tpu.memory_space<hbm>>, %arg8: memref<5120x128xf32, #tpu.memory_space<vmem_shared>>, %arg9: memref<5120x128xf32, #tpu.memory_space<vmem_shared>>, %arg10: memref<125x40xi32, #tpu.memory_space<vmem>>, %arg11: memref<40x128xf32, #tpu.memory_space<vmem>>, %arg12: memref<40x128xf32, #tpu.memory_space<vmem>>, %arg13: memref<40x128xf32, #tpu.memory_space<vmem>>, %arg14: memref<!tpu.dma_semaphore, #tpu.memory_space<semaphore_mem>>, %arg15: memref<!tpu.dma_semaphore, #tpu.memory_space<semaphore_mem>>) attributes {dimension_semantics = [#tpu.dimension_semantics<core_parallel>, #tpu.dimension_semantics<subcore_parallel>], iteration_bounds = array<i64: 2, 16>, scalar_prefetch = 0 : i64, scratch_operands = 8 : i64, tpu.core_type = #tpu.core_type<sc_vector_subcore>, window_params = [{transform_indices = #map}, {transform_indices = #map1}, {transform_indices = #map}, {transform_indices = #map}, {transform_indices = #map1}, {transform_indices = #map1}]} {
    %mul3A = arith.constant 2 : i32
    %mul3A_0 = arith.muli %arg1, %mul3A : i32
    %add3A = arith.addi %mul3A_0, %arg0 : i32
    %mul3A_1 = arith.constant 5000 : i32
    %mul3A_2 = arith.muli %add3A, %mul3A_1 : i32
    %mul3A_3 = arith.constant 320 : i32
    %mul3A_4 = arith.muli %arg1, %mul3A_3 : i32
    "tpu.region"() ({
      %run_scoped3A_38 = tpu.sem_alloc : memref<!tpu.dma_semaphore, #tpu.memory_space<semaphore_mem>>
      %dma_start3A_39 = arith.constant 0 : i32
      %dma_start3A_40 = arith.constant 0 : i32
      %dma_start3A_41 = tpu.memref_slice %arg3[%add3A, %dma_start3A_39, %dma_start3A_40] : memref<32x125x40xi32, #tpu.memory_space<hbm>> -> memref<1x125x40xi32, #tpu.memory_space<hbm>>
      %dma_start3A_42 = tpu.memref_squeeze %dma_start3A_41 : memref<1x125x40xi32, #tpu.memory_space<hbm>> -> memref<125x40xi32, #tpu.memory_space<hbm>>
      %dma_start3A_43 = arith.constant 0 : i32
      %dma_start3A_44 = arith.constant 0 : i32
      %dma_start3A_45 = tpu.memref_slice %arg3[%add3A, %dma_start3A_43, %dma_start3A_44] : memref<32x125x40xi32, #tpu.memory_space<hbm>> -> memref<1x125x40xi32, #tpu.memory_space<hbm>>
      %dma_start3A_46 = tpu.memref_squeeze %dma_start3A_45 : memref<1x125x40xi32, #tpu.memory_space<hbm>> -> memref<125x40xi32, #tpu.memory_space<hbm>>
      tpu.enqueue_dma source(%dma_start3A_46 : memref<125x40xi32, #tpu.memory_space<hbm>>) target(%arg10 : memref<125x40xi32, #tpu.memory_space<vmem>>) target_semaphore(%run_scoped3A_38 : memref<!tpu.dma_semaphore, #tpu.memory_space<semaphore_mem>>)
      %dma_wait3A_47 = arith.constant 0 : i32
      %dma_wait3A_48 = arith.constant 0 : i32
      %dma_wait3A_49 = tpu.memref_slice %arg3[%add3A, %dma_wait3A_47, %dma_wait3A_48] : memref<32x125x40xi32, #tpu.memory_space<hbm>> -> memref<1x125x40xi32, #tpu.memory_space<hbm>>
      %dma_wait3A_50 = tpu.memref_squeeze %dma_wait3A_49 : memref<1x125x40xi32, #tpu.memory_space<hbm>> -> memref<125x40xi32, #tpu.memory_space<hbm>>
      %dma_wait3A_51 = arith.constant 0 : i32
      %dma_wait3A_52 = arith.constant 0 : i32
      %dma_wait3A_53 = tpu.memref_slice %arg3[%add3A, %dma_wait3A_51, %dma_wait3A_52] : memref<32x125x40xi32, #tpu.memory_space<hbm>> -> memref<1x125x40xi32, #tpu.memory_space<hbm>>
      %dma_wait3A_54 = tpu.memref_squeeze %dma_wait3A_53 : memref<1x125x40xi32, #tpu.memory_space<hbm>> -> memref<125x40xi32, #tpu.memory_space<hbm>>
      tpu.wait_dma2 semaphore(%run_scoped3A_38 : memref<!tpu.dma_semaphore, #tpu.memory_space<semaphore_mem>>) src(%dma_wait3A_54 : memref<125x40xi32, #tpu.memory_space<hbm>>) dst(%arg10 : memref<125x40xi32, #tpu.memory_space<vmem>>)
      tpu.yield
    }) : () -> ()
    "tpu.region"() ({
      %run_scoped3A_38 = tpu.sem_alloc : memref<!tpu.dma_semaphore, #tpu.memory_space<semaphore_mem>>
      tpu.enqueue_dma source(%arg4 : memref<40x128xf32, #tpu.memory_space<hbm>>) target(%arg11 : memref<40x128xf32, #tpu.memory_space<vmem>>) target_semaphore(%run_scoped3A_38 : memref<!tpu.dma_semaphore, #tpu.memory_space<semaphore_mem>>)
      tpu.wait_dma2 semaphore(%run_scoped3A_38 : memref<!tpu.dma_semaphore, #tpu.memory_space<semaphore_mem>>) src(%arg4 : memref<40x128xf32, #tpu.memory_space<hbm>>) dst(%arg11 : memref<40x128xf32, #tpu.memory_space<vmem>>)
      tpu.yield
    }) : () -> ()
    %scan3A = arith.constant 0 : i32
    %scan3A_5 = arith.constant 8 : i32
    %scan3A_6 = arith.addi %scan3A, %scan3A_5 : i32
    %scan3A_7 = arith.constant 1 : i32
    scf.for %scan3A_38 = %scan3A to %scan3A_6 step %scan3A_7  : i32 {
      %mul3A_39 = arith.constant 40 : i32
      %mul3A_40 = arith.muli %scan3A_38, %mul3A_39 : i32
      %add3A_41 = arith.addi %mul3A_4, %mul3A_40 : i32
      "tpu.region"() ({
        %run_scoped3A_45 = tpu.sem_alloc : memref<!tpu.dma_semaphore, #tpu.memory_space<semaphore_mem>>
        %dma_start3A_46 = arith.constant 0 : i32
        %dma_start3A_47 = tpu.memref_slice %arg8[%add3A_41, %dma_start3A_46] : memref<5120x128xf32, #tpu.memory_space<vmem_shared>> -> memref<40x128xf32, #tpu.memory_space<vmem_shared>>
        %dma_start3A_48 = arith.constant 0 : i32
        %dma_start3A_49 = tpu.memref_slice %arg8[%add3A_41, %dma_start3A_48] : memref<5120x128xf32, #tpu.memory_space<vmem_shared>> -> memref<40x128xf32, #tpu.memory_space<vmem_shared>>
        tpu.enqueue_dma source(%arg11 : memref<40x128xf32, #tpu.memory_space<vmem>>) target(%dma_start3A_49 : memref<40x128xf32, #tpu.memory_space<vmem_shared>>) target_semaphore(%run_scoped3A_45 : memref<!tpu.dma_semaphore, #tpu.memory_space<semaphore_mem>>)
        %dma_wait3A_50 = arith.constant 0 : i32
        %dma_wait3A_51 = tpu.memref_slice %arg8[%add3A_41, %dma_wait3A_50] : memref<5120x128xf32, #tpu.memory_space<vmem_shared>> -> memref<40x128xf32, #tpu.memory_space<vmem_shared>>
        %dma_wait3A_52 = arith.constant 0 : i32
        %dma_wait3A_53 = tpu.memref_slice %arg8[%add3A_41, %dma_wait3A_52] : memref<5120x128xf32, #tpu.memory_space<vmem_shared>> -> memref<40x128xf32, #tpu.memory_space<vmem_shared>>
        tpu.wait_dma2 semaphore(%run_scoped3A_45 : memref<!tpu.dma_semaphore, #tpu.memory_space<semaphore_mem>>) src(%arg11 : memref<40x128xf32, #tpu.memory_space<vmem>>) dst(%dma_wait3A_53 : memref<40x128xf32, #tpu.memory_space<vmem_shared>>)
        tpu.yield
      }) : () -> ()
      %mul3A_42 = arith.constant 40 : i32
      %mul3A_43 = arith.muli %scan3A_38, %mul3A_42 : i32
      %add3A_44 = arith.addi %mul3A_4, %mul3A_43 : i32
      "tpu.region"() ({
        %run_scoped3A_45 = tpu.sem_alloc : memref<!tpu.dma_semaphore, #tpu.memory_space<semaphore_mem>>
        %dma_start3A_46 = arith.constant 0 : i32
        %dma_start3A_47 = tpu.memref_slice %arg9[%add3A_44, %dma_start3A_46] : memref<5120x128xf32, #tpu.memory_space<vmem_shared>> -> memref<40x128xf32, #tpu.memory_space<vmem_shared>>
        %dma_start3A_48 = arith.constant 0 : i32
        %dma_start3A_49 = tpu.memref_slice %arg9[%add3A_44, %dma_start3A_48] : memref<5120x128xf32, #tpu.memory_space<vmem_shared>> -> memref<40x128xf32, #tpu.memory_space<vmem_shared>>
        tpu.enqueue_dma source(%arg11 : memref<40x128xf32, #tpu.memory_space<vmem>>) target(%dma_start3A_49 : memref<40x128xf32, #tpu.memory_space<vmem_shared>>) target_semaphore(%run_scoped3A_45 : memref<!tpu.dma_semaphore, #tpu.memory_space<semaphore_mem>>)
        %dma_wait3A_50 = arith.constant 0 : i32
        %dma_wait3A_51 = tpu.memref_slice %arg9[%add3A_44, %dma_wait3A_50] : memref<5120x128xf32, #tpu.memory_space<vmem_shared>> -> memref<40x128xf32, #tpu.memory_space<vmem_shared>>
        %dma_wait3A_52 = arith.constant 0 : i32
        %dma_wait3A_53 = tpu.memref_slice %arg9[%add3A_44, %dma_wait3A_52] : memref<5120x128xf32, #tpu.memory_space<vmem_shared>> -> memref<40x128xf32, #tpu.memory_space<vmem_shared>>
        tpu.wait_dma2 semaphore(%run_scoped3A_45 : memref<!tpu.dma_semaphore, #tpu.memory_space<semaphore_mem>>) src(%arg11 : memref<40x128xf32, #tpu.memory_space<vmem>>) dst(%dma_wait3A_53 : memref<40x128xf32, #tpu.memory_space<vmem_shared>>)
        tpu.yield
      }) : () -> ()
    }
    %scan3A_8 = arith.constant 8 : i32
    "tpu.region"() ({
      %run_scoped3A_38 = tpu.sem_alloc : memref<!tpu.dma_semaphore, #tpu.memory_space<semaphore_mem>>
      tpu.enqueue_dma source(%arg5 : memref<40x128xf32, #tpu.memory_space<hbm>>) target(%arg13 : memref<40x128xf32, #tpu.memory_space<vmem>>) target_semaphore(%run_scoped3A_38 : memref<!tpu.dma_semaphore, #tpu.memory_space<semaphore_mem>>)
      tpu.wait_dma2 semaphore(%run_scoped3A_38 : memref<!tpu.dma_semaphore, #tpu.memory_space<semaphore_mem>>) src(%arg5 : memref<40x128xf32, #tpu.memory_space<hbm>>) dst(%arg13 : memref<40x128xf32, #tpu.memory_space<vmem>>)
      tpu.yield
    }) : () -> ()
    %barrier3A = arith.constant 0 : index
    tpu.barrier barrier_id(%barrier3A)
    %scan3A_9 = arith.constant 0 : i32
    %scan3A_10 = arith.constant 62 : i32
    %scan3A_11 = arith.addi %scan3A_9, %scan3A_10 : i32
    %scan3A_12 = arith.constant 1 : i32
    scf.for %scan3A_38 = %scan3A_9 to %scan3A_11 step %scan3A_12  : i32 {
      %mul3A_39 = arith.constant 2 : i32
      %mul3A_40 = arith.muli %mul3A_39, %scan3A_38 : i32
      %mul3A_41 = arith.constant 40 : i32
      %mul3A_42 = arith.muli %mul3A_40, %mul3A_41 : i32
      %add3A_43 = arith.addi %mul3A_2, %mul3A_42 : i32
      %add3A_44 = arith.constant 40 : i32
      %add3A_45 = arith.addi %add3A_43, %add3A_44 : i32
      %dma_start3A_46 = arith.constant 0 : i32
      %dma_start3A_47 = tpu.memref_slice %arg2[%add3A_43, %dma_start3A_46] : memref<160000x128xf32, #tpu.memory_space<hbm>> -> memref<40x128xf32, #tpu.memory_space<hbm>>
      %dma_start3A_48 = arith.constant 0 : i32
      %dma_start3A_49 = tpu.memref_slice %arg2[%add3A_43, %dma_start3A_48] : memref<160000x128xf32, #tpu.memory_space<hbm>> -> memref<40x128xf32, #tpu.memory_space<hbm>>
      tpu.enqueue_dma source(%dma_start3A_49 : memref<40x128xf32, #tpu.memory_space<hbm>>) target(%arg11 : memref<40x128xf32, #tpu.memory_space<vmem>>) target_semaphore(%arg14 : memref<!tpu.dma_semaphore, #tpu.memory_space<semaphore_mem>>)
      %gt3A = arith.constant 0 : i32
      %gt3A_50 = arith.cmpi sgt, %scan3A_38, %gt3A : i32
      %convert_element_type3A = arith.extui %gt3A_50 : i1 to i32
      %cond3A = arith.constant 0 : i32
      %cond3A_51 = arith.cmpi ne, %convert_element_type3A, %cond3A : i32
      scf.if %cond3A_51 {
        %mul3A_64 = arith.constant 2 : i32
        %mul3A_65 = arith.muli %mul3A_64, %scan3A_38 : i32
        %sub3A_66 = arith.constant 1 : i32
        %sub3A_67 = arith.subi %mul3A_65, %sub3A_66 : i32
        %dma_wait3A_68 = arith.constant 0 : i32
        %dma_wait3A_69 = arith.constant 0 : i32
        %dma_wait3A_70 = tpu.memref_slice %arg2[%dma_wait3A_68, %dma_wait3A_69] : memref<160000x128xf32, #tpu.memory_space<hbm>> -> memref<40x128xf32, #tpu.memory_space<hbm>>
        %dma_wait3A_71 = arith.constant 0 : i32
        %dma_wait3A_72 = arith.constant 0 : i32
        %dma_wait3A_73 = tpu.memref_slice %arg2[%dma_wait3A_71, %dma_wait3A_72] : memref<160000x128xf32, #tpu.memory_space<hbm>> -> memref<40x128xf32, #tpu.memory_space<hbm>>
        tpu.wait_dma2 semaphore(%arg15 : memref<!tpu.dma_semaphore, #tpu.memory_space<semaphore_mem>>) src(%dma_wait3A_73 : memref<40x128xf32, #tpu.memory_space<hbm>>) dst(%arg12 : memref<40x128xf32, #tpu.memory_space<vmem>>)
        "tpu.region"() ({
          %run_scoped3A_74 = tpu.sem_alloc : memref<!tpu.dma_semaphore, #tpu.memory_space<semaphore_mem>>
          %dma_start3A_75 = arith.constant 0 : i32
          %dma_start3A_76 = tpu.memref_slice %arg10[%sub3A_67, %dma_start3A_75] : memref<125x40xi32, #tpu.memory_space<vmem>> -> memref<1x40xi32, #tpu.memory_space<vmem>>
          %dma_start3A_77 = tpu.memref_squeeze %dma_start3A_76 : memref<1x40xi32, #tpu.memory_space<vmem>> -> memref<40xi32, #tpu.memory_space<vmem>>
          %dma_start3A_78 = arith.constant 0 : i32
          %dma_start3A_79 = arith.constant 0 : i32
          %dma_start3A_80 = tpu.memref_slice %arg8[%dma_start3A_78, %dma_start3A_79] : memref<5120x128xf32, #tpu.memory_space<vmem_shared>> -> memref<5120x128xf32, #tpu.memory_space<vmem_shared>>
          tpu.enqueue_indirect_dma source(%arg12 : memref<40x128xf32, #tpu.memory_space<vmem>>) target(%dma_start3A_80 : memref<5120x128xf32, #tpu.memory_space<vmem_shared>>) offsets(%dma_start3A_77 : memref<40xi32, #tpu.memory_space<vmem>>) semaphore(%run_scoped3A_74 : memref<!tpu.dma_semaphore, #tpu.memory_space<semaphore_mem>>) {add = true}
          %dma_wait3A_81 = arith.constant 0 : i32
          %dma_wait3A_82 = tpu.memref_slice %arg10[%sub3A_67, %dma_wait3A_81] : memref<125x40xi32, #tpu.memory_space<vmem>> -> memref<1x40xi32, #tpu.memory_space<vmem>>
          %dma_wait3A_83 = tpu.memref_squeeze %dma_wait3A_82 : memref<1x40xi32, #tpu.memory_space<vmem>> -> memref<40xi32, #tpu.memory_space<vmem>>
          %dma_wait3A_84 = arith.constant 0 : i32
          %dma_wait3A_85 = arith.constant 0 : i32
          %dma_wait3A_86 = tpu.memref_slice %arg8[%dma_wait3A_84, %dma_wait3A_85] : memref<5120x128xf32, #tpu.memory_space<vmem_shared>> -> memref<5120x128xf32, #tpu.memory_space<vmem_shared>>
          tpu.wait_indirect_dma semaphore(%run_scoped3A_74 : memref<!tpu.dma_semaphore, #tpu.memory_space<semaphore_mem>>) src(%arg12 : memref<40x128xf32, #tpu.memory_space<vmem>>) dst(%dma_wait3A_86 : memref<5120x128xf32, #tpu.memory_space<vmem_shared>>)
          tpu.yield
        }) : () -> ()
        "tpu.region"() ({
          %run_scoped3A_74 = tpu.sem_alloc : memref<!tpu.dma_semaphore, #tpu.memory_space<semaphore_mem>>
          %dma_start3A_75 = arith.constant 0 : i32
          %dma_start3A_76 = tpu.memref_slice %arg10[%sub3A_67, %dma_start3A_75] : memref<125x40xi32, #tpu.memory_space<vmem>> -> memref<1x40xi32, #tpu.memory_space<vmem>>
          %dma_start3A_77 = tpu.memref_squeeze %dma_start3A_76 : memref<1x40xi32, #tpu.memory_space<vmem>> -> memref<40xi32, #tpu.memory_space<vmem>>
          %dma_start3A_78 = arith.constant 0 : i32
          %dma_start3A_79 = arith.constant 0 : i32
          %dma_start3A_80 = tpu.memref_slice %arg9[%dma_start3A_78, %dma_start3A_79] : memref<5120x128xf32, #tpu.memory_space<vmem_shared>> -> memref<5120x128xf32, #tpu.memory_space<vmem_shared>>
          tpu.enqueue_indirect_dma source(%arg13 : memref<40x128xf32, #tpu.memory_space<vmem>>) target(%dma_start3A_80 : memref<5120x128xf32, #tpu.memory_space<vmem_shared>>) offsets(%dma_start3A_77 : memref<40xi32, #tpu.memory_space<vmem>>) semaphore(%run_scoped3A_74 : memref<!tpu.dma_semaphore, #tpu.memory_space<semaphore_mem>>) {add = true}
          %dma_wait3A_81 = arith.constant 0 : i32
          %dma_wait3A_82 = tpu.memref_slice %arg10[%sub3A_67, %dma_wait3A_81] : memref<125x40xi32, #tpu.memory_space<vmem>> -> memref<1x40xi32, #tpu.memory_space<vmem>>
          %dma_wait3A_83 = tpu.memref_squeeze %dma_wait3A_82 : memref<1x40xi32, #tpu.memory_space<vmem>> -> memref<40xi32, #tpu.memory_space<vmem>>
          %dma_wait3A_84 = arith.constant 0 : i32
          %dma_wait3A_85 = arith.constant 0 : i32
          %dma_wait3A_86 = tpu.memref_slice %arg9[%dma_wait3A_84, %dma_wait3A_85] : memref<5120x128xf32, #tpu.memory_space<vmem_shared>> -> memref<5120x128xf32, #tpu.memory_space<vmem_shared>>
          tpu.wait_indirect_dma semaphore(%run_scoped3A_74 : memref<!tpu.dma_semaphore, #tpu.memory_space<semaphore_mem>>) src(%arg13 : memref<40x128xf32, #tpu.memory_space<vmem>>) dst(%dma_wait3A_86 : memref<5120x128xf32, #tpu.memory_space<vmem_shared>>)
          tpu.yield
        }) : () -> ()
      } else {
      }
      %dma_start3A_52 = arith.constant 0 : i32
      %dma_start3A_53 = tpu.memref_slice %arg2[%add3A_45, %dma_start3A_52] : memref<160000x128xf32, #tpu.memory_space<hbm>> -> memref<40x128xf32, #tpu.memory_space<hbm>>
      %dma_start3A_54 = arith.constant 0 : i32
      %dma_start3A_55 = tpu.memref_slice %arg2[%add3A_45, %dma_start3A_54] : memref<160000x128xf32, #tpu.memory_space<hbm>> -> memref<40x128xf32, #tpu.memory_space<hbm>>
      tpu.enqueue_dma source(%dma_start3A_55 : memref<40x128xf32, #tpu.memory_space<hbm>>) target(%arg12 : memref<40x128xf32, #tpu.memory_space<vmem>>) target_semaphore(%arg15 : memref<!tpu.dma_semaphore, #tpu.memory_space<semaphore_mem>>)
      %dma_wait3A_56 = arith.constant 0 : i32
      %dma_wait3A_57 = tpu.memref_slice %arg2[%add3A_43, %dma_wait3A_56] : memref<160000x128xf32, #tpu.memory_space<hbm>> -> memref<40x128xf32, #tpu.memory_space<hbm>>
      %dma_wait3A_58 = arith.constant 0 : i32
      %dma_wait3A_59 = tpu.memref_slice %arg2[%add3A_43, %dma_wait3A_58] : memref<160000x128xf32, #tpu.memory_space<hbm>> -> memref<40x128xf32, #tpu.memory_space<hbm>>
      tpu.wait_dma2 semaphore(%arg14 : memref<!tpu.dma_semaphore, #tpu.memory_space<semaphore_mem>>) src(%dma_wait3A_59 : memref<40x128xf32, #tpu.memory_space<hbm>>) dst(%arg11 : memref<40x128xf32, #tpu.memory_space<vmem>>)
      %mul3A_60 = arith.constant 2 : i32
      %mul3A_61 = arith.muli %mul3A_60, %scan3A_38 : i32
      "tpu.region"() ({
        %run_scoped3A_64 = tpu.sem_alloc : memref<!tpu.dma_semaphore, #tpu.memory_space<semaphore_mem>>
        %dma_start3A_65 = arith.constant 0 : i32
        %dma_start3A_66 = tpu.memref_slice %arg10[%mul3A_61, %dma_start3A_65] : memref<125x40xi32, #tpu.memory_space<vmem>> -> memref<1x40xi32, #tpu.memory_space<vmem>>
        %dma_start3A_67 = tpu.memref_squeeze %dma_start3A_66 : memref<1x40xi32, #tpu.memory_space<vmem>> -> memref<40xi32, #tpu.memory_space<vmem>>
        %dma_start3A_68 = arith.constant 0 : i32
        %dma_start3A_69 = arith.constant 0 : i32
        %dma_start3A_70 = tpu.memref_slice %arg8[%dma_start3A_68, %dma_start3A_69] : memref<5120x128xf32, #tpu.memory_space<vmem_shared>> -> memref<5120x128xf32, #tpu.memory_space<vmem_shared>>
        tpu.enqueue_indirect_dma source(%arg11 : memref<40x128xf32, #tpu.memory_space<vmem>>) target(%dma_start3A_70 : memref<5120x128xf32, #tpu.memory_space<vmem_shared>>) offsets(%dma_start3A_67 : memref<40xi32, #tpu.memory_space<vmem>>) semaphore(%run_scoped3A_64 : memref<!tpu.dma_semaphore, #tpu.memory_space<semaphore_mem>>) {add = true}
        %dma_wait3A_71 = arith.constant 0 : i32
        %dma_wait3A_72 = tpu.memref_slice %arg10[%mul3A_61, %dma_wait3A_71] : memref<125x40xi32, #tpu.memory_space<vmem>> -> memref<1x40xi32, #tpu.memory_space<vmem>>
        %dma_wait3A_73 = tpu.memref_squeeze %dma_wait3A_72 : memref<1x40xi32, #tpu.memory_space<vmem>> -> memref<40xi32, #tpu.memory_space<vmem>>
        %dma_wait3A_74 = arith.constant 0 : i32
        %dma_wait3A_75 = arith.constant 0 : i32
        %dma_wait3A_76 = tpu.memref_slice %arg8[%dma_wait3A_74, %dma_wait3A_75] : memref<5120x128xf32, #tpu.memory_space<vmem_shared>> -> memref<5120x128xf32, #tpu.memory_space<vmem_shared>>
        tpu.wait_indirect_dma semaphore(%run_scoped3A_64 : memref<!tpu.dma_semaphore, #tpu.memory_space<semaphore_mem>>) src(%arg11 : memref<40x128xf32, #tpu.memory_space<vmem>>) dst(%dma_wait3A_76 : memref<5120x128xf32, #tpu.memory_space<vmem_shared>>)
        tpu.yield
      }) : () -> ()
      %mul3A_62 = arith.constant 2 : i32
      %mul3A_63 = arith.muli %mul3A_62, %scan3A_38 : i32
      "tpu.region"() ({
        %run_scoped3A_64 = tpu.sem_alloc : memref<!tpu.dma_semaphore, #tpu.memory_space<semaphore_mem>>
        %dma_start3A_65 = arith.constant 0 : i32
        %dma_start3A_66 = tpu.memref_slice %arg10[%mul3A_63, %dma_start3A_65] : memref<125x40xi32, #tpu.memory_space<vmem>> -> memref<1x40xi32, #tpu.memory_space<vmem>>
        %dma_start3A_67 = tpu.memref_squeeze %dma_start3A_66 : memref<1x40xi32, #tpu.memory_space<vmem>> -> memref<40xi32, #tpu.memory_space<vmem>>
        %dma_start3A_68 = arith.constant 0 : i32
        %dma_start3A_69 = arith.constant 0 : i32
        %dma_start3A_70 = tpu.memref_slice %arg9[%dma_start3A_68, %dma_start3A_69] : memref<5120x128xf32, #tpu.memory_space<vmem_shared>> -> memref<5120x128xf32, #tpu.memory_space<vmem_shared>>
        tpu.enqueue_indirect_dma source(%arg13 : memref<40x128xf32, #tpu.memory_space<vmem>>) target(%dma_start3A_70 : memref<5120x128xf32, #tpu.memory_space<vmem_shared>>) offsets(%dma_start3A_67 : memref<40xi32, #tpu.memory_space<vmem>>) semaphore(%run_scoped3A_64 : memref<!tpu.dma_semaphore, #tpu.memory_space<semaphore_mem>>) {add = true}
        %dma_wait3A_71 = arith.constant 0 : i32
        %dma_wait3A_72 = tpu.memref_slice %arg10[%mul3A_63, %dma_wait3A_71] : memref<125x40xi32, #tpu.memory_space<vmem>> -> memref<1x40xi32, #tpu.memory_space<vmem>>
        %dma_wait3A_73 = tpu.memref_squeeze %dma_wait3A_72 : memref<1x40xi32, #tpu.memory_space<vmem>> -> memref<40xi32, #tpu.memory_space<vmem>>
        %dma_wait3A_74 = arith.constant 0 : i32
        %dma_wait3A_75 = arith.constant 0 : i32
        %dma_wait3A_76 = tpu.memref_slice %arg9[%dma_wait3A_74, %dma_wait3A_75] : memref<5120x128xf32, #tpu.memory_space<vmem_shared>> -> memref<5120x128xf32, #tpu.memory_space<vmem_shared>>
        tpu.wait_indirect_dma semaphore(%run_scoped3A_64 : memref<!tpu.dma_semaphore, #tpu.memory_space<semaphore_mem>>) src(%arg13 : memref<40x128xf32, #tpu.memory_space<vmem>>) dst(%dma_wait3A_76 : memref<5120x128xf32, #tpu.memory_space<vmem_shared>>)
        tpu.yield
      }) : () -> ()
    }
    %scan3A_13 = arith.constant 62 : i32
    %add3A_14 = arith.constant 5000 : i32
    %add3A_15 = arith.addi %mul3A_2, %add3A_14 : i32
    %sub3A = arith.constant 40 : i32
    %sub3A_16 = arith.subi %add3A_15, %sub3A : i32
    %dma_start3A = arith.constant 0 : i32
    %dma_start3A_17 = tpu.memref_slice %arg2[%sub3A_16, %dma_start3A] : memref<160000x128xf32, #tpu.memory_space<hbm>> -> memref<40x128xf32, #tpu.memory_space<hbm>>
    %dma_start3A_18 = arith.constant 0 : i32
    %dma_start3A_19 = tpu.memref_slice %arg2[%sub3A_16, %dma_start3A_18] : memref<160000x128xf32, #tpu.memory_space<hbm>> -> memref<40x128xf32, #tpu.memory_space<hbm>>
    tpu.enqueue_dma source(%dma_start3A_19 : memref<40x128xf32, #tpu.memory_space<hbm>>) target(%arg11 : memref<40x128xf32, #tpu.memory_space<vmem>>) target_semaphore(%arg14 : memref<!tpu.dma_semaphore, #tpu.memory_space<semaphore_mem>>)
    %dma_wait3A = arith.constant 0 : i32
    %dma_wait3A_20 = arith.constant 0 : i32
    %dma_wait3A_21 = tpu.memref_slice %arg2[%dma_wait3A, %dma_wait3A_20] : memref<160000x128xf32, #tpu.memory_space<hbm>> -> memref<40x128xf32, #tpu.memory_space<hbm>>
    %dma_wait3A_22 = arith.constant 0 : i32
    %dma_wait3A_23 = arith.constant 0 : i32
    %dma_wait3A_24 = tpu.memref_slice %arg2[%dma_wait3A_22, %dma_wait3A_23] : memref<160000x128xf32, #tpu.memory_space<hbm>> -> memref<40x128xf32, #tpu.memory_space<hbm>>
    tpu.wait_dma2 semaphore(%arg15 : memref<!tpu.dma_semaphore, #tpu.memory_space<semaphore_mem>>) src(%dma_wait3A_24 : memref<40x128xf32, #tpu.memory_space<hbm>>) dst(%arg12 : memref<40x128xf32, #tpu.memory_space<vmem>>)
    %run_scoped3A = arith.constant 123 : i32
    "tpu.region"() ({
      %run_scoped3A_38 = tpu.sem_alloc : memref<!tpu.dma_semaphore, #tpu.memory_space<semaphore_mem>>
      %dma_start3A_39 = arith.constant 0 : i32
      %dma_start3A_40 = tpu.memref_slice %arg10[%run_scoped3A, %dma_start3A_39] : memref<125x40xi32, #tpu.memory_space<vmem>> -> memref<1x40xi32, #tpu.memory_space<vmem>>
      %dma_start3A_41 = tpu.memref_squeeze %dma_start3A_40 : memref<1x40xi32, #tpu.memory_space<vmem>> -> memref<40xi32, #tpu.memory_space<vmem>>
      %dma_start3A_42 = arith.constant 0 : i32
      %dma_start3A_43 = arith.constant 0 : i32
      %dma_start3A_44 = tpu.memref_slice %arg8[%dma_start3A_42, %dma_start3A_43] : memref<5120x128xf32, #tpu.memory_space<vmem_shared>> -> memref<5120x128xf32, #tpu.memory_space<vmem_shared>>
      tpu.enqueue_indirect_dma source(%arg12 : memref<40x128xf32, #tpu.memory_space<vmem>>) target(%dma_start3A_44 : memref<5120x128xf32, #tpu.memory_space<vmem_shared>>) offsets(%dma_start3A_41 : memref<40xi32, #tpu.memory_space<vmem>>) semaphore(%run_scoped3A_38 : memref<!tpu.dma_semaphore, #tpu.memory_space<semaphore_mem>>) {add = true}
      %dma_wait3A_45 = arith.constant 0 : i32
      %dma_wait3A_46 = tpu.memref_slice %arg10[%run_scoped3A, %dma_wait3A_45] : memref<125x40xi32, #tpu.memory_space<vmem>> -> memref<1x40xi32, #tpu.memory_space<vmem>>
      %dma_wait3A_47 = tpu.memref_squeeze %dma_wait3A_46 : memref<1x40xi32, #tpu.memory_space<vmem>> -> memref<40xi32, #tpu.memory_space<vmem>>
      %dma_wait3A_48 = arith.constant 0 : i32
      %dma_wait3A_49 = arith.constant 0 : i32
      %dma_wait3A_50 = tpu.memref_slice %arg8[%dma_wait3A_48, %dma_wait3A_49] : memref<5120x128xf32, #tpu.memory_space<vmem_shared>> -> memref<5120x128xf32, #tpu.memory_space<vmem_shared>>
      tpu.wait_indirect_dma semaphore(%run_scoped3A_38 : memref<!tpu.dma_semaphore, #tpu.memory_space<semaphore_mem>>) src(%arg12 : memref<40x128xf32, #tpu.memory_space<vmem>>) dst(%dma_wait3A_50 : memref<5120x128xf32, #tpu.memory_space<vmem_shared>>)
      tpu.yield
    }) : () -> ()
    %run_scoped3A_25 = arith.constant 123 : i32
    "tpu.region"() ({
      %run_scoped3A_38 = tpu.sem_alloc : memref<!tpu.dma_semaphore, #tpu.memory_space<semaphore_mem>>
      %dma_start3A_39 = arith.constant 0 : i32
      %dma_start3A_40 = tpu.memref_slice %arg10[%run_scoped3A_25, %dma_start3A_39] : memref<125x40xi32, #tpu.memory_space<vmem>> -> memref<1x40xi32, #tpu.memory_space<vmem>>
      %dma_start3A_41 = tpu.memref_squeeze %dma_start3A_40 : memref<1x40xi32, #tpu.memory_space<vmem>> -> memref<40xi32, #tpu.memory_space<vmem>>
      %dma_start3A_42 = arith.constant 0 : i32
      %dma_start3A_43 = arith.constant 0 : i32
      %dma_start3A_44 = tpu.memref_slice %arg9[%dma_start3A_42, %dma_start3A_43] : memref<5120x128xf32, #tpu.memory_space<vmem_shared>> -> memref<5120x128xf32, #tpu.memory_space<vmem_shared>>
      tpu.enqueue_indirect_dma source(%arg13 : memref<40x128xf32, #tpu.memory_space<vmem>>) target(%dma_start3A_44 : memref<5120x128xf32, #tpu.memory_space<vmem_shared>>) offsets(%dma_start3A_41 : memref<40xi32, #tpu.memory_space<vmem>>) semaphore(%run_scoped3A_38 : memref<!tpu.dma_semaphore, #tpu.memory_space<semaphore_mem>>) {add = true}
      %dma_wait3A_45 = arith.constant 0 : i32
      %dma_wait3A_46 = tpu.memref_slice %arg10[%run_scoped3A_25, %dma_wait3A_45] : memref<125x40xi32, #tpu.memory_space<vmem>> -> memref<1x40xi32, #tpu.memory_space<vmem>>
      %dma_wait3A_47 = tpu.memref_squeeze %dma_wait3A_46 : memref<1x40xi32, #tpu.memory_space<vmem>> -> memref<40xi32, #tpu.memory_space<vmem>>
      %dma_wait3A_48 = arith.constant 0 : i32
      %dma_wait3A_49 = arith.constant 0 : i32
      %dma_wait3A_50 = tpu.memref_slice %arg9[%dma_wait3A_48, %dma_wait3A_49] : memref<5120x128xf32, #tpu.memory_space<vmem_shared>> -> memref<5120x128xf32, #tpu.memory_space<vmem_shared>>
      tpu.wait_indirect_dma semaphore(%run_scoped3A_38 : memref<!tpu.dma_semaphore, #tpu.memory_space<semaphore_mem>>) src(%arg13 : memref<40x128xf32, #tpu.memory_space<vmem>>) dst(%dma_wait3A_50 : memref<5120x128xf32, #tpu.memory_space<vmem_shared>>)
      tpu.yield
    }) : () -> ()
    %dma_wait3A_26 = arith.constant 0 : i32
    %dma_wait3A_27 = tpu.memref_slice %arg2[%sub3A_16, %dma_wait3A_26] : memref<160000x128xf32, #tpu.memory_space<hbm>> -> memref<40x128xf32, #tpu.memory_space<hbm>>
    %dma_wait3A_28 = arith.constant 0 : i32
    %dma_wait3A_29 = tpu.memref_slice %arg2[%sub3A_16, %dma_wait3A_28] : memref<160000x128xf32, #tpu.memory_space<hbm>> -> memref<40x128xf32, #tpu.memory_space<hbm>>
    tpu.wait_dma2 semaphore(%arg14 : memref<!tpu.dma_semaphore, #tpu.memory_space<semaphore_mem>>) src(%dma_wait3A_29 : memref<40x128xf32, #tpu.memory_space<hbm>>) dst(%arg11 : memref<40x128xf32, #tpu.memory_space<vmem>>)
    %run_scoped3A_30 = arith.constant 124 : i32
    "tpu.region"() ({
      %run_scoped3A_38 = tpu.sem_alloc : memref<!tpu.dma_semaphore, #tpu.memory_space<semaphore_mem>>
      %dma_start3A_39 = arith.constant 0 : i32
      %dma_start3A_40 = tpu.memref_slice %arg10[%run_scoped3A_30, %dma_start3A_39] : memref<125x40xi32, #tpu.memory_space<vmem>> -> memref<1x40xi32, #tpu.memory_space<vmem>>
      %dma_start3A_41 = tpu.memref_squeeze %dma_start3A_40 : memref<1x40xi32, #tpu.memory_space<vmem>> -> memref<40xi32, #tpu.memory_space<vmem>>
      %dma_start3A_42 = arith.constant 0 : i32
      %dma_start3A_43 = arith.constant 0 : i32
      %dma_start3A_44 = tpu.memref_slice %arg8[%dma_start3A_42, %dma_start3A_43] : memref<5120x128xf32, #tpu.memory_space<vmem_shared>> -> memref<5120x128xf32, #tpu.memory_space<vmem_shared>>
      tpu.enqueue_indirect_dma source(%arg11 : memref<40x128xf32, #tpu.memory_space<vmem>>) target(%dma_start3A_44 : memref<5120x128xf32, #tpu.memory_space<vmem_shared>>) offsets(%dma_start3A_41 : memref<40xi32, #tpu.memory_space<vmem>>) semaphore(%run_scoped3A_38 : memref<!tpu.dma_semaphore, #tpu.memory_space<semaphore_mem>>) {add = true}
      %dma_wait3A_45 = arith.constant 0 : i32
      %dma_wait3A_46 = tpu.memref_slice %arg10[%run_scoped3A_30, %dma_wait3A_45] : memref<125x40xi32, #tpu.memory_space<vmem>> -> memref<1x40xi32, #tpu.memory_space<vmem>>
      %dma_wait3A_47 = tpu.memref_squeeze %dma_wait3A_46 : memref<1x40xi32, #tpu.memory_space<vmem>> -> memref<40xi32, #tpu.memory_space<vmem>>
      %dma_wait3A_48 = arith.constant 0 : i32
      %dma_wait3A_49 = arith.constant 0 : i32
      %dma_wait3A_50 = tpu.memref_slice %arg8[%dma_wait3A_48, %dma_wait3A_49] : memref<5120x128xf32, #tpu.memory_space<vmem_shared>> -> memref<5120x128xf32, #tpu.memory_space<vmem_shared>>
      tpu.wait_indirect_dma semaphore(%run_scoped3A_38 : memref<!tpu.dma_semaphore, #tpu.memory_space<semaphore_mem>>) src(%arg11 : memref<40x128xf32, #tpu.memory_space<vmem>>) dst(%dma_wait3A_50 : memref<5120x128xf32, #tpu.memory_space<vmem_shared>>)
      tpu.yield
    }) : () -> ()
    %run_scoped3A_31 = arith.constant 124 : i32
    "tpu.region"() ({
      %run_scoped3A_38 = tpu.sem_alloc : memref<!tpu.dma_semaphore, #tpu.memory_space<semaphore_mem>>
      %dma_start3A_39 = arith.constant 0 : i32
      %dma_start3A_40 = tpu.memref_slice %arg10[%run_scoped3A_31, %dma_start3A_39] : memref<125x40xi32, #tpu.memory_space<vmem>> -> memref<1x40xi32, #tpu.memory_space<vmem>>
      %dma_start3A_41 = tpu.memref_squeeze %dma_start3A_40 : memref<1x40xi32, #tpu.memory_space<vmem>> -> memref<40xi32, #tpu.memory_space<vmem>>
      %dma_start3A_42 = arith.constant 0 : i32
      %dma_start3A_43 = arith.constant 0 : i32
      %dma_start3A_44 = tpu.memref_slice %arg9[%dma_start3A_42, %dma_start3A_43] : memref<5120x128xf32, #tpu.memory_space<vmem_shared>> -> memref<5120x128xf32, #tpu.memory_space<vmem_shared>>
      tpu.enqueue_indirect_dma source(%arg13 : memref<40x128xf32, #tpu.memory_space<vmem>>) target(%dma_start3A_44 : memref<5120x128xf32, #tpu.memory_space<vmem_shared>>) offsets(%dma_start3A_41 : memref<40xi32, #tpu.memory_space<vmem>>) semaphore(%run_scoped3A_38 : memref<!tpu.dma_semaphore, #tpu.memory_space<semaphore_mem>>) {add = true}
      %dma_wait3A_45 = arith.constant 0 : i32
      %dma_wait3A_46 = tpu.memref_slice %arg10[%run_scoped3A_31, %dma_wait3A_45] : memref<125x40xi32, #tpu.memory_space<vmem>> -> memref<1x40xi32, #tpu.memory_space<vmem>>
      %dma_wait3A_47 = tpu.memref_squeeze %dma_wait3A_46 : memref<1x40xi32, #tpu.memory_space<vmem>> -> memref<40xi32, #tpu.memory_space<vmem>>
      %dma_wait3A_48 = arith.constant 0 : i32
      %dma_wait3A_49 = arith.constant 0 : i32
      %dma_wait3A_50 = tpu.memref_slice %arg9[%dma_wait3A_48, %dma_wait3A_49] : memref<5120x128xf32, #tpu.memory_space<vmem_shared>> -> memref<5120x128xf32, #tpu.memory_space<vmem_shared>>
      tpu.wait_indirect_dma semaphore(%run_scoped3A_38 : memref<!tpu.dma_semaphore, #tpu.memory_space<semaphore_mem>>) src(%arg13 : memref<40x128xf32, #tpu.memory_space<vmem>>) dst(%dma_wait3A_50 : memref<5120x128xf32, #tpu.memory_space<vmem_shared>>)
      tpu.yield
    }) : () -> ()
    %barrier3A_32 = arith.constant 0 : index
    tpu.barrier barrier_id(%barrier3A_32)
    %scan3A_33 = arith.constant 0 : i32
    %scan3A_34 = arith.constant 8 : i32
    %scan3A_35 = arith.addi %scan3A_33, %scan3A_34 : i32
    %scan3A_36 = arith.constant 1 : i32
    scf.for %scan3A_38 = %scan3A_33 to %scan3A_35 step %scan3A_36  : i32 {
      %mul3A_39 = arith.constant 40 : i32
      %mul3A_40 = arith.muli %scan3A_38, %mul3A_39 : i32
      %add3A_41 = arith.addi %mul3A_4, %mul3A_40 : i32
      "tpu.region"() ({
        %run_scoped3A_42 = tpu.sem_alloc : memref<!tpu.dma_semaphore, #tpu.memory_space<semaphore_mem>>
        %dma_start3A_43 = arith.constant 0 : i32
        %dma_start3A_44 = tpu.memref_slice %arg8[%add3A_41, %dma_start3A_43] : memref<5120x128xf32, #tpu.memory_space<vmem_shared>> -> memref<40x128xf32, #tpu.memory_space<vmem_shared>>
        %dma_start3A_45 = arith.constant 0 : i32
        %dma_start3A_46 = tpu.memref_slice %arg8[%add3A_41, %dma_start3A_45] : memref<5120x128xf32, #tpu.memory_space<vmem_shared>> -> memref<40x128xf32, #tpu.memory_space<vmem_shared>>
        tpu.enqueue_dma source(%dma_start3A_46 : memref<40x128xf32, #tpu.memory_space<vmem_shared>>) target(%arg11 : memref<40x128xf32, #tpu.memory_space<vmem>>) target_semaphore(%run_scoped3A_42 : memref<!tpu.dma_semaphore, #tpu.memory_space<semaphore_mem>>)
        %dma_wait3A_47 = arith.constant 0 : i32
        %dma_wait3A_48 = tpu.memref_slice %arg8[%add3A_41, %dma_wait3A_47] : memref<5120x128xf32, #tpu.memory_space<vmem_shared>> -> memref<40x128xf32, #tpu.memory_space<vmem_shared>>
        %dma_wait3A_49 = arith.constant 0 : i32
        %dma_wait3A_50 = tpu.memref_slice %arg8[%add3A_41, %dma_wait3A_49] : memref<5120x128xf32, #tpu.memory_space<vmem_shared>> -> memref<40x128xf32, #tpu.memory_space<vmem_shared>>
        tpu.wait_dma2 semaphore(%run_scoped3A_42 : memref<!tpu.dma_semaphore, #tpu.memory_space<semaphore_mem>>) src(%dma_wait3A_50 : memref<40x128xf32, #tpu.memory_space<vmem_shared>>) dst(%arg11 : memref<40x128xf32, #tpu.memory_space<vmem>>)
        tpu.yield
      }) : () -> ()
      "tpu.region"() ({
        %run_scoped3A_42 = tpu.sem_alloc : memref<!tpu.dma_semaphore, #tpu.memory_space<semaphore_mem>>
        %dma_start3A_43 = arith.constant 0 : i32
        %dma_start3A_44 = tpu.memref_slice %arg6[%arg0, %add3A_41, %dma_start3A_43] : memref<2x5120x128xf32, #tpu.memory_space<hbm>> -> memref<1x40x128xf32, #tpu.memory_space<hbm>>
        %dma_start3A_45 = tpu.memref_squeeze %dma_start3A_44 : memref<1x40x128xf32, #tpu.memory_space<hbm>> -> memref<40x128xf32, #tpu.memory_space<hbm>>
        %dma_start3A_46 = arith.constant 0 : i32
        %dma_start3A_47 = tpu.memref_slice %arg6[%arg0, %add3A_41, %dma_start3A_46] : memref<2x5120x128xf32, #tpu.memory_space<hbm>> -> memref<1x40x128xf32, #tpu.memory_space<hbm>>
        %dma_start3A_48 = tpu.memref_squeeze %dma_start3A_47 : memref<1x40x128xf32, #tpu.memory_space<hbm>> -> memref<40x128xf32, #tpu.memory_space<hbm>>
        tpu.enqueue_dma source(%arg11 : memref<40x128xf32, #tpu.memory_space<vmem>>) target(%dma_start3A_48 : memref<40x128xf32, #tpu.memory_space<hbm>>) target_semaphore(%run_scoped3A_42 : memref<!tpu.dma_semaphore, #tpu.memory_space<semaphore_mem>>)
        %dma_wait3A_49 = arith.constant 0 : i32
        %dma_wait3A_50 = tpu.memref_slice %arg6[%arg0, %add3A_41, %dma_wait3A_49] : memref<2x5120x128xf32, #tpu.memory_space<hbm>> -> memref<1x40x128xf32, #tpu.memory_space<hbm>>
        %dma_wait3A_51 = tpu.memref_squeeze %dma_wait3A_50 : memref<1x40x128xf32, #tpu.memory_space<hbm>> -> memref<40x128xf32, #tpu.memory_space<hbm>>
        %dma_wait3A_52 = arith.constant 0 : i32
        %dma_wait3A_53 = tpu.memref_slice %arg6[%arg0, %add3A_41, %dma_wait3A_52] : memref<2x5120x128xf32, #tpu.memory_space<hbm>> -> memref<1x40x128xf32, #tpu.memory_space<hbm>>
        %dma_wait3A_54 = tpu.memref_squeeze %dma_wait3A_53 : memref<1x40x128xf32, #tpu.memory_space<hbm>> -> memref<40x128xf32, #tpu.memory_space<hbm>>
        tpu.wait_dma2 semaphore(%run_scoped3A_42 : memref<!tpu.dma_semaphore, #tpu.memory_space<semaphore_mem>>) src(%arg11 : memref<40x128xf32, #tpu.memory_space<vmem>>) dst(%dma_wait3A_54 : memref<40x128xf32, #tpu.memory_space<hbm>>)
        tpu.yield
      }) : () -> ()
      "tpu.region"() ({
        %run_scoped3A_42 = tpu.sem_alloc : memref<!tpu.dma_semaphore, #tpu.memory_space<semaphore_mem>>
        %dma_start3A_43 = arith.constant 0 : i32
        %dma_start3A_44 = tpu.memref_slice %arg9[%add3A_41, %dma_start3A_43] : memref<5120x128xf32, #tpu.memory_space<vmem_shared>> -> memref<40x128xf32, #tpu.memory_space<vmem_shared>>
        %dma_start3A_45 = arith.constant 0 : i32
        %dma_start3A_46 = tpu.memref_slice %arg9[%add3A_41, %dma_start3A_45] : memref<5120x128xf32, #tpu.memory_space<vmem_shared>> -> memref<40x128xf32, #tpu.memory_space<vmem_shared>>
        tpu.enqueue_dma source(%dma_start3A_46 : memref<40x128xf32, #tpu.memory_space<vmem_shared>>) target(%arg13 : memref<40x128xf32, #tpu.memory_space<vmem>>) target_semaphore(%run_scoped3A_42 : memref<!tpu.dma_semaphore, #tpu.memory_space<semaphore_mem>>)
        %dma_wait3A_47 = arith.constant 0 : i32
        %dma_wait3A_48 = tpu.memref_slice %arg9[%add3A_41, %dma_wait3A_47] : memref<5120x128xf32, #tpu.memory_space<vmem_shared>> -> memref<40x128xf32, #tpu.memory_space<vmem_shared>>
        %dma_wait3A_49 = arith.constant 0 : i32
        %dma_wait3A_50 = tpu.memref_slice %arg9[%add3A_41, %dma_wait3A_49] : memref<5120x128xf32, #tpu.memory_space<vmem_shared>> -> memref<40x128xf32, #tpu.memory_space<vmem_shared>>
        tpu.wait_dma2 semaphore(%run_scoped3A_42 : memref<!tpu.dma_semaphore, #tpu.memory_space<semaphore_mem>>) src(%dma_wait3A_50 : memref<40x128xf32, #tpu.memory_space<vmem_shared>>) dst(%arg13 : memref<40x128xf32, #tpu.memory_space<vmem>>)
        tpu.yield
      }) : () -> ()
      "tpu.region"() ({
        %run_scoped3A_42 = tpu.sem_alloc : memref<!tpu.dma_semaphore, #tpu.memory_space<semaphore_mem>>
        %dma_start3A_43 = arith.constant 0 : i32
        %dma_start3A_44 = tpu.memref_slice %arg7[%arg0, %add3A_41, %dma_start3A_43] : memref<2x5120x128xf32, #tpu.memory_space<hbm>> -> memref<1x40x128xf32, #tpu.memory_space<hbm>>
        %dma_start3A_45 = tpu.memref_squeeze %dma_start3A_44 : memref<1x40x128xf32, #tpu.memory_space<hbm>> -> memref<40x128xf32, #tpu.memory_space<hbm>>
        %dma_start3A_46 = arith.constant 0 : i32
        %dma_start3A_47 = tpu.memref_slice %arg7[%arg0, %add3A_41, %dma_start3A_46] : memref<2x5120x128xf32, #tpu.memory_space<hbm>> -> memref<1x40x128xf32, #tpu.memory_space<hbm>>
        %dma_start3A_48 = tpu.memref_squeeze %dma_start3A_47 : memref<1x40x128xf32, #tpu.memory_space<hbm>> -> memref<40x128xf32, #tpu.memory_space<hbm>>
        tpu.enqueue_dma source(%arg13 : memref<40x128xf32, #tpu.memory_space<vmem>>) target(%dma_start3A_48 : memref<40x128xf32, #tpu.memory_space<hbm>>) target_semaphore(%run_scoped3A_42 : memref<!tpu.dma_semaphore, #tpu.memory_space<semaphore_mem>>)
        %dma_wait3A_49 = arith.constant 0 : i32
        %dma_wait3A_50 = tpu.memref_slice %arg7[%arg0, %add3A_41, %dma_wait3A_49] : memref<2x5120x128xf32, #tpu.memory_space<hbm>> -> memref<1x40x128xf32, #tpu.memory_space<hbm>>
        %dma_wait3A_51 = tpu.memref_squeeze %dma_wait3A_50 : memref<1x40x128xf32, #tpu.memory_space<hbm>> -> memref<40x128xf32, #tpu.memory_space<hbm>>
        %dma_wait3A_52 = arith.constant 0 : i32
        %dma_wait3A_53 = tpu.memref_slice %arg7[%arg0, %add3A_41, %dma_wait3A_52] : memref<2x5120x128xf32, #tpu.memory_space<hbm>> -> memref<1x40x128xf32, #tpu.memory_space<hbm>>
        %dma_wait3A_54 = tpu.memref_squeeze %dma_wait3A_53 : memref<1x40x128xf32, #tpu.memory_space<hbm>> -> memref<40x128xf32, #tpu.memory_space<hbm>>
        tpu.wait_dma2 semaphore(%run_scoped3A_42 : memref<!tpu.dma_semaphore, #tpu.memory_space<semaphore_mem>>) src(%arg13 : memref<40x128xf32, #tpu.memory_space<vmem>>) dst(%dma_wait3A_54 : memref<40x128xf32, #tpu.memory_space<hbm>>)
        tpu.yield
      }) : () -> ()
    }
    %scan3A_37 = arith.constant 8 : i32
    return
  }
}

#map = affine_map<(d0, d1) -> (0, 0)>
#map1 = affine_map<(d0, d1) -> (0, 0, 0)>
module attributes {stable_mosaic.version = 14 : i64} {
  func.func @k(%arg0: i32, %arg1: i32, %arg2: memref<160000x128xf32, #tpu.memory_space<hbm>>, %arg3: memref<32x125x40xi32, #tpu.memory_space<hbm>>, %arg4: memref<40x128xf32, #tpu.memory_space<hbm>>, %arg5: memref<40x128xf32, #tpu.memory_space<hbm>>, %arg6: memref<2x5120x128xf32, #tpu.memory_space<hbm>>, %arg7: memref<2x5120x128xf32, #tpu.memory_space<hbm>>, %arg8: memref<5120x128xf32, #tpu.memory_space<vmem_shared>>, %arg9: memref<5120x128xf32, #tpu.memory_space<vmem_shared>>, %arg10: memref<125x40xi32, #tpu.memory_space<vmem>>, %arg11: memref<40x128xf32, #tpu.memory_space<vmem>>, %arg12: memref<40x128xf32, #tpu.memory_space<vmem>>, %arg13: memref<40x128xf32, #tpu.memory_space<vmem>>, %arg14: memref<!tpu.dma_semaphore, #tpu.memory_space<semaphore_mem>>, %arg15: memref<!tpu.dma_semaphore, #tpu.memory_space<semaphore_mem>>) attributes {dimension_semantics = [#tpu.dimension_semantics<core_parallel>, #tpu.dimension_semantics<subcore_parallel>], iteration_bounds = array<i64: 2, 16>, scalar_prefetch = 0 : i64, scratch_operands = 8 : i64, tpu.core_type = #tpu.core_type<sc_vector_subcore>, window_params = [{transform_indices = #map}, {transform_indices = #map1}, {transform_indices = #map}, {transform_indices = #map}, {transform_indices = #map1}, {transform_indices = #map1}]} {
    %mul3A = arith.constant 2 : i32
    %mul3A_0 = arith.muli %arg1, %mul3A : i32
    %add3A = arith.addi %mul3A_0, %arg0 : i32
    %mul3A_1 = arith.constant 5000 : i32
    %mul3A_2 = arith.muli %add3A, %mul3A_1 : i32
    %mul3A_3 = arith.constant 320 : i32
    %mul3A_4 = arith.muli %arg1, %mul3A_3 : i32
    "tpu.region"() ({
      %run_scoped3A_38 = tpu.sem_alloc : memref<!tpu.dma_semaphore, #tpu.memory_space<semaphore_mem>>
      %dma_start3A_39 = arith.constant 0 : i32
      %dma_start3A_40 = arith.constant 0 : i32
      %dma_start3A_41 = tpu.memref_slice %arg3[%add3A, %dma_start3A_39, %dma_start3A_40] : memref<32x125x40xi32, #tpu.memory_space<hbm>> -> memref<1x125x40xi32, #tpu.memory_space<hbm>>
      %dma_start3A_42 = tpu.memref_squeeze %dma_start3A_41 : memref<1x125x40xi32, #tpu.memory_space<hbm>> -> memref<125x40xi32, #tpu.memory_space<hbm>>
      %dma_start3A_43 = arith.constant 0 : i32
      %dma_start3A_44 = arith.constant 0 : i32
      %dma_start3A_45 = tpu.memref_slice %arg3[%add3A, %dma_start3A_43, %dma_start3A_44] : memref<32x125x40xi32, #tpu.memory_space<hbm>> -> memref<1x125x40xi32, #tpu.memory_space<hbm>>
      %dma_start3A_46 = tpu.memref_squeeze %dma_start3A_45 : memref<1x125x40xi32, #tpu.memory_space<hbm>> -> memref<125x40xi32, #tpu.memory_space<hbm>>
      tpu.enqueue_dma source(%dma_start3A_46 : memref<125x40xi32, #tpu.memory_space<hbm>>) target(%arg10 : memref<125x40xi32, #tpu.memory_space<vmem>>) target_semaphore(%run_scoped3A_38 : memref<!tpu.dma_semaphore, #tpu.memory_space<semaphore_mem>>)
      %dma_wait3A_47 = arith.constant 0 : i32
      %dma_wait3A_48 = arith.constant 0 : i32
      %dma_wait3A_49 = tpu.memref_slice %arg3[%add3A, %dma_wait3A_47, %dma_wait3A_48] : memref<32x125x40xi32, #tpu.memory_space<hbm>> -> memref<1x125x40xi32, #tpu.memory_space<hbm>>
      %dma_wait3A_50 = tpu.memref_squeeze %dma_wait3A_49 : memref<1x125x40xi32, #tpu.memory_space<hbm>> -> memref<125x40xi32, #tpu.memory_space<hbm>>
      %dma_wait3A_51 = arith.constant 0 : i32
      %dma_wait3A_52 = arith.constant 0 : i32
      %dma_wait3A_53 = tpu.memref_slice %arg3[%add3A, %dma_wait3A_51, %dma_wait3A_52] : memref<32x125x40xi32, #tpu.memory_space<hbm>> -> memref<1x125x40xi32, #tpu.memory_space<hbm>>
      %dma_wait3A_54 = tpu.memref_squeeze %dma_wait3A_53 : memref<1x125x40xi32, #tpu.memory_space<hbm>> -> memref<125x40xi32, #tpu.memory_space<hbm>>
      tpu.wait_dma2 semaphore(%run_scoped3A_38 : memref<!tpu.dma_semaphore, #tpu.memory_space<semaphore_mem>>) src(%dma_wait3A_54 : memref<125x40xi32, #tpu.memory_space<hbm>>) dst(%arg10 : memref<125x40xi32, #tpu.memory_space<vmem>>)
      tpu.yield
    }) : () -> ()
    "tpu.region"() ({
      %run_scoped3A_38 = tpu.sem_alloc : memref<!tpu.dma_semaphore, #tpu.memory_space<semaphore_mem>>
      tpu.enqueue_dma source(%arg4 : memref<40x128xf32, #tpu.memory_space<hbm>>) target(%arg11 : memref<40x128xf32, #tpu.memory_space<vmem>>) target_semaphore(%run_scoped3A_38 : memref<!tpu.dma_semaphore, #tpu.memory_space<semaphore_mem>>)
      tpu.wait_dma2 semaphore(%run_scoped3A_38 : memref<!tpu.dma_semaphore, #tpu.memory_space<semaphore_mem>>) src(%arg4 : memref<40x128xf32, #tpu.memory_space<hbm>>) dst(%arg11 : memref<40x128xf32, #tpu.memory_space<vmem>>)
      tpu.yield
    }) : () -> ()
    %scan3A = arith.constant 0 : i32
    %scan3A_5 = arith.constant 8 : i32
    %scan3A_6 = arith.addi %scan3A, %scan3A_5 : i32
    %scan3A_7 = arith.constant 1 : i32
    scf.for %scan3A_38 = %scan3A to %scan3A_6 step %scan3A_7  : i32 {
      %mul3A_39 = arith.constant 40 : i32
      %mul3A_40 = arith.muli %scan3A_38, %mul3A_39 : i32
      %add3A_41 = arith.addi %mul3A_4, %mul3A_40 : i32
      "tpu.region"() ({
        %run_scoped3A_45 = tpu.sem_alloc : memref<!tpu.dma_semaphore, #tpu.memory_space<semaphore_mem>>
        %dma_start3A_46 = arith.constant 0 : i32
        %dma_start3A_47 = tpu.memref_slice %arg8[%add3A_41, %dma_start3A_46] : memref<5120x128xf32, #tpu.memory_space<vmem_shared>> -> memref<40x128xf32, #tpu.memory_space<vmem_shared>>
        %dma_start3A_48 = arith.constant 0 : i32
        %dma_start3A_49 = tpu.memref_slice %arg8[%add3A_41, %dma_start3A_48] : memref<5120x128xf32, #tpu.memory_space<vmem_shared>> -> memref<40x128xf32, #tpu.memory_space<vmem_shared>>
        tpu.enqueue_dma source(%arg11 : memref<40x128xf32, #tpu.memory_space<vmem>>) target(%dma_start3A_49 : memref<40x128xf32, #tpu.memory_space<vmem_shared>>) target_semaphore(%run_scoped3A_45 : memref<!tpu.dma_semaphore, #tpu.memory_space<semaphore_mem>>)
        %dma_wait3A_50 = arith.constant 0 : i32
        %dma_wait3A_51 = tpu.memref_slice %arg8[%add3A_41, %dma_wait3A_50] : memref<5120x128xf32, #tpu.memory_space<vmem_shared>> -> memref<40x128xf32, #tpu.memory_space<vmem_shared>>
        %dma_wait3A_52 = arith.constant 0 : i32
        %dma_wait3A_53 = tpu.memref_slice %arg8[%add3A_41, %dma_wait3A_52] : memref<5120x128xf32, #tpu.memory_space<vmem_shared>> -> memref<40x128xf32, #tpu.memory_space<vmem_shared>>
        tpu.wait_dma2 semaphore(%run_scoped3A_45 : memref<!tpu.dma_semaphore, #tpu.memory_space<semaphore_mem>>) src(%arg11 : memref<40x128xf32, #tpu.memory_space<vmem>>) dst(%dma_wait3A_53 : memref<40x128xf32, #tpu.memory_space<vmem_shared>>)
        tpu.yield
      }) : () -> ()
      %mul3A_42 = arith.constant 40 : i32
      %mul3A_43 = arith.muli %scan3A_38, %mul3A_42 : i32
      %add3A_44 = arith.addi %mul3A_4, %mul3A_43 : i32
      "tpu.region"() ({
        %run_scoped3A_45 = tpu.sem_alloc : memref<!tpu.dma_semaphore, #tpu.memory_space<semaphore_mem>>
        %dma_start3A_46 = arith.constant 0 : i32
        %dma_start3A_47 = tpu.memref_slice %arg9[%add3A_44, %dma_start3A_46] : memref<5120x128xf32, #tpu.memory_space<vmem_shared>> -> memref<40x128xf32, #tpu.memory_space<vmem_shared>>
        %dma_start3A_48 = arith.constant 0 : i32
        %dma_start3A_49 = tpu.memref_slice %arg9[%add3A_44, %dma_start3A_48] : memref<5120x128xf32, #tpu.memory_space<vmem_shared>> -> memref<40x128xf32, #tpu.memory_space<vmem_shared>>
        tpu.enqueue_dma source(%arg11 : memref<40x128xf32, #tpu.memory_space<vmem>>) target(%dma_start3A_49 : memref<40x128xf32, #tpu.memory_space<vmem_shared>>) target_semaphore(%run_scoped3A_45 : memref<!tpu.dma_semaphore, #tpu.memory_space<semaphore_mem>>)
        %dma_wait3A_50 = arith.constant 0 : i32
        %dma_wait3A_51 = tpu.memref_slice %arg9[%add3A_44, %dma_wait3A_50] : memref<5120x128xf32, #tpu.memory_space<vmem_shared>> -> memref<40x128xf32, #tpu.memory_space<vmem_shared>>
        %dma_wait3A_52 = arith.constant 0 : i32
        %dma_wait3A_53 = tpu.memref_slice %arg9[%add3A_44, %dma_wait3A_52] : memref<5120x128xf32, #tpu.memory_space<vmem_shared>> -> memref<40x128xf32, #tpu.memory_space<vmem_shared>>
        tpu.wait_dma2 semaphore(%run_scoped3A_45 : memref<!tpu.dma_semaphore, #tpu.memory_space<semaphore_mem>>) src(%arg11 : memref<40x128xf32, #tpu.memory_space<vmem>>) dst(%dma_wait3A_53 : memref<40x128xf32, #tpu.memory_space<vmem_shared>>)
        tpu.yield
      }) : () -> ()
    }
    %scan3A_8 = arith.constant 8 : i32
    "tpu.region"() ({
      %run_scoped3A_38 = tpu.sem_alloc : memref<!tpu.dma_semaphore, #tpu.memory_space<semaphore_mem>>
      tpu.enqueue_dma source(%arg5 : memref<40x128xf32, #tpu.memory_space<hbm>>) target(%arg13 : memref<40x128xf32, #tpu.memory_space<vmem>>) target_semaphore(%run_scoped3A_38 : memref<!tpu.dma_semaphore, #tpu.memory_space<semaphore_mem>>)
      tpu.wait_dma2 semaphore(%run_scoped3A_38 : memref<!tpu.dma_semaphore, #tpu.memory_space<semaphore_mem>>) src(%arg5 : memref<40x128xf32, #tpu.memory_space<hbm>>) dst(%arg13 : memref<40x128xf32, #tpu.memory_space<vmem>>)
      tpu.yield
    }) : () -> ()
    %barrier3A = arith.constant 0 : index
    tpu.barrier barrier_id(%barrier3A)
    %scan3A_9 = arith.constant 0 : i32
    %scan3A_10 = arith.constant 62 : i32
    %scan3A_11 = arith.addi %scan3A_9, %scan3A_10 : i32
    %scan3A_12 = arith.constant 1 : i32
    scf.for %scan3A_38 = %scan3A_9 to %scan3A_11 step %scan3A_12  : i32 {
      %mul3A_39 = arith.constant 2 : i32
      %mul3A_40 = arith.muli %mul3A_39, %scan3A_38 : i32
      %mul3A_41 = arith.constant 40 : i32
      %mul3A_42 = arith.muli %mul3A_40, %mul3A_41 : i32
      %add3A_43 = arith.addi %mul3A_2, %mul3A_42 : i32
      %add3A_44 = arith.constant 40 : i32
      %add3A_45 = arith.addi %add3A_43, %add3A_44 : i32
      %dma_start3A_46 = arith.constant 0 : i32
      %dma_start3A_47 = tpu.memref_slice %arg2[%add3A_43, %dma_start3A_46] : memref<160000x128xf32, #tpu.memory_space<hbm>> -> memref<40x128xf32, #tpu.memory_space<hbm>>
      %dma_start3A_48 = arith.constant 0 : i32
      %dma_start3A_49 = tpu.memref_slice %arg2[%add3A_43, %dma_start3A_48] : memref<160000x128xf32, #tpu.memory_space<hbm>> -> memref<40x128xf32, #tpu.memory_space<hbm>>
      tpu.enqueue_dma source(%dma_start3A_49 : memref<40x128xf32, #tpu.memory_space<hbm>>) target(%arg11 : memref<40x128xf32, #tpu.memory_space<vmem>>) target_semaphore(%arg14 : memref<!tpu.dma_semaphore, #tpu.memory_space<semaphore_mem>>)
      %gt3A = arith.constant 0 : i32
      %gt3A_50 = arith.cmpi sgt, %scan3A_38, %gt3A : i32
      %convert_element_type3A = arith.extui %gt3A_50 : i1 to i32
      %cond3A = arith.constant 0 : i32
      %cond3A_51 = arith.cmpi ne, %convert_element_type3A, %cond3A : i32
      scf.if %cond3A_51 {
        %mul3A_64 = arith.constant 2 : i32
        %mul3A_65 = arith.muli %mul3A_64, %scan3A_38 : i32
        %sub3A_66 = arith.constant 1 : i32
        %sub3A_67 = arith.subi %mul3A_65, %sub3A_66 : i32
        %dma_wait3A_68 = arith.constant 0 : i32
        %dma_wait3A_69 = arith.constant 0 : i32
        %dma_wait3A_70 = tpu.memref_slice %arg2[%dma_wait3A_68, %dma_wait3A_69] : memref<160000x128xf32, #tpu.memory_space<hbm>> -> memref<40x128xf32, #tpu.memory_space<hbm>>
        %dma_wait3A_71 = arith.constant 0 : i32
        %dma_wait3A_72 = arith.constant 0 : i32
        %dma_wait3A_73 = tpu.memref_slice %arg2[%dma_wait3A_71, %dma_wait3A_72] : memref<160000x128xf32, #tpu.memory_space<hbm>> -> memref<40x128xf32, #tpu.memory_space<hbm>>
        tpu.wait_dma2 semaphore(%arg15 : memref<!tpu.dma_semaphore, #tpu.memory_space<semaphore_mem>>) src(%dma_wait3A_73 : memref<40x128xf32, #tpu.memory_space<hbm>>) dst(%arg12 : memref<40x128xf32, #tpu.memory_space<vmem>>)
        "tpu.region"() ({
          %run_scoped3A_74 = tpu.sem_alloc : memref<!tpu.dma_semaphore, #tpu.memory_space<semaphore_mem>>
          %dma_start3A_75 = arith.constant 0 : i32
          %dma_start3A_76 = tpu.memref_slice %arg10[%sub3A_67, %dma_start3A_75] : memref<125x40xi32, #tpu.memory_space<vmem>> -> memref<1x40xi32, #tpu.memory_space<vmem>>
          %dma_start3A_77 = tpu.memref_squeeze %dma_start3A_76 : memref<1x40xi32, #tpu.memory_space<vmem>> -> memref<40xi32, #tpu.memory_space<vmem>>
          %dma_start3A_78 = arith.constant 0 : i32
          %dma_start3A_79 = arith.constant 0 : i32
          %dma_start3A_80 = tpu.memref_slice %arg8[%dma_start3A_78, %dma_start3A_79] : memref<5120x128xf32, #tpu.memory_space<vmem_shared>> -> memref<5120x128xf32, #tpu.memory_space<vmem_shared>>
          tpu.enqueue_indirect_dma source(%arg12 : memref<40x128xf32, #tpu.memory_space<vmem>>) target(%dma_start3A_80 : memref<5120x128xf32, #tpu.memory_space<vmem_shared>>) offsets(%dma_start3A_77 : memref<40xi32, #tpu.memory_space<vmem>>) semaphore(%run_scoped3A_74 : memref<!tpu.dma_semaphore, #tpu.memory_space<semaphore_mem>>) {add = true}
          %dma_wait3A_81 = arith.constant 0 : i32
          %dma_wait3A_82 = tpu.memref_slice %arg10[%sub3A_67, %dma_wait3A_81] : memref<125x40xi32, #tpu.memory_space<vmem>> -> memref<1x40xi32, #tpu.memory_space<vmem>>
          %dma_wait3A_83 = tpu.memref_squeeze %dma_wait3A_82 : memref<1x40xi32, #tpu.memory_space<vmem>> -> memref<40xi32, #tpu.memory_space<vmem>>
          %dma_wait3A_84 = arith.constant 0 : i32
          %dma_wait3A_85 = arith.constant 0 : i32
          %dma_wait3A_86 = tpu.memref_slice %arg8[%dma_wait3A_84, %dma_wait3A_85] : memref<5120x128xf32, #tpu.memory_space<vmem_shared>> -> memref<5120x128xf32, #tpu.memory_space<vmem_shared>>
          tpu.wait_indirect_dma semaphore(%run_scoped3A_74 : memref<!tpu.dma_semaphore, #tpu.memory_space<semaphore_mem>>) src(%arg12 : memref<40x128xf32, #tpu.memory_space<vmem>>) dst(%dma_wait3A_86 : memref<5120x128xf32, #tpu.memory_space<vmem_shared>>)
          tpu.yield
        }) : () -> ()
        "tpu.region"() ({
          %run_scoped3A_74 = tpu.sem_alloc : memref<!tpu.dma_semaphore, #tpu.memory_space<semaphore_mem>>
          %dma_start3A_75 = arith.constant 0 : i32
          %dma_start3A_76 = tpu.memref_slice %arg10[%sub3A_67, %dma_start3A_75] : memref<125x40xi32, #tpu.memory_space<vmem>> -> memref<1x40xi32, #tpu.memory_space<vmem>>
          %dma_start3A_77 = tpu.memref_squeeze %dma_start3A_76 : memref<1x40xi32, #tpu.memory_space<vmem>> -> memref<40xi32, #tpu.memory_space<vmem>>
          %dma_start3A_78 = arith.constant 0 : i32
          %dma_start3A_79 = arith.constant 0 : i32
          %dma_start3A_80 = tpu.memref_slice %arg9[%dma_start3A_78, %dma_start3A_79] : memref<5120x128xf32, #tpu.memory_space<vmem_shared>> -> memref<5120x128xf32, #tpu.memory_space<vmem_shared>>
          tpu.enqueue_indirect_dma source(%arg13 : memref<40x128xf32, #tpu.memory_space<vmem>>) target(%dma_start3A_80 : memref<5120x128xf32, #tpu.memory_space<vmem_shared>>) offsets(%dma_start3A_77 : memref<40xi32, #tpu.memory_space<vmem>>) semaphore(%run_scoped3A_74 : memref<!tpu.dma_semaphore, #tpu.memory_space<semaphore_mem>>) {add = true}
          %dma_wait3A_81 = arith.constant 0 : i32
          %dma_wait3A_82 = tpu.memref_slice %arg10[%sub3A_67, %dma_wait3A_81] : memref<125x40xi32, #tpu.memory_space<vmem>> -> memref<1x40xi32, #tpu.memory_space<vmem>>
          %dma_wait3A_83 = tpu.memref_squeeze %dma_wait3A_82 : memref<1x40xi32, #tpu.memory_space<vmem>> -> memref<40xi32, #tpu.memory_space<vmem>>
          %dma_wait3A_84 = arith.constant 0 : i32
          %dma_wait3A_85 = arith.constant 0 : i32
          %dma_wait3A_86 = tpu.memref_slice %arg9[%dma_wait3A_84, %dma_wait3A_85] : memref<5120x128xf32, #tpu.memory_space<vmem_shared>> -> memref<5120x128xf32, #tpu.memory_space<vmem_shared>>
          tpu.wait_indirect_dma semaphore(%run_scoped3A_74 : memref<!tpu.dma_semaphore, #tpu.memory_space<semaphore_mem>>) src(%arg13 : memref<40x128xf32, #tpu.memory_space<vmem>>) dst(%dma_wait3A_86 : memref<5120x128xf32, #tpu.memory_space<vmem_shared>>)
          tpu.yield
        }) : () -> ()
      } else {
      }
      %dma_start3A_52 = arith.constant 0 : i32
      %dma_start3A_53 = tpu.memref_slice %arg2[%add3A_45, %dma_start3A_52] : memref<160000x128xf32, #tpu.memory_space<hbm>> -> memref<40x128xf32, #tpu.memory_space<hbm>>
      %dma_start3A_54 = arith.constant 0 : i32
      %dma_start3A_55 = tpu.memref_slice %arg2[%add3A_45, %dma_start3A_54] : memref<160000x128xf32, #tpu.memory_space<hbm>> -> memref<40x128xf32, #tpu.memory_space<hbm>>
      tpu.enqueue_dma source(%dma_start3A_55 : memref<40x128xf32, #tpu.memory_space<hbm>>) target(%arg12 : memref<40x128xf32, #tpu.memory_space<vmem>>) target_semaphore(%arg15 : memref<!tpu.dma_semaphore, #tpu.memory_space<semaphore_mem>>)
      %dma_wait3A_56 = arith.constant 0 : i32
      %dma_wait3A_57 = tpu.memref_slice %arg2[%add3A_43, %dma_wait3A_56] : memref<160000x128xf32, #tpu.memory_space<hbm>> -> memref<40x128xf32, #tpu.memory_space<hbm>>
      %dma_wait3A_58 = arith.constant 0 : i32
      %dma_wait3A_59 = tpu.memref_slice %arg2[%add3A_43, %dma_wait3A_58] : memref<160000x128xf32, #tpu.memory_space<hbm>> -> memref<40x128xf32, #tpu.memory_space<hbm>>
      tpu.wait_dma2 semaphore(%arg14 : memref<!tpu.dma_semaphore, #tpu.memory_space<semaphore_mem>>) src(%dma_wait3A_59 : memref<40x128xf32, #tpu.memory_space<hbm>>) dst(%arg11 : memref<40x128xf32, #tpu.memory_space<vmem>>)
      %mul3A_60 = arith.constant 2 : i32
      %mul3A_61 = arith.muli %mul3A_60, %scan3A_38 : i32
      "tpu.region"() ({
        %run_scoped3A_64 = tpu.sem_alloc : memref<!tpu.dma_semaphore, #tpu.memory_space<semaphore_mem>>
        %dma_start3A_65 = arith.constant 0 : i32
        %dma_start3A_66 = tpu.memref_slice %arg10[%mul3A_61, %dma_start3A_65] : memref<125x40xi32, #tpu.memory_space<vmem>> -> memref<1x40xi32, #tpu.memory_space<vmem>>
        %dma_start3A_67 = tpu.memref_squeeze %dma_start3A_66 : memref<1x40xi32, #tpu.memory_space<vmem>> -> memref<40xi32, #tpu.memory_space<vmem>>
        %dma_start3A_68 = arith.constant 0 : i32
        %dma_start3A_69 = arith.constant 0 : i32
        %dma_start3A_70 = tpu.memref_slice %arg8[%dma_start3A_68, %dma_start3A_69] : memref<5120x128xf32, #tpu.memory_space<vmem_shared>> -> memref<5120x128xf32, #tpu.memory_space<vmem_shared>>
        tpu.enqueue_indirect_dma source(%arg11 : memref<40x128xf32, #tpu.memory_space<vmem>>) target(%dma_start3A_70 : memref<5120x128xf32, #tpu.memory_space<vmem_shared>>) offsets(%dma_start3A_67 : memref<40xi32, #tpu.memory_space<vmem>>) semaphore(%run_scoped3A_64 : memref<!tpu.dma_semaphore, #tpu.memory_space<semaphore_mem>>) {add = true}
        %dma_wait3A_71 = arith.constant 0 : i32
        %dma_wait3A_72 = tpu.memref_slice %arg10[%mul3A_61, %dma_wait3A_71] : memref<125x40xi32, #tpu.memory_space<vmem>> -> memref<1x40xi32, #tpu.memory_space<vmem>>
        %dma_wait3A_73 = tpu.memref_squeeze %dma_wait3A_72 : memref<1x40xi32, #tpu.memory_space<vmem>> -> memref<40xi32, #tpu.memory_space<vmem>>
        %dma_wait3A_74 = arith.constant 0 : i32
        %dma_wait3A_75 = arith.constant 0 : i32
        %dma_wait3A_76 = tpu.memref_slice %arg8[%dma_wait3A_74, %dma_wait3A_75] : memref<5120x128xf32, #tpu.memory_space<vmem_shared>> -> memref<5120x128xf32, #tpu.memory_space<vmem_shared>>
        tpu.wait_indirect_dma semaphore(%run_scoped3A_64 : memref<!tpu.dma_semaphore, #tpu.memory_space<semaphore_mem>>) src(%arg11 : memref<40x128xf32, #tpu.memory_space<vmem>>) dst(%dma_wait3A_76 : memref<5120x128xf32, #tpu.memory_space<vmem_shared>>)
        tpu.yield
      }) : () -> ()
      %mul3A_62 = arith.constant 2 : i32
      %mul3A_63 = arith.muli %mul3A_62, %scan3A_38 : i32
      "tpu.region"() ({
        %run_scoped3A_64 = tpu.sem_alloc : memref<!tpu.dma_semaphore, #tpu.memory_space<semaphore_mem>>
        %dma_start3A_65 = arith.constant 0 : i32
        %dma_start3A_66 = tpu.memref_slice %arg10[%mul3A_63, %dma_start3A_65] : memref<125x40xi32, #tpu.memory_space<vmem>> -> memref<1x40xi32, #tpu.memory_space<vmem>>
        %dma_start3A_67 = tpu.memref_squeeze %dma_start3A_66 : memref<1x40xi32, #tpu.memory_space<vmem>> -> memref<40xi32, #tpu.memory_space<vmem>>
        %dma_start3A_68 = arith.constant 0 : i32
        %dma_start3A_69 = arith.constant 0 : i32
        %dma_start3A_70 = tpu.memref_slice %arg9[%dma_start3A_68, %dma_start3A_69] : memref<5120x128xf32, #tpu.memory_space<vmem_shared>> -> memref<5120x128xf32, #tpu.memory_space<vmem_shared>>
        tpu.enqueue_indirect_dma source(%arg13 : memref<40x128xf32, #tpu.memory_space<vmem>>) target(%dma_start3A_70 : memref<5120x128xf32, #tpu.memory_space<vmem_shared>>) offsets(%dma_start3A_67 : memref<40xi32, #tpu.memory_space<vmem>>) semaphore(%run_scoped3A_64 : memref<!tpu.dma_semaphore, #tpu.memory_space<semaphore_mem>>) {add = true}
        %dma_wait3A_71 = arith.constant 0 : i32
        %dma_wait3A_72 = tpu.memref_slice %arg10[%mul3A_63, %dma_wait3A_71] : memref<125x40xi32, #tpu.memory_space<vmem>> -> memref<1x40xi32, #tpu.memory_space<vmem>>
        %dma_wait3A_73 = tpu.memref_squeeze %dma_wait3A_72 : memref<1x40xi32, #tpu.memory_space<vmem>> -> memref<40xi32, #tpu.memory_space<vmem>>
        %dma_wait3A_74 = arith.constant 0 : i32
        %dma_wait3A_75 = arith.constant 0 : i32
        %dma_wait3A_76 = tpu.memref_slice %arg9[%dma_wait3A_74, %dma_wait3A_75] : memref<5120x128xf32, #tpu.memory_space<vmem_shared>> -> memref<5120x128xf32, #tpu.memory_space<vmem_shared>>
        tpu.wait_indirect_dma semaphore(%run_scoped3A_64 : memref<!tpu.dma_semaphore, #tpu.memory_space<semaphore_mem>>) src(%arg13 : memref<40x128xf32, #tpu.memory_space<vmem>>) dst(%dma_wait3A_76 : memref<5120x128xf32, #tpu.memory_space<vmem_shared>>)
        tpu.yield
      }) : () -> ()
    }
    %scan3A_13 = arith.constant 62 : i32
    %add3A_14 = arith.constant 5000 : i32
    %add3A_15 = arith.addi %mul3A_2, %add3A_14 : i32
    %sub3A = arith.constant 40 : i32
    %sub3A_16 = arith.subi %add3A_15, %sub3A : i32
    %dma_start3A = arith.constant 0 : i32
    %dma_start3A_17 = tpu.memref_slice %arg2[%sub3A_16, %dma_start3A] : memref<160000x128xf32, #tpu.memory_space<hbm>> -> memref<40x128xf32, #tpu.memory_space<hbm>>
    %dma_start3A_18 = arith.constant 0 : i32
    %dma_start3A_19 = tpu.memref_slice %arg2[%sub3A_16, %dma_start3A_18] : memref<160000x128xf32, #tpu.memory_space<hbm>> -> memref<40x128xf32, #tpu.memory_space<hbm>>
    tpu.enqueue_dma source(%dma_start3A_19 : memref<40x128xf32, #tpu.memory_space<hbm>>) target(%arg11 : memref<40x128xf32, #tpu.memory_space<vmem>>) target_semaphore(%arg14 : memref<!tpu.dma_semaphore, #tpu.memory_space<semaphore_mem>>)
    %dma_wait3A = arith.constant 0 : i32
    %dma_wait3A_20 = arith.constant 0 : i32
    %dma_wait3A_21 = tpu.memref_slice %arg2[%dma_wait3A, %dma_wait3A_20] : memref<160000x128xf32, #tpu.memory_space<hbm>> -> memref<40x128xf32, #tpu.memory_space<hbm>>
    %dma_wait3A_22 = arith.constant 0 : i32
    %dma_wait3A_23 = arith.constant 0 : i32
    %dma_wait3A_24 = tpu.memref_slice %arg2[%dma_wait3A_22, %dma_wait3A_23] : memref<160000x128xf32, #tpu.memory_space<hbm>> -> memref<40x128xf32, #tpu.memory_space<hbm>>
    tpu.wait_dma2 semaphore(%arg15 : memref<!tpu.dma_semaphore, #tpu.memory_space<semaphore_mem>>) src(%dma_wait3A_24 : memref<40x128xf32, #tpu.memory_space<hbm>>) dst(%arg12 : memref<40x128xf32, #tpu.memory_space<vmem>>)
    %run_scoped3A = arith.constant 123 : i32
    "tpu.region"() ({
      %run_scoped3A_38 = tpu.sem_alloc : memref<!tpu.dma_semaphore, #tpu.memory_space<semaphore_mem>>
      %dma_start3A_39 = arith.constant 0 : i32
      %dma_start3A_40 = tpu.memref_slice %arg10[%run_scoped3A, %dma_start3A_39] : memref<125x40xi32, #tpu.memory_space<vmem>> -> memref<1x40xi32, #tpu.memory_space<vmem>>
      %dma_start3A_41 = tpu.memref_squeeze %dma_start3A_40 : memref<1x40xi32, #tpu.memory_space<vmem>> -> memref<40xi32, #tpu.memory_space<vmem>>
      %dma_start3A_42 = arith.constant 0 : i32
      %dma_start3A_43 = arith.constant 0 : i32
      %dma_start3A_44 = tpu.memref_slice %arg8[%dma_start3A_42, %dma_start3A_43] : memref<5120x128xf32, #tpu.memory_space<vmem_shared>> -> memref<5120x128xf32, #tpu.memory_space<vmem_shared>>
      tpu.enqueue_indirect_dma source(%arg12 : memref<40x128xf32, #tpu.memory_space<vmem>>) target(%dma_start3A_44 : memref<5120x128xf32, #tpu.memory_space<vmem_shared>>) offsets(%dma_start3A_41 : memref<40xi32, #tpu.memory_space<vmem>>) semaphore(%run_scoped3A_38 : memref<!tpu.dma_semaphore, #tpu.memory_space<semaphore_mem>>) {add = true}
      %dma_wait3A_45 = arith.constant 0 : i32
      %dma_wait3A_46 = tpu.memref_slice %arg10[%run_scoped3A, %dma_wait3A_45] : memref<125x40xi32, #tpu.memory_space<vmem>> -> memref<1x40xi32, #tpu.memory_space<vmem>>
      %dma_wait3A_47 = tpu.memref_squeeze %dma_wait3A_46 : memref<1x40xi32, #tpu.memory_space<vmem>> -> memref<40xi32, #tpu.memory_space<vmem>>
      %dma_wait3A_48 = arith.constant 0 : i32
      %dma_wait3A_49 = arith.constant 0 : i32
      %dma_wait3A_50 = tpu.memref_slice %arg8[%dma_wait3A_48, %dma_wait3A_49] : memref<5120x128xf32, #tpu.memory_space<vmem_shared>> -> memref<5120x128xf32, #tpu.memory_space<vmem_shared>>
      tpu.wait_indirect_dma semaphore(%run_scoped3A_38 : memref<!tpu.dma_semaphore, #tpu.memory_space<semaphore_mem>>) src(%arg12 : memref<40x128xf32, #tpu.memory_space<vmem>>) dst(%dma_wait3A_50 : memref<5120x128xf32, #tpu.memory_space<vmem_shared>>)
      tpu.yield
    }) : () -> ()
    %run_scoped3A_25 = arith.constant 123 : i32
    "tpu.region"() ({
      %run_scoped3A_38 = tpu.sem_alloc : memref<!tpu.dma_semaphore, #tpu.memory_space<semaphore_mem>>
      %dma_start3A_39 = arith.constant 0 : i32
      %dma_start3A_40 = tpu.memref_slice %arg10[%run_scoped3A_25, %dma_start3A_39] : memref<125x40xi32, #tpu.memory_space<vmem>> -> memref<1x40xi32, #tpu.memory_space<vmem>>
      %dma_start3A_41 = tpu.memref_squeeze %dma_start3A_40 : memref<1x40xi32, #tpu.memory_space<vmem>> -> memref<40xi32, #tpu.memory_space<vmem>>
      %dma_start3A_42 = arith.constant 0 : i32
      %dma_start3A_43 = arith.constant 0 : i32
      %dma_start3A_44 = tpu.memref_slice %arg9[%dma_start3A_42, %dma_start3A_43] : memref<5120x128xf32, #tpu.memory_space<vmem_shared>> -> memref<5120x128xf32, #tpu.memory_space<vmem_shared>>
      tpu.enqueue_indirect_dma source(%arg13 : memref<40x128xf32, #tpu.memory_space<vmem>>) target(%dma_start3A_44 : memref<5120x128xf32, #tpu.memory_space<vmem_shared>>) offsets(%dma_start3A_41 : memref<40xi32, #tpu.memory_space<vmem>>) semaphore(%run_scoped3A_38 : memref<!tpu.dma_semaphore, #tpu.memory_space<semaphore_mem>>) {add = true}
      %dma_wait3A_45 = arith.constant 0 : i32
      %dma_wait3A_46 = tpu.memref_slice %arg10[%run_scoped3A_25, %dma_wait3A_45] : memref<125x40xi32, #tpu.memory_space<vmem>> -> memref<1x40xi32, #tpu.memory_space<vmem>>
      %dma_wait3A_47 = tpu.memref_squeeze %dma_wait3A_46 : memref<1x40xi32, #tpu.memory_space<vmem>> -> memref<40xi32, #tpu.memory_space<vmem>>
      %dma_wait3A_48 = arith.constant 0 : i32
      %dma_wait3A_49 = arith.constant 0 : i32
      %dma_wait3A_50 = tpu.memref_slice %arg9[%dma_wait3A_48, %dma_wait3A_49] : memref<5120x128xf32, #tpu.memory_space<vmem_shared>> -> memref<5120x128xf32, #tpu.memory_space<vmem_shared>>
      tpu.wait_indirect_dma semaphore(%run_scoped3A_38 : memref<!tpu.dma_semaphore, #tpu.memory_space<semaphore_mem>>) src(%arg13 : memref<40x128xf32, #tpu.memory_space<vmem>>) dst(%dma_wait3A_50 : memref<5120x128xf32, #tpu.memory_space<vmem_shared>>)
      tpu.yield
    }) : () -> ()
    %dma_wait3A_26 = arith.constant 0 : i32
    %dma_wait3A_27 = tpu.memref_slice %arg2[%sub3A_16, %dma_wait3A_26] : memref<160000x128xf32, #tpu.memory_space<hbm>> -> memref<40x128xf32, #tpu.memory_space<hbm>>
    %dma_wait3A_28 = arith.constant 0 : i32
    %dma_wait3A_29 = tpu.memref_slice %arg2[%sub3A_16, %dma_wait3A_28] : memref<160000x128xf32, #tpu.memory_space<hbm>> -> memref<40x128xf32, #tpu.memory_space<hbm>>
    tpu.wait_dma2 semaphore(%arg14 : memref<!tpu.dma_semaphore, #tpu.memory_space<semaphore_mem>>) src(%dma_wait3A_29 : memref<40x128xf32, #tpu.memory_space<hbm>>) dst(%arg11 : memref<40x128xf32, #tpu.memory_space<vmem>>)
    %run_scoped3A_30 = arith.constant 124 : i32
    "tpu.region"() ({
      %run_scoped3A_38 = tpu.sem_alloc : memref<!tpu.dma_semaphore, #tpu.memory_space<semaphore_mem>>
      %dma_start3A_39 = arith.constant 0 : i32
      %dma_start3A_40 = tpu.memref_slice %arg10[%run_scoped3A_30, %dma_start3A_39] : memref<125x40xi32, #tpu.memory_space<vmem>> -> memref<1x40xi32, #tpu.memory_space<vmem>>
      %dma_start3A_41 = tpu.memref_squeeze %dma_start3A_40 : memref<1x40xi32, #tpu.memory_space<vmem>> -> memref<40xi32, #tpu.memory_space<vmem>>
      %dma_start3A_42 = arith.constant 0 : i32
      %dma_start3A_43 = arith.constant 0 : i32
      %dma_start3A_44 = tpu.memref_slice %arg8[%dma_start3A_42, %dma_start3A_43] : memref<5120x128xf32, #tpu.memory_space<vmem_shared>> -> memref<5120x128xf32, #tpu.memory_space<vmem_shared>>
      tpu.enqueue_indirect_dma source(%arg11 : memref<40x128xf32, #tpu.memory_space<vmem>>) target(%dma_start3A_44 : memref<5120x128xf32, #tpu.memory_space<vmem_shared>>) offsets(%dma_start3A_41 : memref<40xi32, #tpu.memory_space<vmem>>) semaphore(%run_scoped3A_38 : memref<!tpu.dma_semaphore, #tpu.memory_space<semaphore_mem>>) {add = true}
      %dma_wait3A_45 = arith.constant 0 : i32
      %dma_wait3A_46 = tpu.memref_slice %arg10[%run_scoped3A_30, %dma_wait3A_45] : memref<125x40xi32, #tpu.memory_space<vmem>> -> memref<1x40xi32, #tpu.memory_space<vmem>>
      %dma_wait3A_47 = tpu.memref_squeeze %dma_wait3A_46 : memref<1x40xi32, #tpu.memory_space<vmem>> -> memref<40xi32, #tpu.memory_space<vmem>>
      %dma_wait3A_48 = arith.constant 0 : i32
      %dma_wait3A_49 = arith.constant 0 : i32
      %dma_wait3A_50 = tpu.memref_slice %arg8[%dma_wait3A_48, %dma_wait3A_49] : memref<5120x128xf32, #tpu.memory_space<vmem_shared>> -> memref<5120x128xf32, #tpu.memory_space<vmem_shared>>
      tpu.wait_indirect_dma semaphore(%run_scoped3A_38 : memref<!tpu.dma_semaphore, #tpu.memory_space<semaphore_mem>>) src(%arg11 : memref<40x128xf32, #tpu.memory_space<vmem>>) dst(%dma_wait3A_50 : memref<5120x128xf32, #tpu.memory_space<vmem_shared>>)
      tpu.yield
    }) : () -> ()
    %run_scoped3A_31 = arith.constant 124 : i32
    "tpu.region"() ({
      %run_scoped3A_38 = tpu.sem_alloc : memref<!tpu.dma_semaphore, #tpu.memory_space<semaphore_mem>>
      %dma_start3A_39 = arith.constant 0 : i32
      %dma_start3A_40 = tpu.memref_slice %arg10[%run_scoped3A_31, %dma_start3A_39] : memref<125x40xi32, #tpu.memory_space<vmem>> -> memref<1x40xi32, #tpu.memory_space<vmem>>
      %dma_start3A_41 = tpu.memref_squeeze %dma_start3A_40 : memref<1x40xi32, #tpu.memory_space<vmem>> -> memref<40xi32, #tpu.memory_space<vmem>>
      %dma_start3A_42 = arith.constant 0 : i32
      %dma_start3A_43 = arith.constant 0 : i32
      %dma_start3A_44 = tpu.memref_slice %arg9[%dma_start3A_42, %dma_start3A_43] : memref<5120x128xf32, #tpu.memory_space<vmem_shared>> -> memref<5120x128xf32, #tpu.memory_space<vmem_shared>>
      tpu.enqueue_indirect_dma source(%arg13 : memref<40x128xf32, #tpu.memory_space<vmem>>) target(%dma_start3A_44 : memref<5120x128xf32, #tpu.memory_space<vmem_shared>>) offsets(%dma_start3A_41 : memref<40xi32, #tpu.memory_space<vmem>>) semaphore(%run_scoped3A_38 : memref<!tpu.dma_semaphore, #tpu.memory_space<semaphore_mem>>) {add = true}
      %dma_wait3A_45 = arith.constant 0 : i32
      %dma_wait3A_46 = tpu.memref_slice %arg10[%run_scoped3A_31, %dma_wait3A_45] : memref<125x40xi32, #tpu.memory_space<vmem>> -> memref<1x40xi32, #tpu.memory_space<vmem>>
      %dma_wait3A_47 = tpu.memref_squeeze %dma_wait3A_46 : memref<1x40xi32, #tpu.memory_space<vmem>> -> memref<40xi32, #tpu.memory_space<vmem>>
      %dma_wait3A_48 = arith.constant 0 : i32
      %dma_wait3A_49 = arith.constant 0 : i32
      %dma_wait3A_50 = tpu.memref_slice %arg9[%dma_wait3A_48, %dma_wait3A_49] : memref<5120x128xf32, #tpu.memory_space<vmem_shared>> -> memref<5120x128xf32, #tpu.memory_space<vmem_shared>>
      tpu.wait_indirect_dma semaphore(%run_scoped3A_38 : memref<!tpu.dma_semaphore, #tpu.memory_space<semaphore_mem>>) src(%arg13 : memref<40x128xf32, #tpu.memory_space<vmem>>) dst(%dma_wait3A_50 : memref<5120x128xf32, #tpu.memory_space<vmem_shared>>)
      tpu.yield
    }) : () -> ()
    %barrier3A_32 = arith.constant 0 : index
    tpu.barrier barrier_id(%barrier3A_32)
    %scan3A_33 = arith.constant 0 : i32
    %scan3A_34 = arith.constant 8 : i32
    %scan3A_35 = arith.addi %scan3A_33, %scan3A_34 : i32
    %scan3A_36 = arith.constant 1 : i32
    scf.for %scan3A_38 = %scan3A_33 to %scan3A_35 step %scan3A_36  : i32 {
      %mul3A_39 = arith.constant 40 : i32
      %mul3A_40 = arith.muli %scan3A_38, %mul3A_39 : i32
      %add3A_41 = arith.addi %mul3A_4, %mul3A_40 : i32
      "tpu.region"() ({
        %run_scoped3A_42 = tpu.sem_alloc : memref<!tpu.dma_semaphore, #tpu.memory_space<semaphore_mem>>
        %dma_start3A_43 = arith.constant 0 : i32
        %dma_start3A_44 = tpu.memref_slice %arg8[%add3A_41, %dma_start3A_43] : memref<5120x128xf32, #tpu.memory_space<vmem_shared>> -> memref<40x128xf32, #tpu.memory_space<vmem_shared>>
        %dma_start3A_45 = arith.constant 0 : i32
        %dma_start3A_46 = tpu.memref_slice %arg8[%add3A_41, %dma_start3A_45] : memref<5120x128xf32, #tpu.memory_space<vmem_shared>> -> memref<40x128xf32, #tpu.memory_space<vmem_shared>>
        tpu.enqueue_dma source(%dma_start3A_46 : memref<40x128xf32, #tpu.memory_space<vmem_shared>>) target(%arg11 : memref<40x128xf32, #tpu.memory_space<vmem>>) target_semaphore(%run_scoped3A_42 : memref<!tpu.dma_semaphore, #tpu.memory_space<semaphore_mem>>)
        %dma_wait3A_47 = arith.constant 0 : i32
        %dma_wait3A_48 = tpu.memref_slice %arg8[%add3A_41, %dma_wait3A_47] : memref<5120x128xf32, #tpu.memory_space<vmem_shared>> -> memref<40x128xf32, #tpu.memory_space<vmem_shared>>
        %dma_wait3A_49 = arith.constant 0 : i32
        %dma_wait3A_50 = tpu.memref_slice %arg8[%add3A_41, %dma_wait3A_49] : memref<5120x128xf32, #tpu.memory_space<vmem_shared>> -> memref<40x128xf32, #tpu.memory_space<vmem_shared>>
        tpu.wait_dma2 semaphore(%run_scoped3A_42 : memref<!tpu.dma_semaphore, #tpu.memory_space<semaphore_mem>>) src(%dma_wait3A_50 : memref<40x128xf32, #tpu.memory_space<vmem_shared>>) dst(%arg11 : memref<40x128xf32, #tpu.memory_space<vmem>>)
        tpu.yield
      }) : () -> ()
      "tpu.region"() ({
        %run_scoped3A_42 = tpu.sem_alloc : memref<!tpu.dma_semaphore, #tpu.memory_space<semaphore_mem>>
        %dma_start3A_43 = arith.constant 0 : i32
        %dma_start3A_44 = tpu.memref_slice %arg6[%arg0, %add3A_41, %dma_start3A_43] : memref<2x5120x128xf32, #tpu.memory_space<hbm>> -> memref<1x40x128xf32, #tpu.memory_space<hbm>>
        %dma_start3A_45 = tpu.memref_squeeze %dma_start3A_44 : memref<1x40x128xf32, #tpu.memory_space<hbm>> -> memref<40x128xf32, #tpu.memory_space<hbm>>
        %dma_start3A_46 = arith.constant 0 : i32
        %dma_start3A_47 = tpu.memref_slice %arg6[%arg0, %add3A_41, %dma_start3A_46] : memref<2x5120x128xf32, #tpu.memory_space<hbm>> -> memref<1x40x128xf32, #tpu.memory_space<hbm>>
        %dma_start3A_48 = tpu.memref_squeeze %dma_start3A_47 : memref<1x40x128xf32, #tpu.memory_space<hbm>> -> memref<40x128xf32, #tpu.memory_space<hbm>>
        tpu.enqueue_dma source(%arg11 : memref<40x128xf32, #tpu.memory_space<vmem>>) target(%dma_start3A_48 : memref<40x128xf32, #tpu.memory_space<hbm>>) target_semaphore(%run_scoped3A_42 : memref<!tpu.dma_semaphore, #tpu.memory_space<semaphore_mem>>)
        %dma_wait3A_49 = arith.constant 0 : i32
        %dma_wait3A_50 = tpu.memref_slice %arg6[%arg0, %add3A_41, %dma_wait3A_49] : memref<2x5120x128xf32, #tpu.memory_space<hbm>> -> memref<1x40x128xf32, #tpu.memory_space<hbm>>
        %dma_wait3A_51 = tpu.memref_squeeze %dma_wait3A_50 : memref<1x40x128xf32, #tpu.memory_space<hbm>> -> memref<40x128xf32, #tpu.memory_space<hbm>>
        %dma_wait3A_52 = arith.constant 0 : i32
        %dma_wait3A_53 = tpu.memref_slice %arg6[%arg0, %add3A_41, %dma_wait3A_52] : memref<2x5120x128xf32, #tpu.memory_space<hbm>> -> memref<1x40x128xf32, #tpu.memory_space<hbm>>
        %dma_wait3A_54 = tpu.memref_squeeze %dma_wait3A_53 : memref<1x40x128xf32, #tpu.memory_space<hbm>> -> memref<40x128xf32, #tpu.memory_space<hbm>>
        tpu.wait_dma2 semaphore(%run_scoped3A_42 : memref<!tpu.dma_semaphore, #tpu.memory_space<semaphore_mem>>) src(%arg11 : memref<40x128xf32, #tpu.memory_space<vmem>>) dst(%dma_wait3A_54 : memref<40x128xf32, #tpu.memory_space<hbm>>)
        tpu.yield
      }) : () -> ()
      "tpu.region"() ({
        %run_scoped3A_42 = tpu.sem_alloc : memref<!tpu.dma_semaphore, #tpu.memory_space<semaphore_mem>>
        %dma_start3A_43 = arith.constant 0 : i32
        %dma_start3A_44 = tpu.memref_slice %arg9[%add3A_41, %dma_start3A_43] : memref<5120x128xf32, #tpu.memory_space<vmem_shared>> -> memref<40x128xf32, #tpu.memory_space<vmem_shared>>
        %dma_start3A_45 = arith.constant 0 : i32
        %dma_start3A_46 = tpu.memref_slice %arg9[%add3A_41, %dma_start3A_45] : memref<5120x128xf32, #tpu.memory_space<vmem_shared>> -> memref<40x128xf32, #tpu.memory_space<vmem_shared>>
        tpu.enqueue_dma source(%dma_start3A_46 : memref<40x128xf32, #tpu.memory_space<vmem_shared>>) target(%arg13 : memref<40x128xf32, #tpu.memory_space<vmem>>) target_semaphore(%run_scoped3A_42 : memref<!tpu.dma_semaphore, #tpu.memory_space<semaphore_mem>>)
        %dma_wait3A_47 = arith.constant 0 : i32
        %dma_wait3A_48 = tpu.memref_slice %arg9[%add3A_41, %dma_wait3A_47] : memref<5120x128xf32, #tpu.memory_space<vmem_shared>> -> memref<40x128xf32, #tpu.memory_space<vmem_shared>>
        %dma_wait3A_49 = arith.constant 0 : i32
        %dma_wait3A_50 = tpu.memref_slice %arg9[%add3A_41, %dma_wait3A_49] : memref<5120x128xf32, #tpu.memory_space<vmem_shared>> -> memref<40x128xf32, #tpu.memory_space<vmem_shared>>
        tpu.wait_dma2 semaphore(%run_scoped3A_42 : memref<!tpu.dma_semaphore, #tpu.memory_space<semaphore_mem>>) src(%dma_wait3A_50 : memref<40x128xf32, #tpu.memory_space<vmem_shared>>) dst(%arg13 : memref<40x128xf32, #tpu.memory_space<vmem>>)
        tpu.yield
      }) : () -> ()
      "tpu.region"() ({
        %run_scoped3A_42 = tpu.sem_alloc : memref<!tpu.dma_semaphore, #tpu.memory_space<semaphore_mem>>
        %dma_start3A_43 = arith.constant 0 : i32
        %dma_start3A_44 = tpu.memref_slice %arg7[%arg0, %add3A_41, %dma_start3A_43] : memref<2x5120x128xf32, #tpu.memory_space<hbm>> -> memref<1x40x128xf32, #tpu.memory_space<hbm>>
        %dma_start3A_45 = tpu.memref_squeeze %dma_start3A_44 : memref<1x40x128xf32, #tpu.memory_space<hbm>> -> memref<40x128xf32, #tpu.memory_space<hbm>>
        %dma_start3A_46 = arith.constant 0 : i32
        %dma_start3A_47 = tpu.memref_slice %arg7[%arg0, %add3A_41, %dma_start3A_46] : memref<2x5120x128xf32, #tpu.memory_space<hbm>> -> memref<1x40x128xf32, #tpu.memory_space<hbm>>
        %dma_start3A_48 = tpu.memref_squeeze %dma_start3A_47 : memref<1x40x128xf32, #tpu.memory_space<hbm>> -> memref<40x128xf32, #tpu.memory_space<hbm>>
        tpu.enqueue_dma source(%arg13 : memref<40x128xf32, #tpu.memory_space<vmem>>) target(%dma_start3A_48 : memref<40x128xf32, #tpu.memory_space<hbm>>) target_semaphore(%run_scoped3A_42 : memref<!tpu.dma_semaphore, #tpu.memory_space<semaphore_mem>>)
        %dma_wait3A_49 = arith.constant 0 : i32
        %dma_wait3A_50 = tpu.memref_slice %arg7[%arg0, %add3A_41, %dma_wait3A_49] : memref<2x5120x128xf32, #tpu.memory_space<hbm>> -> memref<1x40x128xf32, #tpu.memory_space<hbm>>
        %dma_wait3A_51 = tpu.memref_squeeze %dma_wait3A_50 : memref<1x40x128xf32, #tpu.memory_space<hbm>> -> memref<40x128xf32, #tpu.memory_space<hbm>>
        %dma_wait3A_52 = arith.constant 0 : i32
        %dma_wait3A_53 = tpu.memref_slice %arg7[%arg0, %add3A_41, %dma_wait3A_52] : memref<2x5120x128xf32, #tpu.memory_space<hbm>> -> memref<1x40x128xf32, #tpu.memory_space<hbm>>
        %dma_wait3A_54 = tpu.memref_squeeze %dma_wait3A_53 : memref<1x40x128xf32, #tpu.memory_space<hbm>> -> memref<40x128xf32, #tpu.memory_space<hbm>>
        tpu.wait_dma2 semaphore(%run_scoped3A_42 : memref<!tpu.dma_semaphore, #tpu.memory_space<semaphore_mem>>) src(%arg13 : memref<40x128xf32, #tpu.memory_space<vmem>>) dst(%dma_wait3A_54 : memref<40x128xf32, #tpu.memory_space<hbm>>)
        tpu.yield
      }) : () -> ()
    }
    %scan3A_37 = arith.constant 8 : i32
    return
  }
}

module attributes {stable_mosaic.version = 14 : i64} {
  func.func @body(%arg0: i32, %arg1: memref<2000x128xf32, #tpu.memory_space<vmem>>, %arg2: memref<128x64xf32, #tpu.memory_space<vmem>>, %arg3: memref<2000x64xf32, #tpu.memory_space<vmem>>) attributes {dimension_semantics = [#tpu.dimension_semantics<arbitrary>], iteration_bounds = array<i64: 5>, scalar_prefetch = 0 : i64, scratch_operands = 0 : i64, tpu.core_type = #tpu.core_type<tc>, window_params = [{transform_indices = @transform_0, window_bounds = array<i64: 2000, 128>}, {pipeline_mode = #tpu.pipeline_mode<synchronous>, transform_indices = @transform_1, window_bounds = array<i64: 128, 64>}, {transform_indices = @transform_2, window_bounds = array<i64: 2000, 64>}]} {
    %get3A = arith.constant 0 : index
    %get3A_0 = arith.constant 0 : index
    %get3A_1 = vector.load %arg1[%get3A, %get3A_0] : memref<2000x128xf32, #tpu.memory_space<vmem>>, vector<2000x128xf32>
    %get3A_2 = arith.constant 0 : index
    %get3A_3 = arith.constant 0 : index
    %get3A_4 = vector.load %arg2[%get3A_2, %get3A_3] : memref<128x64xf32, #tpu.memory_space<vmem>>, vector<128x64xf32>
    %dot_general3A = arith.constant dense<0.000000e+00> : vector<2000x64xf32>
    %dot_general3A_5 = tpu.matmul %get3A_1, %get3A_4, %dot_general3A {dimension_numbers = #tpu.dot_dimension_numbers<[1], [0], [0], [1], [0, 0, 1, 1], [], []>, transpose_lhs_hint = false} : vector<2000x128xf32>, vector<128x64xf32>, vector<2000x64xf32> -> vector<2000x64xf32>
    %swap3A = arith.constant 0 : index
    %swap3A_6 = arith.constant 0 : index
    %swap3A_7 = vector.load %arg3[%swap3A, %swap3A_6] : memref<2000x64xf32, #tpu.memory_space<vmem>>, vector<2000x64xf32>
    tpu.vector_store %arg3[%swap3A, %swap3A_6], %dot_general3A_5 {strides = array<i32>} : memref<2000x64xf32, #tpu.memory_space<vmem>>, vector<2000x64xf32>,
    return
  }
  func.func @transform_0(%arg0: i32) -> (i32, i32) {
    %c0_i32 = arith.constant 0 : i32
    %c0_i32_0 = arith.constant 0 : i32
    return %arg0, %c0_i32 : i32, i32
  }
  func.func @transform_1(%arg0: i32) -> (i32, i32) {
    %c0_i32 = arith.constant 0 : i32
    %c0_i32_0 = arith.constant 0 : i32
    %c0_i32_1 = arith.constant 0 : i32
    return %c0_i32, %c0_i32_0 : i32, i32
  }
  func.func @transform_2(%arg0: i32) -> (i32, i32) {
    %c0_i32 = arith.constant 0 : i32
    %c0_i32_0 = arith.constant 0 : i32
    return %arg0, %c0_i32 : i32, i32
  }
}

module attributes {stable_mosaic.version = 14 : i64} {
  func.func @body(%arg0: i32, %arg1: memref<4000x128xf32, #tpu.memory_space<vmem>>, %arg2: memref<4000x128xf32, #tpu.memory_space<vmem>>, %arg3: memref<1x1x4000xi32, #tpu.memory_space<vmem>>, %arg4: memref<1x64xf32, #tpu.memory_space<vmem>>, %arg5: memref<1x64xf32, #tpu.memory_space<vmem>>, %arg6: memref<64x64xbf16, #tpu.memory_space<vmem>>, %arg7: memref<1x64xf32, #tpu.memory_space<vmem>>, %arg8: memref<64x64xbf16, #tpu.memory_space<vmem>>, %arg9: memref<1x64xf32, #tpu.memory_space<vmem>>, %arg10: memref<64x64xbf16, #tpu.memory_space<vmem>>, %arg11: memref<1x64xf32, #tpu.memory_space<vmem>>, %arg12: memref<1x64xf32, #tpu.memory_space<vmem>>, %arg13: memref<4000x128xf32, #tpu.memory_space<vmem>>, %arg14: memref<1x1x4000xi32, #tpu.memory_space<vmem>>) attributes {dimension_semantics = [#tpu.dimension_semantics<arbitrary>], iteration_bounds = array<i64: 40>, scalar_prefetch = 0 : i64, scratch_operands = 0 : i64, tpu.core_type = #tpu.core_type<tc>, window_params = [{transform_indices = @transform_0, window_bounds = array<i64: 4000, 128>}, {transform_indices = @transform_1, window_bounds = array<i64: 4000, 128>}, {transform_indices = @transform_2, window_bounds = array<i64: 1, 1, 4000>}, {pipeline_mode = #tpu.pipeline_mode<synchronous>, transform_indices = @transform_3, window_bounds = array<i64: 1, 64>}, {pipeline_mode = #tpu.pipeline_mode<synchronous>, transform_indices = @transform_4, window_bounds = array<i64: 1, 64>}, {pipeline_mode = #tpu.pipeline_mode<synchronous>, transform_indices = @transform_5, window_bounds = array<i64: 64, 64>}, {pipeline_mode = #tpu.pipeline_mode<synchronous>, transform_indices = @transform_6, window_bounds = array<i64: 1, 64>}, {pipeline_mode = #tpu.pipeline_mode<synchronous>, transform_indices = @transform_7, window_bounds = array<i64: 64, 64>}, {pipeline_mode = #tpu.pipeline_mode<synchronous>, transform_indices = @transform_8, window_bounds = array<i64: 1, 64>}, {pipeline_mode = #tpu.pipeline_mode<synchronous>, transform_indices = @transform_9, window_bounds = array<i64: 64, 64>}, {pipeline_mode = #tpu.pipeline_mode<synchronous>, transform_indices = @transform_10, window_bounds = array<i64: 1, 64>}, {pipeline_mode = #tpu.pipeline_mode<synchronous>, transform_indices = @transform_11, window_bounds = array<i64: 1, 64>}, {transform_indices = @transform_12, window_bounds = array<i64: 4000, 128>}, {transform_indices = @transform_13, window_bounds = array<i64: 1, 1, 4000>}]} {
    %get3A = arith.constant 0 : index
    %get3A_0 = arith.constant 0 : index
    %get3A_1 = arith.constant 0 : index
    %get3A_2 = vector.load %arg3[%get3A, %get3A_0, %get3A_1] : memref<1x1x4000xi32, #tpu.memory_space<vmem>>, vector<1x1x4000xi32>
    %get3A_3 = vector.shape_cast %get3A_2 : vector<1x1x4000xi32> to vector<4000xi32>
    %ge3A = arith.constant 5000 : i32
    %ge3A_4 = vector.broadcast %ge3A : i32 to vector<4000xi32>
    %ge3A_5 = arith.cmpi sge, %get3A_3, %ge3A_4 : vector<4000xi32>
    %sub3A = arith.constant 5000 : i32
    %sub3A_6 = vector.broadcast %sub3A : i32 to vector<4000xi32>
    %sub3A_7 = arith.subi %get3A_3, %sub3A_6 : vector<4000xi32>
    %jit3A = arith.constant 5119 : i32
    %broadcast_in_dim3A = vector.broadcast %jit3A : i32 to vector<4000xi32>
    %select_n3A = arith.select %ge3A_5, %sub3A_7, %broadcast_in_dim3A : vector<4000xi1>, vector<4000xi32>
    %swap3A = arith.constant 0 : index
    %swap3A_8 = arith.constant 0 : index
    %swap3A_9 = arith.constant 0 : index
    %swap3A_10 = vector.load %arg14[%swap3A, %swap3A_8, %swap3A_9] : memref<1x1x4000xi32, #tpu.memory_space<vmem>>, vector<1x1x4000xi32>
    %swap3A_11 = vector.shape_cast %swap3A_10 : vector<1x1x4000xi32> to vector<4000xi32>
    %swap3A_12 = vector.shape_cast %select_n3A : vector<4000xi32> to vector<1x1x4000xi32>
    tpu.vector_store %arg14[%swap3A, %swap3A_8, %swap3A_9], %swap3A_12 {strides = array<i32>} : memref<1x1x4000xi32, #tpu.memory_space<vmem>>, vector<1x1x4000xi32>,
    %get3A_13 = arith.constant 0 : index
    %get3A_14 = arith.constant 0 : index
    %get3A_15 = vector.load %arg1[%get3A_13, %get3A_14] : memref<4000x128xf32, #tpu.memory_space<vmem>>, vector<4000x64xf32>
    %bitcast_convert_type3A = tpu.bitcast %get3A_15 : vector<4000x64xf32> -> vector<4000x64xi32>
    %shift_left3A = arith.constant 16 : i32
    %shift_left3A_16 = vector.broadcast %shift_left3A : i32 to vector<4000x64xi32>
    %shift_left3A_17 = arith.shli %bitcast_convert_type3A, %shift_left3A_16 : vector<4000x64xi32>
    %bitcast_convert_type3A_18 = tpu.bitcast %shift_left3A_17 : vector<4000x64xi32> -> vector<4000x64xf32>
    %and3A = arith.constant -65536 : i32
    %and3A_19 = vector.broadcast %and3A : i32 to vector<4000x64xi32>
    %and3A_20 = arith.andi %bitcast_convert_type3A, %and3A_19 : vector<4000x64xi32>
    %bitcast_convert_type3A_21 = tpu.bitcast %and3A_20 : vector<4000x64xi32> -> vector<4000x64xf32>
    %concatenate3A = tpu.concatenate %bitcast_convert_type3A_18, %bitcast_convert_type3A_21 in 1 : vector<4000x64xf32>, vector<4000x64xf32> -> vector<4000x128xf32>
    %get3A_22 = arith.constant 0 : index
    %get3A_23 = arith.constant 0 : index
    %get3A_24 = vector.load %arg2[%get3A_22, %get3A_23] : memref<4000x128xf32, #tpu.memory_space<vmem>>, vector<4000x64xf32>
    %bitcast_convert_type3A_25 = tpu.bitcast %get3A_24 : vector<4000x64xf32> -> vector<4000x64xi32>
    %shift_left3A_26 = arith.constant 16 : i32
    %shift_left3A_27 = vector.broadcast %shift_left3A_26 : i32 to vector<4000x64xi32>
    %shift_left3A_28 = arith.shli %bitcast_convert_type3A_25, %shift_left3A_27 : vector<4000x64xi32>
    %bitcast_convert_type3A_29 = tpu.bitcast %shift_left3A_28 : vector<4000x64xi32> -> vector<4000x64xf32>
    %and3A_30 = arith.constant -65536 : i32
    %and3A_31 = vector.broadcast %and3A_30 : i32 to vector<4000x64xi32>
    %and3A_32 = arith.andi %bitcast_convert_type3A_25, %and3A_31 : vector<4000x64xi32>
    %bitcast_convert_type3A_33 = tpu.bitcast %and3A_32 : vector<4000x64xi32> -> vector<4000x64xf32>
    %concatenate3A_34 = tpu.concatenate %bitcast_convert_type3A_29, %bitcast_convert_type3A_33 in 1 : vector<4000x64xf32>, vector<4000x64xf32> -> vector<4000x128xf32>
    %sub3A_35 = arith.subf %concatenate3A, %concatenate3A_34 : vector<4000x128xf32>
    %mul3A = arith.mulf %sub3A_35, %sub3A_35 : vector<4000x128xf32>
    %reduce_sum3A = arith.constant dense<0.000000e+00> : vector<4000xf32>
    %reduce_sum3A_36 = vector.multi_reduction <add>, %mul3A, %reduce_sum3A [1] : vector<4000x128xf32> to vector<4000xf32>
    %broadcast_in_dim3A_37 = vector.shape_cast %reduce_sum3A_36 : vector<4000xf32> to vector<4000x1xf32>
    %get3A_38 = arith.constant 0 : index
    %get3A_39 = arith.constant 64 : index
    %get3A_40 = vector.load %arg2[%get3A_38, %get3A_39] : memref<4000x128xf32, #tpu.memory_space<vmem>>, vector<4000x64xf32>
    %get3A_41 = arith.constant 0 : index
    %get3A_42 = arith.constant 0 : index
    %get3A_43 = vector.load %arg4[%get3A_41, %get3A_42] : memref<1x64xf32, #tpu.memory_space<vmem>>, vector<1x64xf32>
    %mul3A_44 = vector.broadcast %broadcast_in_dim3A_37 : vector<4000x1xf32> to vector<4000x64xf32>
    %mul3A_45 = vector.broadcast %get3A_43 : vector<1x64xf32> to vector<4000x64xf32>
    %mul3A_46 = arith.mulf %mul3A_44, %mul3A_45 : vector<4000x64xf32>
    %add3A = arith.addf %get3A_40, %mul3A_46 : vector<4000x64xf32>
    %get3A_47 = arith.constant 0 : index
    %get3A_48 = arith.constant 0 : index
    %get3A_49 = vector.load %arg5[%get3A_47, %get3A_48] : memref<1x64xf32, #tpu.memory_space<vmem>>, vector<1x64xf32>
    %add3A_50 = vector.broadcast %get3A_49 : vector<1x64xf32> to vector<4000x64xf32>
    %add3A_51 = arith.addf %add3A, %add3A_50 : vector<4000x64xf32>
    %logistic3A = arith.negf %add3A_51 : vector<4000x64xf32>
    %logistic3A_52 = math.exp %logistic3A : vector<4000x64xf32>
    %logistic3A_53 = arith.constant 1.000000e+00 : f32
    %logistic3A_54 = vector.broadcast %logistic3A_53 : f32 to vector<4000x64xf32>
    %logistic3A_55 = arith.addf %logistic3A_54, %logistic3A_52 : vector<4000x64xf32>
    %logistic3A_56 = arith.divf %logistic3A_54, %logistic3A_55 : vector<4000x64xf32>
    %mul3A_57 = arith.mulf %add3A_51, %logistic3A_56 : vector<4000x64xf32>
    %convert_element_type3A = arith.truncf %mul3A_57 : vector<4000x64xf32> to vector<4000x64xbf16>
    %get3A_58 = arith.constant 0 : index
    %get3A_59 = arith.constant 0 : index
    %get3A_60 = vector.load %arg6[%get3A_58, %get3A_59] : memref<64x64xbf16, #tpu.memory_space<vmem>>, vector<64x64xbf16>
    %dot_general3A = arith.constant dense<0.000000e+00> : vector<4000x64xf32>
    %dot_general3A_61 = tpu.matmul %convert_element_type3A, %get3A_60, %dot_general3A {dimension_numbers = #tpu.dot_dimension_numbers<[1], [0], [0], [1], [0, 0, 1, 1], [], []>, transpose_lhs_hint = false} : vector<4000x64xbf16>, vector<64x64xbf16>, vector<4000x64xf32> -> vector<4000x64xf32>
    %get3A_62 = arith.constant 0 : index
    %get3A_63 = arith.constant 0 : index
    %get3A_64 = vector.load %arg7[%get3A_62, %get3A_63] : memref<1x64xf32, #tpu.memory_space<vmem>>, vector<1x64xf32>
    %add3A_65 = vector.broadcast %get3A_64 : vector<1x64xf32> to vector<4000x64xf32>
    %add3A_66 = arith.addf %dot_general3A_61, %add3A_65 : vector<4000x64xf32>
    %logistic3A_67 = arith.negf %add3A_66 : vector<4000x64xf32>
    %logistic3A_68 = math.exp %logistic3A_67 : vector<4000x64xf32>
    %logistic3A_69 = arith.constant 1.000000e+00 : f32
    %logistic3A_70 = vector.broadcast %logistic3A_69 : f32 to vector<4000x64xf32>
    %logistic3A_71 = arith.addf %logistic3A_70, %logistic3A_68 : vector<4000x64xf32>
    %logistic3A_72 = arith.divf %logistic3A_70, %logistic3A_71 : vector<4000x64xf32>
    %mul3A_73 = arith.mulf %add3A_66, %logistic3A_72 : vector<4000x64xf32>
    %convert_element_type3A_74 = arith.truncf %mul3A_73 : vector<4000x64xf32> to vector<4000x64xbf16>
    %get3A_75 = arith.constant 0 : index
    %get3A_76 = arith.constant 0 : index
    %get3A_77 = vector.load %arg8[%get3A_75, %get3A_76] : memref<64x64xbf16, #tpu.memory_space<vmem>>, vector<64x64xbf16>
    %dot_general3A_78 = arith.constant dense<0.000000e+00> : vector<4000x64xf32>
    %dot_general3A_79 = tpu.matmul %convert_element_type3A_74, %get3A_77, %dot_general3A_78 {dimension_numbers = #tpu.dot_dimension_numbers<[1], [0], [0], [1], [0, 0, 1, 1], [], []>, transpose_lhs_hint = false} : vector<4000x64xbf16>, vector<64x64xbf16>, vector<4000x64xf32> -> vector<4000x64xf32>
    %get3A_80 = arith.constant 0 : index
    %get3A_81 = arith.constant 0 : index
    %get3A_82 = vector.load %arg9[%get3A_80, %get3A_81] : memref<1x64xf32, #tpu.memory_space<vmem>>, vector<1x64xf32>
    %add3A_83 = vector.broadcast %get3A_82 : vector<1x64xf32> to vector<4000x64xf32>
    %add3A_84 = arith.addf %dot_general3A_79, %add3A_83 : vector<4000x64xf32>
    %logistic3A_85 = arith.negf %add3A_84 : vector<4000x64xf32>
    %logistic3A_86 = math.exp %logistic3A_85 : vector<4000x64xf32>
    %logistic3A_87 = arith.constant 1.000000e+00 : f32
    %logistic3A_88 = vector.broadcast %logistic3A_87 : f32 to vector<4000x64xf32>
    %logistic3A_89 = arith.addf %logistic3A_88, %logistic3A_86 : vector<4000x64xf32>
    %logistic3A_90 = arith.divf %logistic3A_88, %logistic3A_89 : vector<4000x64xf32>
    %mul3A_91 = arith.mulf %add3A_84, %logistic3A_90 : vector<4000x64xf32>
    %convert_element_type3A_92 = arith.truncf %mul3A_91 : vector<4000x64xf32> to vector<4000x64xbf16>
    %get3A_93 = arith.constant 0 : index
    %get3A_94 = arith.constant 0 : index
    %get3A_95 = vector.load %arg10[%get3A_93, %get3A_94] : memref<64x64xbf16, #tpu.memory_space<vmem>>, vector<64x64xbf16>
    %dot_general3A_96 = arith.constant dense<0.000000e+00> : vector<4000x64xf32>
    %dot_general3A_97 = tpu.matmul %convert_element_type3A_92, %get3A_95, %dot_general3A_96 {dimension_numbers = #tpu.dot_dimension_numbers<[1], [0], [0], [1], [0, 0, 1, 1], [], []>, transpose_lhs_hint = false} : vector<4000x64xbf16>, vector<64x64xbf16>, vector<4000x64xf32> -> vector<4000x64xf32>
    %get3A_98 = arith.constant 0 : index
    %get3A_99 = arith.constant 0 : index
    %get3A_100 = vector.load %arg11[%get3A_98, %get3A_99] : memref<1x64xf32, #tpu.memory_space<vmem>>, vector<1x64xf32>
    %add3A_101 = vector.broadcast %get3A_100 : vector<1x64xf32> to vector<4000x64xf32>
    %add3A_102 = arith.addf %dot_general3A_97, %add3A_101 : vector<4000x64xf32>
    %logistic3A_103 = arith.negf %add3A_102 : vector<4000x64xf32>
    %logistic3A_104 = math.exp %logistic3A_103 : vector<4000x64xf32>
    %logistic3A_105 = arith.constant 1.000000e+00 : f32
    %logistic3A_106 = vector.broadcast %logistic3A_105 : f32 to vector<4000x64xf32>
    %logistic3A_107 = arith.addf %logistic3A_106, %logistic3A_104 : vector<4000x64xf32>
    %logistic3A_108 = arith.divf %logistic3A_106, %logistic3A_107 : vector<4000x64xf32>
    %mul3A_109 = arith.mulf %add3A_102, %logistic3A_108 : vector<4000x64xf32>
    %get3A_110 = arith.constant 0 : index
    %get3A_111 = arith.constant 0 : index
    %get3A_112 = vector.load %arg12[%get3A_110, %get3A_111] : memref<1x64xf32, #tpu.memory_space<vmem>>, vector<1x64xf32>
    %mul3A_113 = vector.broadcast %get3A_112 : vector<1x64xf32> to vector<4000x64xf32>
    %mul3A_114 = arith.mulf %mul3A_109, %mul3A_113 : vector<4000x64xf32>
    %reduce_sum3A_115 = arith.constant dense<0.000000e+00> : vector<4000xf32>
    %reduce_sum3A_116 = vector.multi_reduction <add>, %mul3A_114, %reduce_sum3A_115 [1] : vector<4000x64xf32> to vector<4000xf32>
    %broadcast_in_dim3A_117 = vector.shape_cast %reduce_sum3A_116 : vector<4000xf32> to vector<4000x1xf32>
    %mul3A_118 = vector.broadcast %broadcast_in_dim3A_117 : vector<4000x1xf32> to vector<4000x128xf32>
    %mul3A_119 = arith.mulf %sub3A_35, %mul3A_118 : vector<4000x128xf32>
    %swap3A_120 = arith.constant 0 : index
    %swap3A_121 = arith.constant 0 : index
    %swap3A_122 = vector.load %arg13[%swap3A_120, %swap3A_121] : memref<4000x128xf32, #tpu.memory_space<vmem>>, vector<4000x128xf32>
    tpu.vector_store %arg13[%swap3A_120, %swap3A_121], %mul3A_119 {strides = array<i32>} : memref<4000x128xf32, #tpu.memory_space<vmem>>, vector<4000x128xf32>,
    return
  }
  func.func @transform_0(%arg0: i32) -> (i32, i32) {
    %c0_i32 = arith.constant 0 : i32
    %c0_i32_0 = arith.constant 0 : i32
    return %arg0, %c0_i32 : i32, i32
  }
  func.func @transform_1(%arg0: i32) -> (i32, i32) {
    %c0_i32 = arith.constant 0 : i32
    %c0_i32_0 = arith.constant 0 : i32
    return %arg0, %c0_i32 : i32, i32
  }
  func.func @transform_2(%arg0: i32) -> (i32, i32, i32) {
    %c0_i32 = arith.constant 0 : i32
    %c0_i32_0 = arith.constant 0 : i32
    %c0_i32_1 = arith.constant 0 : i32
    return %arg0, %c0_i32, %c0_i32_0 : i32, i32, i32
  }
  func.func @transform_3(%arg0: i32) -> (i32, i32) {
    %c0_i32 = arith.constant 0 : i32
    %c0_i32_0 = arith.constant 0 : i32
    %c0_i32_1 = arith.constant 0 : i32
    return %c0_i32, %c0_i32_0 : i32, i32
  }
  func.func @transform_4(%arg0: i32) -> (i32, i32) {
    %c0_i32 = arith.constant 0 : i32
    %c0_i32_0 = arith.constant 0 : i32
    %c0_i32_1 = arith.constant 0 : i32
    return %c0_i32, %c0_i32_0 : i32, i32
  }
  func.func @transform_5(%arg0: i32) -> (i32, i32) {
    %c0_i32 = arith.constant 0 : i32
    %c0_i32_0 = arith.constant 0 : i32
    %c0_i32_1 = arith.constant 0 : i32
    return %c0_i32, %c0_i32_0 : i32, i32
  }
  func.func @transform_6(%arg0: i32) -> (i32, i32) {
    %c0_i32 = arith.constant 0 : i32
    %c0_i32_0 = arith.constant 0 : i32
    %c0_i32_1 = arith.constant 0 : i32
    return %c0_i32, %c0_i32_0 : i32, i32
  }
  func.func @transform_7(%arg0: i32) -> (i32, i32) {
    %c0_i32 = arith.constant 0 : i32
    %c0_i32_0 = arith.constant 0 : i32
    %c0_i32_1 = arith.constant 0 : i32
    return %c0_i32, %c0_i32_0 : i32, i32
  }
  func.func @transform_8(%arg0: i32) -> (i32, i32) {
    %c0_i32 = arith.constant 0 : i32
    %c0_i32_0 = arith.constant 0 : i32
    %c0_i32_1 = arith.constant 0 : i32
    return %c0_i32, %c0_i32_0 : i32, i32
  }
  func.func @transform_9(%arg0: i32) -> (i32, i32) {
    %c0_i32 = arith.constant 0 : i32
    %c0_i32_0 = arith.constant 0 : i32
    %c0_i32_1 = arith.constant 0 : i32
    return %c0_i32, %c0_i32_0 : i32, i32
  }
  func.func @transform_10(%arg0: i32) -> (i32, i32) {
    %c0_i32 = arith.constant 0 : i32
    %c0_i32_0 = arith.constant 0 : i32
    %c0_i32_1 = arith.constant 0 : i32
    return %c0_i32, %c0_i32_0 : i32, i32
  }
  func.func @transform_11(%arg0: i32) -> (i32, i32) {
    %c0_i32 = arith.constant 0 : i32
    %c0_i32_0 = arith.constant 0 : i32
    %c0_i32_1 = arith.constant 0 : i32
    return %c0_i32, %c0_i32_0 : i32, i32
  }
  func.func @transform_12(%arg0: i32) -> (i32, i32) {
    %c0_i32 = arith.constant 0 : i32
    %c0_i32_0 = arith.constant 0 : i32
    return %arg0, %c0_i32 : i32, i32
  }
  func.func @transform_13(%arg0: i32) -> (i32, i32, i32) {
    %c0_i32 = arith.constant 0 : i32
    %c0_i32_0 = arith.constant 0 : i32
    %c0_i32_1 = arith.constant 0 : i32
    return %arg0, %c0_i32, %c0_i32_0 : i32, i32, i32
  }
}

module attributes {stable_mosaic.version = 14 : i64} {
  func.func @body(%arg0: i32, %arg1: memref<1000x128xf32, #tpu.memory_space<vmem>>, %arg2: memref<4x1000x128xf32, #tpu.memory_space<vmem>>, %arg3: memref<4x1000x128xf32, #tpu.memory_space<vmem>>, %arg4: memref<1000x128xf32, #tpu.memory_space<vmem>>) attributes {dimension_semantics = [#tpu.dimension_semantics<arbitrary>], iteration_bounds = array<i64: 5>, scalar_prefetch = 0 : i64, scratch_operands = 0 : i64, tpu.core_type = #tpu.core_type<tc>, window_params = [{transform_indices = @transform_0, window_bounds = array<i64: 1000, 128>}, {transform_indices = @transform_1, window_bounds = array<i64: 4, 1000, 128>}, {transform_indices = @transform_2, window_bounds = array<i64: 4, 1000, 128>}, {transform_indices = @transform_3, window_bounds = array<i64: 1000, 128>}]} {
    %get3A = arith.constant 0 : index
    %get3A_0 = arith.constant 0 : index
    %get3A_1 = arith.constant 0 : index
    %get3A_2 = vector.load %arg2[%get3A, %get3A_0, %get3A_1] : memref<4x1000x128xf32, #tpu.memory_space<vmem>>, vector<1x1000x128xf32>
    %get3A_3 = vector.shape_cast %get3A_2 : vector<1x1000x128xf32> to vector<1000x128xf32>
    %get3A_4 = arith.constant 0 : index
    %get3A_5 = arith.constant 0 : index
    %get3A_6 = arith.constant 0 : index
    %get3A_7 = vector.load %arg3[%get3A_4, %get3A_5, %get3A_6] : memref<4x1000x128xf32, #tpu.memory_space<vmem>>, vector<1x1000x1xf32>
    %get3A_8 = vector.shape_cast %get3A_7 : vector<1x1000x1xf32> to vector<1000x1xf32>
    %get3A_9 = arith.constant 1 : index
    %get3A_10 = arith.constant 0 : index
    %get3A_11 = arith.constant 0 : index
    %get3A_12 = vector.load %arg2[%get3A_9, %get3A_10, %get3A_11] : memref<4x1000x128xf32, #tpu.memory_space<vmem>>, vector<1x1000x128xf32>
    %get3A_13 = vector.shape_cast %get3A_12 : vector<1x1000x128xf32> to vector<1000x128xf32>
    %add3A = arith.addf %get3A_3, %get3A_13 : vector<1000x128xf32>
    %get3A_14 = arith.constant 1 : index
    %get3A_15 = arith.constant 0 : index
    %get3A_16 = arith.constant 0 : index
    %get3A_17 = vector.load %arg3[%get3A_14, %get3A_15, %get3A_16] : memref<4x1000x128xf32, #tpu.memory_space<vmem>>, vector<1x1000x1xf32>
    %get3A_18 = vector.shape_cast %get3A_17 : vector<1x1000x1xf32> to vector<1000x1xf32>
    %add3A_19 = arith.addf %get3A_8, %get3A_18 : vector<1000x1xf32>
    %get3A_20 = arith.constant 2 : index
    %get3A_21 = arith.constant 0 : index
    %get3A_22 = arith.constant 0 : index
    %get3A_23 = vector.load %arg2[%get3A_20, %get3A_21, %get3A_22] : memref<4x1000x128xf32, #tpu.memory_space<vmem>>, vector<1x1000x128xf32>
    %get3A_24 = vector.shape_cast %get3A_23 : vector<1x1000x128xf32> to vector<1000x128xf32>
    %add3A_25 = arith.addf %add3A, %get3A_24 : vector<1000x128xf32>
    %get3A_26 = arith.constant 2 : index
    %get3A_27 = arith.constant 0 : index
    %get3A_28 = arith.constant 0 : index
    %get3A_29 = vector.load %arg3[%get3A_26, %get3A_27, %get3A_28] : memref<4x1000x128xf32, #tpu.memory_space<vmem>>, vector<1x1000x1xf32>
    %get3A_30 = vector.shape_cast %get3A_29 : vector<1x1000x1xf32> to vector<1000x1xf32>
    %add3A_31 = arith.addf %add3A_19, %get3A_30 : vector<1000x1xf32>
    %get3A_32 = arith.constant 3 : index
    %get3A_33 = arith.constant 0 : index
    %get3A_34 = arith.constant 0 : index
    %get3A_35 = vector.load %arg2[%get3A_32, %get3A_33, %get3A_34] : memref<4x1000x128xf32, #tpu.memory_space<vmem>>, vector<1x1000x128xf32>
    %get3A_36 = vector.shape_cast %get3A_35 : vector<1x1000x128xf32> to vector<1000x128xf32>
    %add3A_37 = arith.addf %add3A_25, %get3A_36 : vector<1000x128xf32>
    %get3A_38 = arith.constant 3 : index
    %get3A_39 = arith.constant 0 : index
    %get3A_40 = arith.constant 0 : index
    %get3A_41 = vector.load %arg3[%get3A_38, %get3A_39, %get3A_40] : memref<4x1000x128xf32, #tpu.memory_space<vmem>>, vector<1x1000x1xf32>
    %get3A_42 = vector.shape_cast %get3A_41 : vector<1x1000x1xf32> to vector<1000x1xf32>
    %add3A_43 = arith.addf %add3A_31, %get3A_42 : vector<1000x1xf32>
    %get3A_44 = arith.constant 0 : index
    %get3A_45 = arith.constant 0 : index
    %get3A_46 = vector.load %arg1[%get3A_44, %get3A_45] : memref<1000x128xf32, #tpu.memory_space<vmem>>, vector<1000x128xf32>
    %max3A = arith.constant 1.000000e+00 : f32
    %max3A_47 = vector.broadcast %max3A : f32 to vector<1000x1xf32>
    %max3A_48 = arith.maximumf %add3A_43, %max3A_47 : vector<1000x1xf32>
    %div3A = vector.broadcast %max3A_48 : vector<1000x1xf32> to vector<1000x128xf32>
    %div3A_49 = arith.divf %add3A_37, %div3A : vector<1000x128xf32>
    %add3A_50 = arith.addf %get3A_46, %div3A_49 : vector<1000x128xf32>
    %swap3A = arith.constant 0 : index
    %swap3A_51 = arith.constant 0 : index
    %swap3A_52 = vector.load %arg4[%swap3A, %swap3A_51] : memref<1000x128xf32, #tpu.memory_space<vmem>>, vector<1000x128xf32>
    tpu.vector_store %arg4[%swap3A, %swap3A_51], %add3A_50 {strides = array<i32>} : memref<1000x128xf32, #tpu.memory_space<vmem>>, vector<1000x128xf32>,
    return
  }
  func.func @transform_0(%arg0: i32) -> (i32, i32) {
    %c0_i32 = arith.constant 0 : i32
    %c0_i32_0 = arith.constant 0 : i32
    return %arg0, %c0_i32 : i32, i32
  }
  func.func @transform_1(%arg0: i32) -> (i32, i32, i32) {
    %c0_i32 = arith.constant 0 : i32
    %c0_i32_0 = arith.constant 0 : i32
    %c0_i32_1 = arith.constant 0 : i32
    return %c0_i32, %arg0, %c0_i32_0 : i32, i32, i32
  }
  func.func @transform_2(%arg0: i32) -> (i32, i32, i32) {
    %c0_i32 = arith.constant 0 : i32
    %c0_i32_0 = arith.constant 0 : i32
    %c0_i32_1 = arith.constant 0 : i32
    return %c0_i32, %arg0, %c0_i32_0 : i32, i32, i32
  }
  func.func @transform_3(%arg0: i32) -> (i32, i32) {
    %c0_i32 = arith.constant 0 : i32
    %c0_i32_0 = arith.constant 0 : i32
    return %arg0, %c0_i32 : i32, i32
  }
}

</mosaic_0001>

<sc_bundles>
// kernel: kernel.10.cloned.1.call-start
scs
__scs_entry_jumppad:
0x0: {  	(pc) =	sbr.rel $0x88, $3  }
0x1: {  	(tag) =	ssettag $0x0;
	lr =	simm.s32 $0x1  }
0x2: {  	[smem:$0x3F94] =	sst lr;
	_ =	strace $0xD0000000  }
0x3: {  	_ = 	snop  }
0x4: {  	_ = 	snop  }
0x5: {  	_ = 	snop  }
0x6: {  	_ = 	snop  }
0x7: {  	_ = 	snop  }
__scs_overlays_trampoline_lowered:
0x8: {  	[smem:$0x3FA3] =	sst s0  }
0x9: {  	[smem:$0x3FA4] =	sst s1  }
0xa: {  	[smem:$0x3FA5] =	sst s2  }
0xb: {  	[smem:$0x3FA6] =	sst s3  }
0xc: {  	[smem:$0x3FA7] =	sst s4  }
0xd: {  	[smem:$0x3FA8] =	sst s5  }
0xe: {  	[smem:$0x3FA9] =	sst s6  }
0xf: {  	[smem:$0x3FAA] =	sst s7  }
0x10: {  	[smem:$0x3FAB] =	sst s8  }
0x11: {  	[smem:$0x3FAC] =	sst s9;
	s0 =	simm.s32 @!p0 $0x0  }
0x12: {  	s1 =	sld [smem:$0x3F92];
	s0 =	simm.s32 @p0 $0x1  }
0x13: {  	[smem:$0x3FAD] =	sst s0;
	s0 =	simm.s32 @!p1 $0x0  }
0x14: {  	s2 =	sld [smem:$0x3F91];
	s0 =	simm.s32 @p1 $0x1  }
0x15: {  	[smem:$0x3FAE] =	sst s0;
	s0 =	simm.s32 @!p2 $0x0  }
0x16: {  	s3 =	sld [smem:$0x3FDB];
	s0 =	simm.s32 @p2 $0x1  }
0x17: {  	s4 =	simm.s32 $0x1BF5;
	[smem:$0x3FB0] =	sst s0  }
0x18: {  	s0 =	sld [smem:$0x3F93];
	_ =	swait.ge [sflag:s4], $0x0  }
0x19: {  	s7 =	sld [smem:$0x3F94]  }
0x1a: {  	s8 =	sadd.s32 $0xFFFFE003, lr  }
0x1b: {  	s9 =	sadd.s32 $0xFFFFFEF7, lr;
	s5 =	simm.s32 $0xFFFFFFFF;
	p2 =	slt.u32 s8, $0xFFFFF086  }
0x1c: {  	p1 =	slt.u32 s9, $0xF7A;
	s5 =	simm.s32 @!p2 $0x0  }
0x1d: {  	s5 =	simm.s32 @p1 $0x1;
	p0 =	seq.s32 s7, s2  }
0x1e: {  	s7 =	smul.u32 @!p0 $0xF7A, s2;
	p2 =	seq.s32 @!p0 s5, $0x0  }
0x1f: {  	s9 =	smul.u32 $0xF7A, s1;
	s8 =	simm.s32 @!p0 $0x1BF5;
	p2 =	por !p2, p0  }
0x20: {  	[sflag:s8] =	ssyncset.s32 @!p0 $0xFFFFF086;
	s6 =	sadd.s32 @!p0 s3, s7;
	s7 =	simm.s32 @!p0 $0x108  }
0x21: {  	s3 =	sadd.s32 s3, s9;
	s6 =	sadd.s32 @!p0 $0x88, s6;
	s7 =	simm.s32 @p2 $0x1082  }
0x22: {  	[simem:s7], [sflag:s8] =	dma.local @!p0 [hbm:s6], $0xF7A  }
0x23: {  	s9 =	sor.u32 $0xD0000000, s2;
	s6 =	simm.s32 $0x108;
	_ =	swait.ge @!p0 [sflag:s8], $0x0  }
0x24: {  	s3 =	sadd.s32 $0x88, s3;
	s6 =	simm.s32 @!p1 $0x1082;
	[sflag:s4] =	ssyncset.s32 $0xFFFFF086  }
0x25: {  	[simem:s6], [sflag:s4] =	dma.local [hbm:s3], $0xF7A  }
0x26: {  	[smem:$0x3F94] =	sst s1;
	(tag) =	ssettag s2;
	_ =	strace s9  }
0x27: {  	s1 =	sld [smem:$0x3FA4]  }
0x28: {  	s2 =	sld [smem:$0x3FA5]  }
0x29: {  	s4 =	sld [smem:$0x3FA7]  }
0x2a: {  	p0 =	seq.s32 s5, $0x0;
	s5 =	sld [smem:$0x3FA8]  }
0x2b: {  	s6 =	sld [smem:$0x3FA9]  }
0x2c: {  	s7 =	sld [smem:$0x3FAA]  }
0x2d: {  	s3 =	simm.s32 $0x108;
	s8 =	sld [smem:$0x3FAB]  }
0x2e: {  	s3 =	simm.s32 @!p0 $0x1082;
	s9 =	sld [smem:$0x3FAC]  }
0x2f: {  	lr =	sadd.s32 s0, s3;
	s0 =	sld [smem:$0x3FA3]  }
0x30: {  	s3 =	sld [smem:$0x3FA6]  }
0x31: {  	[smem:$0x3FAF] =	sst s10  }
0x32: {  	s10 =	sld [smem:$0x3FAD];
	_ =	sdelay $0x3  }
0x33: {  	p0 =	seq.s32 s10, $0x1;
	s10 =	sld [smem:$0x3FAF];
	_ =	sdelay $0x3  }
0x34: {  	[smem:$0x3FAF] =	sst s10  }
0x35: {  	s10 =	sld [smem:$0x3FAE];
	_ =	sdelay $0x3  }
0x36: {  	p1 =	seq.s32 s10, $0x1;
	s10 =	sld [smem:$0x3FAF];
	_ =	sdelay $0x3  }
0x37: {  	[smem:$0x3FAF] =	sst s10  }
0x38: {  	s10 =	sld [smem:$0x3FB0]  }
0x39: {  	_ = 	snop;
	(pc) =	sbr.ind lr, $3  }
0x3a: {  	_ = 	snop  }
0x3b: {  	_ = 	snop  }
0x3c: {  	p2 =	seq.s32 s10, $0x1;
	s10 =	sld [smem:$0x3FAF]  }
0x3d: {  	_ =	shalt  }
0x3e: {  	_ =	shalt  }
0x3f: {  	_ =	shalt  }
0x40: {  	_ =	shalt  }
0x41: {  	_ =	shalt  }
0x42: {  	_ =	shalt  }
0x43: {  	_ =	shalt  }
0x44: {  	_ =	shalt  }
0x45: {  	_ =	shalt  }
0x46: {  	_ =	shalt  }
0x47: {  	_ =	shalt  }
0x48: {  	_ =	shalt  }
0x49: {  	_ =	shalt  }
0x4a: {  	_ =	shalt  }
0x4b: {  	_ =	shalt  }
0x4c: {  	_ =	shalt  }
0x4d: {  	_ =	shalt  }
0x4e: {  	_ =	shalt  }
0x4f: {  	_ =	shalt  }
0x50: {  	_ =	shalt  }
0x51: {  	_ =	shalt  }
0x52: {  	_ =	shalt  }
0x53: {  	_ =	shalt  }
0x54: {  	_ =	shalt  }
0x55: {  	_ =	shalt  }
0x56: {  	_ =	shalt  }
0x57: {  	_ =	shalt  }
0x58: {  	_ =	shalt  }
0x59: {  	_ =	shalt  }
0x5a: {  	_ =	shalt  }
0x5b: {  	_ =	shalt  }
0x5c: {  	_ =	shalt  }
0x5d: {  	_ =	shalt  }
0x5e: {  	_ =	shalt  }
0x5f: {  	_ =	shalt  }
0x60: {  	_ =	shalt  }
0x61: {  	_ =	shalt  }
0x62: {  	_ =	shalt  }
0x63: {  	_ =	shalt  }
0x64: {  	_ =	shalt  }
0x65: {  	_ =	shalt  }
0x66: {  	_ =	shalt  }
0x67: {  	_ =	shalt  }
0x68: {  	_ =	shalt  }
0x69: {  	_ =	shalt  }
0x6a: {  	_ =	shalt  }
0x6b: {  	_ =	shalt  }
0x6c: {  	_ =	shalt  }
0x6d: {  	_ =	shalt  }
0x6e: {  	_ =	shalt  }
0x6f: {  	_ =	shalt  }
0x70: {  	_ =	shalt  }
0x71: {  	_ =	shalt  }
0x72: {  	_ =	shalt  }
0x73: {  	_ =	shalt  }
0x74: {  	_ =	shalt  }
0x75: {  	_ =	shalt  }
0x76: {  	_ =	shalt  }
0x77: {  	_ =	shalt  }
0x78: {  	_ =	shalt  }
0x79: {  	_ =	shalt  }
0x7a: {  	_ =	shalt  }
0x7b: {  	_ =	shalt  }
0x7c: {  	_ =	shalt  }
0x7d: {  	_ =	shalt  }
0x7e: {  	_ =	shalt  }
0x7f: {  	_ =	shalt  }
0x80: {  	_ =	shalt  }
0x81: {  	_ =	shalt  }
0x82: {  	_ =	shalt  }
0x83: {  	_ =	shalt  }
0x84: {  	_ =	shalt  }
0x85: {  	_ =	shalt  }
0x86: {  	_ =	shalt  }
0x87: {  	_ =	shalt  }
.Lfunc_end0:
.L_simem_size_0:
called_computation_lowered:
.L_overlay_start_0:
0x88: {  	s2 =	sld [smem:$0x3FD9]  }
0x89: {  	s3 =	sld [smem:$0x3FFE];
	_ =	sdelay $0x1  }
0x8a: {  	s1 =	srdreg.scid  }
0x8b: {  	s0 =	sand.u32 $0x1, s1  }
0x8c: {  	s16 =	sshll.u32 s0, $0xA;
	s2 =	sadd.s32 s3, s2  }
0x8d: {  	s2 =	sadd.s32 s2, s16  }
0x8e: {  	[smem:$0x3FBB] =	sst s2  }
0x8f: {  	_ = 	snop  }
0x90: {  	(tm) =	ssettm $0x1  }
0x91: {  	s17 =	sld [smem:$0x3FFB];
	_ =	sdelay $0x3  }
0x92: {  	_ =	strace s17  }
0x93: {  	s2 =	sld [smem:$0x3FFC];
	_ =	sdelay $0x3  }
0x94: {  	_ =	strace s2  }
0x95: {  	s2 =	sld [smem:$0x3FFD];
	_ =	sdelay $0x3  }
0x96: {  	_ =	strace s2  }
0x97: {  	_ =	strace $0x8FFFFFFF  }
0x98: {  	s18 =	sld [smem:$0x3FDB];
	_ =	sdelay $0x1  }
0x99: {  	s19 =	simm.s32 $_scs_section_size  }
0x9a: {  	s4 =	simm.s32 $_size__tile_overlayer_lowered;
	s5 =	simm.s32 $_tile_overlayer_lowered  }
0x9b: {  	s22 =	simm.s32 $0x1BFF;
	s21 =	sshll.u32 s5, $0x1;
	s2 =	sadd.s32 s19, s18  }
0x9c: {  	s6 =	simm.s32 $0x0;
	s20 =	sshll.u32 s4, $0x1;
	s4 =	sadd.s32 s21, s2  }
0x9d: {  	[timem:s6], [sflag:s22] =	dma.local [hbm:s4], s20  }
0x9e: {  	_ =	swait.ge [sflag:s22], s20  }
0x9f: {  	s3 =	ssub.s32 $0x0, s20;
	[sflag:s22] =	ssyncset.done $0x0  }
0xa0: {  	[sflag:s22] =	ssyncadd.s32 s3;
	_ =	sdelay $0x1  }
0xa1: {  	s23 =	simm.s32 $0x1B8B  }
0xa2: {  	_ =	swait.ge [sflag:s23], $0x1  }
0xa3: {  	[sflag:s23] =	ssyncset.done $0x0  }
0xa4: {  	s25 =	simm.s32 $0x1B8E;
	s24 =	sld [smem:$0x3FFE];
	[sflag:s23] =	ssyncadd.s32 $0xFFFFFFFF  }
0xa5: {  	s26 =	simm.s32 $execute0_lowered;
	[smem:$0x3FD2] =	sst s25  }
0xa6: {  	s4 =	sshll.u32 s26, $0x1;
	_ =	strace $0x80000046;
	[dreg:$0x1] =	wrdreg $0xFFFFFFFF  }
0xa7: {  	s28 =	simm.s32 $_size_execute0_lowered;
	s2 =	sadd.s32 s2, s4;
	[dreg:$0x0] =	wrdreg $0x0  }
0xa8: {  	s4 =	sshll.u32 s28, $0x1;
	[dreg:$0x2] =	wrdreg s2  }
0xa9: {  	[dreg:$0x3] =	wrdreg s4  }
0xaa: {  	[dreg:$0x4] =	wrdreg $0xC0  }
0xab: {  	_ =	task [dreg:s6], $0x5FFFF  }
0xac: {  	[dreg:$0x1] =	wrdreg $0xFFFFFFFF  }
0xad: {  	[dreg:$0x0] =	wrdreg $0x60  }
0xae: {  	[dreg:$0x2] =	wrdreg s24  }
0xaf: {  	[dreg:$0x3] =	wrdreg $0x9  }
0xb0: {  	_ =	task.clear_ibuf [dreg:s6], $0x4FFFF;
	_ =	strace $0x90000046  }
0xb1: {  	s29 =	simm.s32 $0x9;
	_ =	strace $0x80000048  }
0xb2: {  	_ =	swait.ge [sflag:s29], $0x1  }
0xb3: {  	[sflag:s29] =	ssyncadd.s32 $0xFFFFFFFF  }
0xb4: {  	_ =	strace $0x90000048  }
0xb5: {  	_ =	sfence  }
0xb6: {  	s30 =	sld [smem:$0x0];
	_ =	sdelay $0x2  }
0xb7: {  	s31 =	sshll.u32 s1, $0xD;
	s1 =	sshrl.u32 s1, $0x2  }
0xb8: {  	s3 =	sand.u32 $0x4000, s31;
	s1 =	sadd.s32 s1, s30  }
0xb9: {  	s0 =	sor.u32 s3, s0;
	s1 =	sshll.u32 s1, $0x11  }
0xba: {  	s0 =	sor.u32 s1, s0  }
0xbb: {  	s0 =	sadd.s32 $0x8F2B, s0  }
0xbc: {  	[sflag:s0] =	ssyncadd.remote.s32 $0x1  }
0xbd: {  	_ =	sfence.sel $0xFFFF  }
0xbe: {  	[dreg:$0x0] =	wrdreg $0xFFFFFFFF;
	(pc) =	sbr.abs _section_cstart, $3  }
0xbf: {  	[dreg:$0x1] =	wrdreg $0xFFFFFFFF  }
0xc0: {  	_ =	task.clear_ibuf [dreg:s6], $0x2FFFF;
	_ =	strace $0x9FFFFFFF  }
0xc1: {  	(tm) =	ssettm $0x7FFFFFFF  }
tec
execute0_lowered:
.L_overlay_start_1:
0x0: {  	(tag) =	ssettag $0x1  }
0x1: {  	s0 =	rddreg [dreg:$0x0];
	s2 =	simm.s32 $0x0;
	s1 =	srdreg.scid  }
0x2: {  	s15 =	stileid.u32;
	s17 =	simm.s32 $0x3;
	s18 =	simm.s32 $0x4000  }
0x3: {  	s19 =	simm.s32 $0x28;
	s20 =	simm.s32 $0x8000;
	s21 =	simm.s32 $0x9400  }
0x4: {  	s28 =	simm.s32 $0x2;
	s31 =	simm.s32 $0x0;
	s12 =	smul.u32 $0x138800, s15  }
0x5: {  	[smem:$0x7FF] =	sst s2;
	s1 =	sand.u32 $0x1, s1;
	s16 =	smul.u32 $0x27100, s15  }
0x6: {  	s3 =	sshll.u32 s15, $0x1;
	s5 =	sadd.s32 $0x2BA600, s0;
	s13 =	smul.u32 $0x9C400, s1  }
0x7: {  	s7 =	sor.u32 s1, s3;
	s6 =	ssub.s32 $0x2, s1;
	s1 =	smul.u32 $0x13880, s1  }
0x8: {  	_ =	strace $0x80000047;
	s3 =	sadd.s32 $0x22400, s0;
	s10 =	smul.u32 $0x9C400, s7  }
0x9: {  	s4 =	sshll.u32 s7, $0xB;
	s9 =	sshrl.u32 s6, $0x1;
	s14 =	smul.u32 $0x13880, s7  }
0xa: {  	s8 =	sadd.s32 s4, s0;
	s4 =	sadd.s32 $0x49600, s0;
	s23 =	ssub.s32 s6, s9  }
0xb: {  	s26 =	sadd.s32 s13, s12;
	s30 =	sadd.s32 s1, s16;
	s24 =	sadd.s32 $0x2400, s8  }
0xc: {  	s25 =	sshrl.u32 s10, $0x3;
	s7 =	sadd.s32 $0x12400, s8;
	s12 =	smax.u32 s23, $0x1  }
0xd: {  	s13 =	sadd.s32 s4, s14;
	s29 =	sadd.s32 $0x1400, s26;
	s14 =	sadd.s32 s5, s14  }
0xe: {  	s16 =	sadd.s32 $0x500, s30;
	s23 =	simm.s32 $0xA800;
	s26 =	simm.s32 $0x1  }
0xf: {  	[dreg:$0x2] =	wrdreg s24;
	s10 =	sadd.s32 $0x13380, s25;
	s11 =	sadd.s32 $0x13600, s25  }
0x10: {  	s15 =	sshrl.u32 s29, $0x3;
	s25 =	simm.s32 $0xBC00;
	s8 =	sadd.s32 s4, s10  }
0x11: {  	s9 =	sadd.s32 s5, s10;
	s10 =	sadd.s32 s4, s11;
	s11 =	sadd.s32 s5, s11  }
.LBB2_1:
0x12: {  	s0 =	rddreg [dreg:$0x2]  }
0x13: {  	[tilespmem:s2], [sflag:$0x3] =	stream.linear.gather [hbm4b:s0+s2], $0x3E80, $0x38;
	[tilespmem:$0xD000] =	vst v63  }
0x14: {  	_ =	swait.ge [sflag:s17], $0x3E80  }
0x15: {  	[sflag:s17] =	ssyncset.done $0x0  }
0x16: {  	[sflag:s17] =	ssyncadd.s32 $0xFFFFC180  }
0x17: {  	[tilespmem:s18], [sflag:$0x3] =	stream.linear.gather [hbm4b:s7+s2], $0x3E80, $0x38;
	[tilespmem:$0xD000] =	vst v63  }
0x18: {  	_ =	swait.ge [sflag:s17], $0x3E80  }
0x19: {  	[sflag:s17] =	ssyncset.done $0x0  }
0x1a: {  	[sflag:s17] =	ssyncadd.s32 $0xFFFFC180  }
0x1b: {  	[tilespmem:s20], [sflag:$0x1] =	stream.indirect.gather [hbm4b:s3+s19], $0x80, s2, s19, $0xb8;
	[tilespmem:$0xD000] =	vst v63  }
0x1c: {  	_ = 	snop  }
0x1d: {  	[tilespmem:s21], [sflag:$0x1] =	stream.indirect.gather [hbm4b:s3+s19], $0x80, s18, s19, $0xb8;
	[tilespmem:$0xD000] =	vst v63  }
0x1e: {  	s22 =	simm.s32 $0x80  }
0x1f: {  	[tilespmem:s23], [sflag:$0x2] =	stream.indirect.gather [hbm4b:s3+s19], $0x80, s22, s19, $0xb8;
	[tilespmem:$0xD000] =	vst v63  }
0x20: {  	s24 =	simm.s32 $0x4080  }
0x21: {  	[tilespmem:s25], [sflag:$0x2] =	stream.indirect.gather [hbm4b:s3+s19], $0x80, s24, s19, $0xb8;
	[tilespmem:$0xD000] =	vst v63  }
0x22: {  	_ =	swait.ge [sflag:s26], $0x1400  }
0x23: {  	[sflag:s26] =	ssyncset.done $0x0  }
0x24: {  	[sflag:s26] =	ssyncadd.s32 $0xFFFFEC00  }
0x25: {  	_ =	swait.ge [sflag:s26], $0x1400  }
0x26: {  	[sflag:s26] =	ssyncset.done $0x0  }
0x27: {  	[sflag:s26] =	ssyncadd.s32 $0xFFFFEC00  }
0x28: {  	[hbm4b:s13+s2] =	stream.linear.scatter [tilespmem:s20], [sflag:$0x3], $0x1400, $0x38;
	[tilespmem:$0xD000] =	vst v63  }
0x29: {  	_ =	swait.ge [sflag:s17], $0x1400  }
0x2a: {  	[sflag:s17] =	ssyncset.done $0x0  }
0x2b: {  	[sflag:s17] =	ssyncadd.s32 $0xFFFFEC00  }
0x2c: {  	[hbm4b:s14+s2] =	stream.linear.scatter [tilespmem:s21], [sflag:$0x3], $0x1400, $0x38;
	[tilespmem:$0xD000] =	vst v63  }
0x2d: {  	_ =	swait.ge [sflag:s17], $0x1400  }
0x2e: {  	[sflag:s17] =	ssyncset.done $0x0  }
0x2f: {  	s29 =	simm.s32 $0x100;
	[sflag:s17] =	ssyncadd.s32 $0xFFFFEC00  }
0x30: {  	[tilespmem:s20], [sflag:$0x1] =	stream.indirect.gather [hbm4b:s3+s19], $0x80, s29, s19, $0xb8;
	[tilespmem:$0xD000] =	vst v63  }
0x31: {  	s30 =	simm.s32 $0x4100  }
0x32: {  	[tilespmem:s21], [sflag:$0x1] =	stream.indirect.gather [hbm4b:s3+s19], $0x80, s30, s19, $0xb8;
	[tilespmem:$0xD000] =	vst v63  }
0x33: {  	_ =	swait.ge [sflag:s28], $0x1400  }
0x34: {  	[sflag:s28] =	ssyncset.done $0x0  }
0x35: {  	[sflag:s28] =	ssyncadd.s32 $0xFFFFEC00  }
0x36: {  	_ =	swait.ge [sflag:s28], $0x1400  }
0x37: {  	[sflag:s28] =	ssyncset.done $0x0  }
0x38: {  	s1 =	sadd.s32 s4, s15;
	[sflag:s28] =	ssyncadd.s32 $0xFFFFEC00  }
0x39: {  	[hbm4b:s1+s2] =	stream.linear.scatter [tilespmem:s23], [sflag:$0x3], $0x1400, $0x38;
	[tilespmem:$0xD000] =	vst v63  }
0x3a: {  	_ =	swait.ge [sflag:s17], $0x1400  }
0x3b: {  	[sflag:s17] =	ssyncset.done $0x0  }
0x3c: {  	s6 =	sadd.s32 s5, s15;
	[sflag:s17] =	ssyncadd.s32 $0xFFFFEC00  }
0x3d: {  	[hbm4b:s6+s2] =	stream.linear.scatter [tilespmem:s25], [sflag:$0x3], $0x1400, $0x38;
	[tilespmem:$0xD000] =	vst v63  }
0x3e: {  	_ =	swait.ge [sflag:s17], $0x1400  }
0x3f: {  	[sflag:s17] =	ssyncset.done $0x0  }
0x40: {  	s22 =	simm.s32 $0x180;
	[sflag:s17] =	ssyncadd.s32 $0xFFFFEC00  }
0x41: {  	[tilespmem:s23], [sflag:$0x2] =	stream.indirect.gather [hbm4b:s3+s19], $0x80, s22, s19, $0xb8;
	[tilespmem:$0xD000] =	vst v63  }
0x42: {  	s24 =	simm.s32 $0x4180  }
0x43: {  	[tilespmem:s25], [sflag:$0x2] =	stream.indirect.gather [hbm4b:s3+s19], $0x80, s24, s19, $0xb8;
	[tilespmem:$0xD000] =	vst v63  }
0x44: {  	_ =	swait.ge [sflag:s26], $0x1400  }
0x45: {  	[sflag:s26] =	ssyncset.done $0x0  }
0x46: {  	[sflag:s26] =	ssyncadd.s32 $0xFFFFEC00  }
0x47: {  	_ =	swait.ge [sflag:s26], $0x1400  }
0x48: {  	[sflag:s26] =	ssyncset.done $0x0  }
0x49: {  	s29 =	sadd.s32 s4, s16;
	[sflag:s26] =	ssyncadd.s32 $0xFFFFEC00  }
0x4a: {  	[hbm4b:s29+s2] =	stream.linear.scatter [tilespmem:s20], [sflag:$0x3], $0x1400, $0x38;
	[tilespmem:$0xD000] =	vst v63  }
0x4b: {  	_ =	swait.ge [sflag:s17], $0x1400  }
0x4c: {  	[sflag:s17] =	ssyncset.done $0x0  }
0x4d: {  	s30 =	sadd.s32 s5, s16;
	[sflag:s17] =	ssyncadd.s32 $0xFFFFEC00  }
0x4e: {  	[hbm4b:s30+s2] =	stream.linear.scatter [tilespmem:s21], [sflag:$0x3], $0x1400, $0x38;
	[tilespmem:$0xD000] =	vst v63  }
0x4f: {  	s0 =	sadd.s32 $0x500, s5;
	s1 =	sadd.s32 $0x500, s4;
	_ =	swait.ge [sflag:s17], $0x1400  }
0x50: {  	s22 =	simm.s32 $0x100;
	s24 =	simm.s32 $0x800;
	[sflag:s17] =	ssyncset.done $0x0  }
.LBB2_2:
0x51: {  	s6 =	sadd.s32 $0x100, s22  }
0x52: {  	[sflag:s17] =	ssyncadd.s32 $0xFFFFEC00;
	s29 =	smov.u32 s24;
	s30 =	sadd.s32 $0x400, s24  }
0x53: {  	[tilespmem:s20], [sflag:$0x1] =	stream.indirect.gather [hbm4b:s3+s19], $0x80, s6, s19, $0xb8;
	[tilespmem:$0xD000] =	vst v63  }
0x54: {  	p0 =	sne.s32 s24, $0xF000;
	s6 =	sadd.s32 $0x4100, s22  }
0x55: {  	[tilespmem:s21], [sflag:$0x1] =	stream.indirect.gather [hbm4b:s3+s19], $0x80, s6, s19, $0xb8;
	[tilespmem:$0xD000] =	vst v63  }
0x56: {  	_ =	swait.ge [sflag:s28], $0x1400  }
0x57: {  	[sflag:s28] =	ssyncset.done $0x0  }
0x58: {  	[sflag:s28] =	ssyncadd.s32 $0xFFFFEC00  }
0x59: {  	_ =	swait.ge [sflag:s28], $0x1400  }
0x5a: {  	[sflag:s28] =	ssyncset.done $0x0  }
0x5b: {  	s6 =	sadd.s32 s1, s15;
	[sflag:s28] =	ssyncadd.s32 $0xFFFFEC00  }
0x5c: {  	[hbm4b:s6+s2] =	stream.linear.scatter [tilespmem:s23], [sflag:$0x3], $0x1400, $0x38;
	[tilespmem:$0xD000] =	vst v63  }
0x5d: {  	_ =	swait.ge [sflag:s17], $0x1400  }
0x5e: {  	[sflag:s17] =	ssyncset.done $0x0  }
0x5f: {  	s6 =	sadd.s32 s0, s15;
	[sflag:s17] =	ssyncadd.s32 $0xFFFFEC00  }
0x60: {  	[hbm4b:s6+s2] =	stream.linear.scatter [tilespmem:s25], [sflag:$0x3], $0x1400, $0x38;
	[tilespmem:$0xD000] =	vst v63  }
0x61: {  	_ =	swait.ge [sflag:s17], $0x1400  }
0x62: {  	[sflag:s17] =	ssyncset.done $0x0  }
0x63: {  	s6 =	sadd.s32 $0x180, s22;
	[sflag:s17] =	ssyncadd.s32 $0xFFFFEC00  }
0x64: {  	[tilespmem:s23], [sflag:$0x2] =	stream.indirect.gather [hbm4b:s3+s19], $0x80, s6, s19, $0xb8;
	[tilespmem:$0xD000] =	vst v63  }
0x65: {  	s6 =	sadd.s32 $0x4180, s22  }
0x66: {  	[tilespmem:s25], [sflag:$0x2] =	stream.indirect.gather [hbm4b:s3+s19], $0x80, s6, s19, $0xb8;
	[tilespmem:$0xD000] =	vst v63  }
0x67: {  	_ =	swait.ge [sflag:s26], $0x1400  }
0x68: {  	[sflag:s26] =	ssyncset.done $0x0  }
0x69: {  	[sflag:s26] =	ssyncadd.s32 $0xFFFFEC00  }
0x6a: {  	_ =	swait.ge [sflag:s26], $0x1400  }
0x6b: {  	[sflag:s26] =	ssyncset.done $0x0  }
0x6c: {  	s6 =	sadd.s32 s1, s16;
	[sflag:s26] =	ssyncadd.s32 $0xFFFFEC00  }
0x6d: {  	[hbm4b:s6+s2] =	stream.linear.scatter [tilespmem:s20], [sflag:$0x3], $0x1400, $0x38;
	[tilespmem:$0xD000] =	vst v63  }
0x6e: {  	_ =	swait.ge [sflag:s17], $0x1400  }
.Ltmp0:
0x6f: {  	[sflag:s17] =	ssyncset.done $0x0;
	(pc) =	sbr.rel @p0 .LBB2_2-.Ltmp0, $4  }
0x70: {  	s6 =	sadd.s32 s0, s16;
	[sflag:s17] =	ssyncadd.s32 $0xFFFFEC00  }
0x71: {  	[hbm4b:s6+s2] =	stream.linear.scatter [tilespmem:s21], [sflag:$0x3], $0x1400, $0x38;
	[tilespmem:$0xD000] =	vst v63  }
0x72: {  	s24 =	smov.u32 s30;
	s1 =	sadd.s32 $0x500, s1;
	_ =	swait.ge [sflag:s17], $0x1400  }
0x73: {  	s22 =	sshra.s32 s29, $0x2;
	s0 =	sadd.s32 $0x500, s0;
	[sflag:s17] =	ssyncset.done $0x0  }
0x74: {  	s6 =	sadd.s32 $0x100, s22;
	[sflag:s17] =	ssyncadd.s32 $0xFFFFEC00  }
0x75: {  	[tilespmem:s20], [sflag:$0x1] =	stream.indirect.gather [hbm4b:s3+s19], $0x80, s6, s19, $0xb8;
	[tilespmem:$0xD000] =	vst v63  }
0x76: {  	s29 =	sadd.s32 $0x4100, s22  }
0x77: {  	[tilespmem:s21], [sflag:$0x1] =	stream.indirect.gather [hbm4b:s3+s19], $0x80, s29, s19, $0xb8;
	[tilespmem:$0xD000] =	vst v63  }
0x78: {  	_ =	swait.ge [sflag:s28], $0x1400  }
0x79: {  	[sflag:s28] =	ssyncset.done $0x0  }
0x7a: {  	[sflag:s28] =	ssyncadd.s32 $0xFFFFEC00  }
0x7b: {  	_ =	swait.ge [sflag:s28], $0x1400  }
0x7c: {  	[sflag:s28] =	ssyncset.done $0x0  }
0x7d: {  	s30 =	sadd.s32 s1, s15;
	[sflag:s28] =	ssyncadd.s32 $0xFFFFEC00  }
0x7e: {  	[hbm4b:s30+s2] =	stream.linear.scatter [tilespmem:s23], [sflag:$0x3], $0x1400, $0x38;
	[tilespmem:$0xD000] =	vst v63  }
0x7f: {  	_ =	swait.ge [sflag:s17], $0x1400  }
0x80: {  	[sflag:s17] =	ssyncset.done $0x0  }
0x81: {  	s24 =	sadd.s32 s0, s15;
	[sflag:s17] =	ssyncadd.s32 $0xFFFFEC00  }
0x82: {  	[hbm4b:s24+s2] =	stream.linear.scatter [tilespmem:s25], [sflag:$0x3], $0x1400, $0x38;
	[tilespmem:$0xD000] =	vst v63  }
0x83: {  	_ =	swait.ge [sflag:s17], $0x1400  }
0x84: {  	[sflag:s17] =	ssyncset.done $0x0  }
0x85: {  	s29 =	sadd.s32 $0x180, s22;
	[sflag:s17] =	ssyncadd.s32 $0xFFFFEC00  }
0x86: {  	[tilespmem:s23], [sflag:$0x2] =	stream.indirect.gather [hbm4b:s3+s19], $0x80, s29, s19, $0xb8;
	[tilespmem:$0xD000] =	vst v63  }
0x87: {  	s30 =	sadd.s32 $0x4180, s22  }
0x88: {  	[tilespmem:s25], [sflag:$0x2] =	stream.indirect.gather [hbm4b:s3+s19], $0x80, s30, s19, $0xb8;
	[tilespmem:$0xD000] =	vst v63  }
0x89: {  	_ =	swait.ge [sflag:s26], $0x1400  }
0x8a: {  	[sflag:s26] =	ssyncset.done $0x0  }
0x8b: {  	[sflag:s26] =	ssyncadd.s32 $0xFFFFEC00  }
0x8c: {  	_ =	swait.ge [sflag:s26], $0x1400  }
0x8d: {  	[sflag:s26] =	ssyncset.done $0x0  }
0x8e: {  	s22 =	sadd.s32 s1, s16;
	[sflag:s26] =	ssyncadd.s32 $0xFFFFEC00  }
0x8f: {  	[hbm4b:s22+s2] =	stream.linear.scatter [tilespmem:s20], [sflag:$0x3], $0x1400, $0x38;
	[tilespmem:$0xD000] =	vst v63  }
0x90: {  	_ =	swait.ge [sflag:s17], $0x1400  }
0x91: {  	[sflag:s17] =	ssyncset.done $0x0  }
0x92: {  	s24 =	sadd.s32 s0, s16;
	[sflag:s17] =	ssyncadd.s32 $0xFFFFEC00  }
0x93: {  	[hbm4b:s24+s2] =	stream.linear.scatter [tilespmem:s21], [sflag:$0x3], $0x1400, $0x38;
	[tilespmem:$0xD000] =	vst v63  }
0x94: {  	_ =	swait.ge [sflag:s17], $0x1400  }
0x95: {  	[sflag:s17] =	ssyncset.done $0x0  }
0x96: {  	s29 =	simm.s32 $0x3E00;
	[sflag:s17] =	ssyncadd.s32 $0xFFFFEC00  }
0x97: {  	[tilespmem:s20], [sflag:$0x1] =	stream.indirect.gather [hbm4b:s3+s19], $0x80, s29, s19, $0xb8;
	[tilespmem:$0xD000] =	vst v63  }
0x98: {  	s30 =	simm.s32 $0x7E00  }
0x99: {  	[tilespmem:s21], [sflag:$0x1] =	stream.indirect.gather [hbm4b:s3+s19], $0x80, s30, s19, $0xb8;
	[tilespmem:$0xD000] =	vst v63  }
0x9a: {  	_ =	swait.ge [sflag:s28], $0x1400  }
0x9b: {  	[sflag:s28] =	ssyncset.done $0x0  }
0x9c: {  	[sflag:s28] =	ssyncadd.s32 $0xFFFFEC00  }
0x9d: {  	_ =	swait.ge [sflag:s28], $0x1400  }
0x9e: {  	[sflag:s28] =	ssyncset.done $0x0  }
0x9f: {  	[sflag:s28] =	ssyncadd.s32 $0xFFFFEC00  }
0xa0: {  	[hbm4b:s8+s2] =	stream.linear.scatter [tilespmem:s23], [sflag:$0x3], $0x1400, $0x38;
	[tilespmem:$0xD000] =	vst v63  }
0xa1: {  	_ =	swait.ge [sflag:s17], $0x1400  }
0xa2: {  	[sflag:s17] =	ssyncset.done $0x0  }
0xa3: {  	[sflag:s17] =	ssyncadd.s32 $0xFFFFEC00  }
0xa4: {  	[hbm4b:s9+s2] =	stream.linear.scatter [tilespmem:s25], [sflag:$0x3], $0x1400, $0x38;
	[tilespmem:$0xD000] =	vst v63  }
0xa5: {  	_ =	swait.ge [sflag:s17], $0x1400  }
0xa6: {  	[sflag:s17] =	ssyncset.done $0x0  }
0xa7: {  	[sflag:s17] =	ssyncadd.s32 $0xFFFFEC00  }
0xa8: {  	_ =	swait.ge [sflag:s26], $0x1400  }
0xa9: {  	[sflag:s26] =	ssyncset.done $0x0  }
0xaa: {  	[sflag:s26] =	ssyncadd.s32 $0xFFFFEC00  }
0xab: {  	_ =	swait.ge [sflag:s26], $0x1400  }
0xac: {  	[sflag:s26] =	ssyncset.done $0x0  }
0xad: {  	[sflag:s26] =	ssyncadd.s32 $0xFFFFEC00  }
0xae: {  	[hbm4b:s10+s2] =	stream.linear.scatter [tilespmem:s20], [sflag:$0x3], $0x1400, $0x38;
	[tilespmem:$0xD000] =	vst v63  }
0xaf: {  	s31 =	sadd.s32 $0x1, s31;
	_ =	swait.ge [sflag:s17], $0x1400  }
0xb0: {  	p0 =	sne.s32 s31, s12;
	[sflag:s17] =	ssyncset.done $0x0  }
.Ltmp1:
0xb1: {  	[sflag:s17] =	ssyncadd.s32 $0xFFFFEC00;
	(pc) =	sbr.rel @p0 .LBB2_1-.Ltmp1, $4  }
0xb2: {  	[hbm4b:s11+s2] =	stream.linear.scatter [tilespmem:s21], [sflag:$0x3], $0x1400, $0x38;
	[tilespmem:$0xD000] =	vst v63  }
0xb3: {  	_ =	swait.ge [sflag:s17], $0x1400  }
0xb4: {  	[sflag:s17] =	ssyncset.done $0x0  }
0xb5: {  	[sflag:s17] =	ssyncadd.s32 $0xFFFFEC00  }
0xb6: {  	_ =	sfence.sel $0x180000  }
0xb7: {  	[bflag:$0x0] =	sbarrier.arrive $0xFFFF  }
0xb8: {  	_ =	strace $0x90000047  }
0xb9: {  	s0 =	stileid.u32;
	[bflag:$0x2] =	sbarrier.arrive $0xFFFF  }
0xba: {  	p0 =	sne.s32 s0, $0x0;
	s0 =	rddreg [dreg:$0x1]  }
0xbb: {  	s0 =	sadd.s32 @!p0 $0x100000, s0  }
0xbc: {  	[sflag:s0] =	ssyncadd.tile.s32 @!p0 $0x1;
	_ =	shalt  }
.Lfunc_end2:
_tile_overlayer_lowered:
.L_overlay_start_2:
0xbd: {  	(tag) =	ssettag $0x2  }
0xbe: {  	s0 =	rddreg [dreg:$0x0];
	s2 =	stileid.u32  }
0xbf: {  	s1 =	rddreg [dreg:$0x1];
	p0 =	sne.s32 s2, $0x0  }
0xc0: {  	s3 =	rddreg [dreg:$0x2];
	[bflag:$0x3] =	sbarrier.arrive $0xFFFF;
	s2 =	simm.s32 @!p0 $0x1C03  }
0xc1: {  	[timem:s3], [sflag:s2] =	dma.local @!p0 [hbm:s0], s1  }
0xc2: {  	s0 =	simm.s32 @!p0 $0x3  }
0xc3: {  	_ =	swait.ge @!p0 [sflag:s0], s1  }
0xc4: {  	s1 =	ssub.s32 @!p0 $0x0, s1;
	[sflag:s0] =	ssyncset.done @!p0 $0x0  }
0xc5: {  	[sflag:s0] =	ssyncadd.s32 @!p0 s1  }
0xc6: {  	[bflag:$0x3] =	sbarrier.arrive $0xFFFF  }
0xc7: {  	_ =	shalt  }

// kernel: kernel.13.cloned.1.call-start
scs
__scs_entry_jumppad:
0x0: {  	(pc) =	sbr.rel $0x88, $3  }
0x1: {  	(tag) =	ssettag $0x0;
	lr =	simm.s32 $0x1  }
0x2: {  	[smem:$0x3F94] =	sst lr;
	_ =	strace $0xD0000000  }
0x3: {  	_ = 	snop  }
0x4: {  	_ = 	snop  }
0x5: {  	_ = 	snop  }
0x6: {  	_ = 	snop  }
0x7: {  	_ = 	snop  }
__scs_overlays_trampoline_lowered:
0x8: {  	[smem:$0x3FA3] =	sst s0  }
0x9: {  	[smem:$0x3FA4] =	sst s1  }
0xa: {  	[smem:$0x3FA5] =	sst s2  }
0xb: {  	[smem:$0x3FA6] =	sst s3  }
0xc: {  	[smem:$0x3FA7] =	sst s4  }
0xd: {  	[smem:$0x3FA8] =	sst s5  }
0xe: {  	[smem:$0x3FA9] =	sst s6  }
0xf: {  	[smem:$0x3FAA] =	sst s7  }
0x10: {  	[smem:$0x3FAB] =	sst s8  }
0x11: {  	[smem:$0x3FAC] =	sst s9;
	s0 =	simm.s32 @!p0 $0x0  }
0x12: {  	s1 =	sld [smem:$0x3F92];
	s0 =	simm.s32 @p0 $0x1  }
0x13: {  	[smem:$0x3FAD] =	sst s0;
	s0 =	simm.s32 @!p1 $0x0  }
0x14: {  	s2 =	sld [smem:$0x3F91];
	s0 =	simm.s32 @p1 $0x1  }
0x15: {  	[smem:$0x3FAE] =	sst s0;
	s0 =	simm.s32 @!p2 $0x0  }
0x16: {  	s3 =	sld [smem:$0x3FDB];
	s0 =	simm.s32 @p2 $0x1  }
0x17: {  	s4 =	simm.s32 $0x1BF5;
	[smem:$0x3FB0] =	sst s0  }
0x18: {  	s0 =	sld [smem:$0x3F93];
	_ =	swait.ge [sflag:s4], $0x0  }
0x19: {  	s7 =	sld [smem:$0x3F94]  }
0x1a: {  	s8 =	sadd.s32 $0xFFFFE003, lr  }
0x1b: {  	s9 =	sadd.s32 $0xFFFFFEF7, lr;
	s5 =	simm.s32 $0xFFFFFFFF;
	p2 =	slt.u32 s8, $0xFFFFF086  }
0x1c: {  	p1 =	slt.u32 s9, $0xF7A;
	s5 =	simm.s32 @!p2 $0x0  }
0x1d: {  	s5 =	simm.s32 @p1 $0x1;
	p0 =	seq.s32 s7, s2  }
0x1e: {  	s7 =	smul.u32 @!p0 $0xF7A, s2;
	p2 =	seq.s32 @!p0 s5, $0x0  }
0x1f: {  	s9 =	smul.u32 $0xF7A, s1;
	s8 =	simm.s32 @!p0 $0x1BF5;
	p2 =	por !p2, p0  }
0x20: {  	[sflag:s8] =	ssyncset.s32 @!p0 $0xFFFFF086;
	s6 =	sadd.s32 @!p0 s3, s7;
	s7 =	simm.s32 @!p0 $0x108  }
0x21: {  	s3 =	sadd.s32 s3, s9;
	s6 =	sadd.s32 @!p0 $0x88, s6;
	s7 =	simm.s32 @p2 $0x1082  }
0x22: {  	[simem:s7], [sflag:s8] =	dma.local @!p0 [hbm:s6], $0xF7A  }
0x23: {  	s9 =	sor.u32 $0xD0000000, s2;
	s6 =	simm.s32 $0x108;
	_ =	swait.ge @!p0 [sflag:s8], $0x0  }
0x24: {  	s3 =	sadd.s32 $0x88, s3;
	s6 =	simm.s32 @!p1 $0x1082;
	[sflag:s4] =	ssyncset.s32 $0xFFFFF086  }
0x25: {  	[simem:s6], [sflag:s4] =	dma.local [hbm:s3], $0xF7A  }
0x26: {  	[smem:$0x3F94] =	sst s1;
	(tag) =	ssettag s2;
	_ =	strace s9  }
0x27: {  	s1 =	sld [smem:$0x3FA4]  }
0x28: {  	s2 =	sld [smem:$0x3FA5]  }
0x29: {  	s4 =	sld [smem:$0x3FA7]  }
0x2a: {  	p0 =	seq.s32 s5, $0x0;
	s5 =	sld [smem:$0x3FA8]  }
0x2b: {  	s6 =	sld [smem:$0x3FA9]  }
0x2c: {  	s7 =	sld [smem:$0x3FAA]  }
0x2d: {  	s3 =	simm.s32 $0x108;
	s8 =	sld [smem:$0x3FAB]  }
0x2e: {  	s3 =	simm.s32 @!p0 $0x1082;
	s9 =	sld [smem:$0x3FAC]  }
0x2f: {  	lr =	sadd.s32 s0, s3;
	s0 =	sld [smem:$0x3FA3]  }
0x30: {  	s3 =	sld [smem:$0x3FA6]  }
0x31: {  	[smem:$0x3FAF] =	sst s10  }
0x32: {  	s10 =	sld [smem:$0x3FAD];
	_ =	sdelay $0x3  }
0x33: {  	p0 =	seq.s32 s10, $0x1;
	s10 =	sld [smem:$0x3FAF];
	_ =	sdelay $0x3  }
0x34: {  	[smem:$0x3FAF] =	sst s10  }
0x35: {  	s10 =	sld [smem:$0x3FAE];
	_ =	sdelay $0x3  }
0x36: {  	p1 =	seq.s32 s10, $0x1;
	s10 =	sld [smem:$0x3FAF];
	_ =	sdelay $0x3  }
0x37: {  	[smem:$0x3FAF] =	sst s10  }
0x38: {  	s10 =	sld [smem:$0x3FB0]  }
0x39: {  	_ = 	snop;
	(pc) =	sbr.ind lr, $3  }
0x3a: {  	_ = 	snop  }
0x3b: {  	_ = 	snop  }
0x3c: {  	p2 =	seq.s32 s10, $0x1;
	s10 =	sld [smem:$0x3FAF]  }
0x3d: {  	_ =	shalt  }
0x3e: {  	_ =	shalt  }
0x3f: {  	_ =	shalt  }
0x40: {  	_ =	shalt  }
0x41: {  	_ =	shalt  }
0x42: {  	_ =	shalt  }
0x43: {  	_ =	shalt  }
0x44: {  	_ =	shalt  }
0x45: {  	_ =	shalt  }
0x46: {  	_ =	shalt  }
0x47: {  	_ =	shalt  }
0x48: {  	_ =	shalt  }
0x49: {  	_ =	shalt  }
0x4a: {  	_ =	shalt  }
0x4b: {  	_ =	shalt  }
0x4c: {  	_ =	shalt  }
0x4d: {  	_ =	shalt  }
0x4e: {  	_ =	shalt  }
0x4f: {  	_ =	shalt  }
0x50: {  	_ =	shalt  }
0x51: {  	_ =	shalt  }
0x52: {  	_ =	shalt  }
0x53: {  	_ =	shalt  }
0x54: {  	_ =	shalt  }
0x55: {  	_ =	shalt  }
0x56: {  	_ =	shalt  }
0x57: {  	_ =	shalt  }
0x58: {  	_ =	shalt  }
0x59: {  	_ =	shalt  }
0x5a: {  	_ =	shalt  }
0x5b: {  	_ =	shalt  }
0x5c: {  	_ =	shalt  }
0x5d: {  	_ =	shalt  }
0x5e: {  	_ =	shalt  }
0x5f: {  	_ =	shalt  }
0x60: {  	_ =	shalt  }
0x61: {  	_ =	shalt  }
0x62: {  	_ =	shalt  }
0x63: {  	_ =	shalt  }
0x64: {  	_ =	shalt  }
0x65: {  	_ =	shalt  }
0x66: {  	_ =	shalt  }
0x67: {  	_ =	shalt  }
0x68: {  	_ =	shalt  }
0x69: {  	_ =	shalt  }
0x6a: {  	_ =	shalt  }
0x6b: {  	_ =	shalt  }
0x6c: {  	_ =	shalt  }
0x6d: {  	_ =	shalt  }
0x6e: {  	_ =	shalt  }
0x6f: {  	_ =	shalt  }
0x70: {  	_ =	shalt  }
0x71: {  	_ =	shalt  }
0x72: {  	_ =	shalt  }
0x73: {  	_ =	shalt  }
0x74: {  	_ =	shalt  }
0x75: {  	_ =	shalt  }
0x76: {  	_ =	shalt  }
0x77: {  	_ =	shalt  }
0x78: {  	_ =	shalt  }
0x79: {  	_ =	shalt  }
0x7a: {  	_ =	shalt  }
0x7b: {  	_ =	shalt  }
0x7c: {  	_ =	shalt  }
0x7d: {  	_ =	shalt  }
0x7e: {  	_ =	shalt  }
0x7f: {  	_ =	shalt  }
0x80: {  	_ =	shalt  }
0x81: {  	_ =	shalt  }
0x82: {  	_ =	shalt  }
0x83: {  	_ =	shalt  }
0x84: {  	_ =	shalt  }
0x85: {  	_ =	shalt  }
0x86: {  	_ =	shalt  }
0x87: {  	_ =	shalt  }
.Lfunc_end0:
.L_simem_size_0:
called_computation.1_lowered:
.L_overlay_start_0:
0x88: {  	s2 =	sld [smem:$0x3FD9]  }
0x89: {  	s3 =	sld [smem:$0x3FFE];
	_ =	sdelay $0x1  }
0x8a: {  	s1 =	srdreg.scid  }
0x8b: {  	s0 =	sand.u32 $0x1, s1  }
0x8c: {  	s17 =	sshll.u32 s0, $0xA;
	s2 =	sadd.s32 s3, s2  }
0x8d: {  	s2 =	sadd.s32 s2, s17  }
0x8e: {  	[smem:$0x3FBB] =	sst s2  }
0x8f: {  	_ = 	snop  }
0x90: {  	(tm) =	ssettm $0x1  }
0x91: {  	s18 =	sld [smem:$0x3FFB];
	_ =	sdelay $0x3  }
0x92: {  	_ =	strace s18  }
0x93: {  	s2 =	sld [smem:$0x3FFC];
	_ =	sdelay $0x3  }
0x94: {  	_ =	strace s2  }
0x95: {  	s2 =	sld [smem:$0x3FFD];
	_ =	sdelay $0x3  }
0x96: {  	_ =	strace s2  }
0x97: {  	_ =	strace $0x8FFFFFFF  }
0x98: {  	s19 =	sld [smem:$0x3FDB];
	_ =	sdelay $0x1  }
0x99: {  	s20 =	simm.s32 $_scs_section_size  }
0x9a: {  	s4 =	simm.s32 $_size__tile_overlayer_lowered;
	s5 =	simm.s32 $_tile_overlayer_lowered  }
0x9b: {  	s6 =	simm.s32 $0x1BFF;
	s21 =	sshll.u32 s5, $0x1;
	s3 =	sadd.s32 s20, s19  }
0x9c: {  	s22 =	simm.s32 $0x0;
	s4 =	sshll.u32 s4, $0x1;
	s5 =	sadd.s32 s21, s3  }
0x9d: {  	[timem:s22], [sflag:s6] =	dma.local [hbm:s5], s4  }
0x9e: {  	_ =	swait.ge [sflag:s6], s4  }
0x9f: {  	s4 =	ssub.s32 $0x0, s4;
	[sflag:s6] =	ssyncset.done $0x0  }
0xa0: {  	[sflag:s6] =	ssyncadd.s32 s4;
	_ =	sdelay $0x1  }
0xa1: {  	s23 =	simm.s32 $0x1B8B  }
0xa2: {  	_ =	swait.ge [sflag:s23], $0x1  }
0xa3: {  	[sflag:s23] =	ssyncset.done $0x0  }
0xa4: {  	[sflag:s23] =	ssyncadd.s32 $0xFFFFFFFF  }
0xa5: {  	s4 =	sld [smem:$0x0]  }
0xa6: {  	s5 =	sand.u32 $0xFFFFFFFE, s1  }
0xa7: {  	p0 =	sne.s32 s1, s5  }
0xa8: {  	s5 =	sshll.u32 @p0 s5, $0xE  }
0xa9: {  	s5 =	sadd.s32 @p0 $0x11B8D, s5;
	s6 =	sshll.u32 @p0 s4, $0x11  }
0xaa: {  	s5 =	sor.u32 @p0 s6, s5  }
0xab: {  	[sflag:s5] =	ssyncadd.remote.s32 @p0 $0x1;
	_ =	sdelay $0x1  }
0xac: {  	s5 =	simm.s32 @p0 $0x1B8D  }
0xad: {  	_ =	swait.eq @p0 [sflag:s5], $0x1  }
0xae: {  	[sflag:s5] =	ssyncadd.s32 @p0 $0xFFFFFFFF  }
0xaf: {  	s6 =	sshll.u32 @!p0 s1, $0xE  }
0xb0: {  	s6 =	sor.u32 @!p0 $0x4000, s6;
	s5 =	simm.s32 @!p0 $0x1B8D  }
0xb1: {  	s4 =	sshll.u32 @!p0 s4, $0x11;
	s6 =	sadd.s32 @!p0 $0x11B8D, s6;
	_ =	swait.eq @!p0 [sflag:s5], $0x1  }
0xb2: {  	s4 =	sor.u32 @!p0 s4, s6;
	[sflag:s5] =	ssyncadd.s32 @!p0 $0xFFFFFFFF  }
0xb3: {  	s25 =	simm.s32 $0x1B8E;
	s24 =	sld [smem:$0x3FFE];
	[sflag:s4] =	ssyncadd.remote.s32 @!p0 $0x1  }
0xb4: {  	s26 =	simm.s32 $execute0_lowered;
	[smem:$0x3FD2] =	sst s25  }
0xb5: {  	s5 =	sshll.u32 s26, $0x1;
	_ =	strace $0x8000004C;
	[dreg:$0x1] =	wrdreg $0xFFFFFFFF  }
0xb6: {  	s28 =	simm.s32 $_size_execute0_lowered;
	s3 =	sadd.s32 s3, s5;
	[dreg:$0x0] =	wrdreg $0x0  }
0xb7: {  	s5 =	sshll.u32 s28, $0x1;
	[dreg:$0x2] =	wrdreg s3  }
0xb8: {  	[dreg:$0x3] =	wrdreg s5  }
0xb9: {  	[dreg:$0x4] =	wrdreg $0xC0  }
0xba: {  	_ =	task [dreg:s22], $0x5FFFF  }
0xbb: {  	[dreg:$0x1] =	wrdreg $0xFFFFFFFF  }
0xbc: {  	[dreg:$0x0] =	wrdreg $0x60  }
0xbd: {  	[dreg:$0x2] =	wrdreg s24  }
0xbe: {  	[dreg:$0x3] =	wrdreg $0x0  }
0xbf: {  	[dreg:$0x4] =	wrdreg $0xA0000  }
0xc0: {  	[dreg:$0x5] =	wrdreg $0x9  }
0xc1: {  	_ =	task.clear_ibuf [dreg:s22], $0x6FFFF;
	_ =	strace $0x9000004C  }
0xc2: {  	s29 =	simm.s32 $0x9;
	_ =	strace $0x8000004E  }
0xc3: {  	_ =	swait.ge [sflag:s29], $0x1  }
0xc4: {  	[sflag:s29] =	ssyncadd.s32 $0xFFFFFFFF  }
0xc5: {  	_ =	strace $0x9000004E  }
0xc6: {  	_ =	sfence  }
0xc7: {  	s30 =	sld [smem:$0x0];
	_ =	sdelay $0x2  }
0xc8: {  	s31 =	sshll.u32 s1, $0xD;
	s1 =	sshrl.u32 s1, $0x2  }
0xc9: {  	s4 =	sand.u32 $0x4000, s31;
	s1 =	sadd.s32 s1, s30  }
0xca: {  	s0 =	sor.u32 s4, s0;
	s1 =	sshll.u32 s1, $0x11  }
0xcb: {  	s0 =	sor.u32 s1, s0  }
0xcc: {  	s0 =	sadd.s32 $0x8F2B, s0  }
0xcd: {  	[sflag:s0] =	ssyncadd.remote.s32 $0x1  }
0xce: {  	_ =	sfence.sel $0xFFFF  }
0xcf: {  	[dreg:$0x0] =	wrdreg $0xFFFFFFFF;
	(pc) =	sbr.abs _section_cstart, $3  }
0xd0: {  	[dreg:$0x1] =	wrdreg $0xFFFFFFFF  }
0xd1: {  	_ =	task.clear_ibuf [dreg:s22], $0x2FFFF;
	_ =	strace $0x9FFFFFFF  }
0xd2: {  	(tm) =	ssettm $0x7FFFFFFF  }
0xd3: {  	_ =	shalt  }
tec
execute0_lowered:
.L_overlay_start_1:
0x0: {  	(tag) =	ssettag $0x1  }
0x1: {  	s0 =	rddreg [dreg:$0x0]  }
0x2: {  	s2 =	rddreg [dreg:$0x1]  }
0x3: {  	s3 =	rddreg [dreg:$0x2];
	s1 =	srdreg.scid  }
0x4: {  	s12 =	stileid.u32;
	s4 =	simm.s32 $0x0;
	s1 =	sand.u32 $0x1, s1  }
0x5: {  	s5 =	sshll.u32 s12, $0x1;
	[smem:$0x7FF] =	sst s4;
	s8 =	smul.u32 $0xA000, s12  }
0x6: {  	s9 =	sadd.s32 $0xA0D600, s0;
	s11 =	sadd.s32 $0x12800, s0;
	s15 =	sadd.s32 $0x12400, s0  }
0x7: {  	s6 =	smul.u32 $0xA0000, s1;
	_ =	strace $0x8000004D;
	[dreg:$0x4] =	wrdreg s11  }
0x8: {  	s5 =	sor.u32 s1, s5;
	[dreg:$0x5] =	wrdreg s15;
	s11 =	smul.u32 $0x27100, s12  }
0x9: {  	s16 =	ssub.s32 $0x2, s1;
	s1 =	smul.u32 $0x13880, s1;
	s7 =	sshll.u32 s5, $0xB  }
0xa: {  	s10 =	smul.u32 $0x9C400, s5;
	s17 =	sshrl.u32 s16, $0x1;
	s19 =	sadd.s32 s8, s2  }
0xb: {  	s20 =	sor.u32 $0x1400, s8;
	s21 =	sadd.s32 s8, s3;
	s23 =	sadd.s32 $0x2800, s8  }
0xc: {  	s25 =	sadd.s32 $0x3C00, s8;
	s5 =	smul.u32 $0x13880, s5;
	s15 =	sadd.s32 $0x6400, s8  }
0xd: {  	s7 =	sadd.s32 s7, s0;
	s6 =	sadd.s32 s8, s6;
	[dreg:$0x9] =	wrdreg s19  }
0xe: {  	[dreg:$0xa] =	wrdreg s21;
	s22 =	sadd.s32 s20, s2;
	s24 =	sadd.s32 s23, s2  }
0xf: {  	s26 =	sadd.s32 s25, s2;
	s14 =	sadd.s32 s11, s9;
	s19 =	sadd.s32 $0x8C00, s8  }
0x10: {  	s11 =	simm.s32 $0x28;
	s6 =	sshrl.u32 s6, $0x3;
	[dreg:$0xb] =	wrdreg s22  }
0x11: {  	s10 =	sshrl.u32 s10, $0x3;
	s7 =	sadd.s32 $0x2400, s7;
	[dreg:$0xd] =	wrdreg s24  }
0x12: {  	[dreg:$0xf] =	wrdreg s26;
	s21 =	sadd.s32 s1, s14;
	s22 =	smul.u32 $0x28000, s12  }
0x13: {  	s26 =	sadd.s32 s19, s2;
	s28 =	sadd.s32 s19, s3;
	s12 =	simm.s32 $0x2  }
0x14: {  	s14 =	simm.s32 $0x17E00;
	s0 =	sadd.s32 s6, s0;
	s10 =	sadd.s32 s9, s10  }
0x15: {  	s6 =	ssub.s32 s16, s17;
	[dreg:$0x6] =	wrdreg s7;
	s7 =	sadd.s32 s23, s3  }
0x16: {  	s16 =	sadd.s32 s15, s2;
	s17 =	sadd.s32 s15, s3;
	[dreg:$0xe] =	wrdreg s7  }
0x17: {  	s15 =	simm.s32 $0x0;
	s18 =	sadd.s32 $0x13600, s10;
	[dreg:$0x13] =	wrdreg s16  }
0x18: {  	s6 =	smax.u32 s6, $0x1;
	s7 =	sadd.s32 $0x5000, s8;
	[dreg:$0x14] =	wrdreg s17  }
0x19: {  	s23 =	sshrl.u32 s22, $0x2;
	s29 =	sadd.s32 $0x71600, s0;
	[dreg:$0x7] =	wrdreg s18  }
0x1a: {  	s30 =	sadd.s32 $0x49600, s0;
	s10 =	simm.s32 $0x1;
	[dreg:$0x8] =	wrdreg s6  }
0x1b: {  	s6 =	sadd.s32 s20, s3;
	s13 =	sadd.s32 s7, s2;
	s20 =	sadd.s32 s9, s5  }
0x1c: {  	s18 =	sadd.s32 $0x7800, s8;
	s31 =	sadd.s32 s23, s2;
	s5 =	simm.s32 $0x14000  }
0x1d: {  	s8 =	simm.s32 $0x1A800;
	s9 =	simm.s32 $0x19400;
	[dreg:$0xc] =	wrdreg s6  }
0x1e: {  	s6 =	sadd.s32 s25, s3;
	[dreg:$0x11] =	wrdreg s13;
	s24 =	sadd.s32 s18, s2  }
0x1f: {  	s25 =	sadd.s32 s18, s3;
	s18 =	sadd.s32 s23, s3;
	s1 =	sadd.s32 $0x280, s20  }
0x20: {  	s13 =	simm.s32 $0x17D80;
	[dreg:$0x10] =	wrdreg s6;
	s6 =	sadd.s32 s7, s3  }
0x21: {  	s7 =	simm.s32 $0x18000;
	[dreg:$0x12] =	wrdreg s6;
	s6 =	simm.s32 $0x3  }
.LBB2_1:
0x22: {  	s0 =	rddreg [dreg:$0x6]  }
0x23: {  	[tilespmem:s5], [sflag:$0x3] =	stream.linear.gather [hbm4b:s0+s4], $0x3E80, $0x38;
	[tilespmem:$0x1BC00] =	vst v63  }
0x24: {  	_ =	swait.ge [sflag:s6], $0x3E80  }
0x25: {  	[sflag:s6] =	ssyncset.done $0x0  }
0x26: {  	s22 =	rddreg [dreg:$0x4];
	[sflag:s6] =	ssyncadd.s32 $0xFFFFC180  }
0x27: {  	[tilespmem:s7], [sflag:$0x3] =	stream.linear.gather [hbm4b:s22+s4], $0x1400, $0x38;
	[tilespmem:$0x1BC00] =	vst v63  }
0x28: {  	_ =	swait.ge [sflag:s6], $0x1400  }
0x29: {  	[sflag:s6] =	ssyncset.done $0x0  }
0x2a: {  	s23 =	rddreg [dreg:$0x9];
	[sflag:s6] =	ssyncadd.s32 $0xFFFFEC00  }
0x2b: {  	[spmem:s23] =	stream.linear.scatter [tilespmem:s7], [sflag:$0x3], $0x1400, $0x38;
	[tilespmem:$0x1BC00] =	vst v63  }
0x2c: {  	_ =	swait.ge [sflag:s6], $0x1400  }
0x2d: {  	[sflag:s6] =	ssyncset.done $0x0  }
0x2e: {  	s16 =	rddreg [dreg:$0xa];
	[sflag:s6] =	ssyncadd.s32 $0xFFFFEC00  }
0x2f: {  	[spmem:s16] =	stream.linear.scatter [tilespmem:s7], [sflag:$0x3], $0x1400, $0x38;
	[tilespmem:$0x1BC00] =	vst v63  }
0x30: {  	_ =	swait.ge [sflag:s6], $0x1400  }
0x31: {  	[sflag:s6] =	ssyncset.done $0x0  }
0x32: {  	s17 =	rddreg [dreg:$0xb];
	[sflag:s6] =	ssyncadd.s32 $0xFFFFEC00  }
0x33: {  	[spmem:s17] =	stream.linear.scatter [tilespmem:s7], [sflag:$0x3], $0x1400, $0x38;
	[tilespmem:$0x1BC00] =	vst v63  }
0x34: {  	_ =	swait.ge [sflag:s6], $0x1400  }
0x35: {  	[sflag:s6] =	ssyncset.done $0x0  }
0x36: {  	s19 =	rddreg [dreg:$0xc];
	[sflag:s6] =	ssyncadd.s32 $0xFFFFEC00  }
0x37: {  	[spmem:s19] =	stream.linear.scatter [tilespmem:s7], [sflag:$0x3], $0x1400, $0x38;
	[tilespmem:$0x1BC00] =	vst v63  }
0x38: {  	_ =	swait.ge [sflag:s6], $0x1400  }
0x39: {  	[sflag:s6] =	ssyncset.done $0x0  }
0x3a: {  	s22 =	rddreg [dreg:$0xd];
	[sflag:s6] =	ssyncadd.s32 $0xFFFFEC00  }
0x3b: {  	[spmem:s22] =	stream.linear.scatter [tilespmem:s7], [sflag:$0x3], $0x1400, $0x38;
	[tilespmem:$0x1BC00] =	vst v63  }
0x3c: {  	_ =	swait.ge [sflag:s6], $0x1400  }
0x3d: {  	[sflag:s6] =	ssyncset.done $0x0  }
0x3e: {  	s23 =	rddreg [dreg:$0xe];
	[sflag:s6] =	ssyncadd.s32 $0xFFFFEC00  }
0x3f: {  	[spmem:s23] =	stream.linear.scatter [tilespmem:s7], [sflag:$0x3], $0x1400, $0x38;
	[tilespmem:$0x1BC00] =	vst v63  }
0x40: {  	_ =	swait.ge [sflag:s6], $0x1400  }
0x41: {  	[sflag:s6] =	ssyncset.done $0x0  }
0x42: {  	s16 =	rddreg [dreg:$0xf];
	[sflag:s6] =	ssyncadd.s32 $0xFFFFEC00  }
0x43: {  	[spmem:s16] =	stream.linear.scatter [tilespmem:s7], [sflag:$0x3], $0x1400, $0x38;
	[tilespmem:$0x1BC00] =	vst v63  }
0x44: {  	_ =	swait.ge [sflag:s6], $0x1400  }
0x45: {  	[sflag:s6] =	ssyncset.done $0x0  }
0x46: {  	s17 =	rddreg [dreg:$0x10];
	[sflag:s6] =	ssyncadd.s32 $0xFFFFEC00  }
0x47: {  	[spmem:s17] =	stream.linear.scatter [tilespmem:s7], [sflag:$0x3], $0x1400, $0x38;
	[tilespmem:$0x1BC00] =	vst v63  }
0x48: {  	_ =	swait.ge [sflag:s6], $0x1400  }
0x49: {  	[sflag:s6] =	ssyncset.done $0x0  }
0x4a: {  	s19 =	rddreg [dreg:$0x11];
	[sflag:s6] =	ssyncadd.s32 $0xFFFFEC00  }
0x4b: {  	[spmem:s19] =	stream.linear.scatter [tilespmem:s7], [sflag:$0x3], $0x1400, $0x38;
	[tilespmem:$0x1BC00] =	vst v63  }
0x4c: {  	_ =	swait.ge [sflag:s6], $0x1400  }
0x4d: {  	[sflag:s6] =	ssyncset.done $0x0  }
0x4e: {  	s22 =	rddreg [dreg:$0x12];
	[sflag:s6] =	ssyncadd.s32 $0xFFFFEC00  }
0x4f: {  	[spmem:s22] =	stream.linear.scatter [tilespmem:s7], [sflag:$0x3], $0x1400, $0x38;
	[tilespmem:$0x1BC00] =	vst v63  }
0x50: {  	_ =	swait.ge [sflag:s6], $0x1400  }
0x51: {  	[sflag:s6] =	ssyncset.done $0x0  }
0x52: {  	s23 =	rddreg [dreg:$0x13];
	[sflag:s6] =	ssyncadd.s32 $0xFFFFEC00  }
0x53: {  	[spmem:s23] =	stream.linear.scatter [tilespmem:s7], [sflag:$0x3], $0x1400, $0x38;
	[tilespmem:$0x1BC00] =	vst v63  }
0x54: {  	_ =	swait.ge [sflag:s6], $0x1400  }
0x55: {  	[sflag:s6] =	ssyncset.done $0x0  }
0x56: {  	s16 =	rddreg [dreg:$0x14];
	[sflag:s6] =	ssyncadd.s32 $0xFFFFEC00  }
0x57: {  	[spmem:s16] =	stream.linear.scatter [tilespmem:s7], [sflag:$0x3], $0x1400, $0x38;
	[tilespmem:$0x1BC00] =	vst v63  }
0x58: {  	_ =	swait.ge [sflag:s6], $0x1400  }
0x59: {  	[sflag:s6] =	ssyncset.done $0x0  }
0x5a: {  	[sflag:s6] =	ssyncadd.s32 $0xFFFFEC00  }
0x5b: {  	[spmem:s24] =	stream.linear.scatter [tilespmem:s7], [sflag:$0x3], $0x1400, $0x38;
	[tilespmem:$0x1BC00] =	vst v63  }
0x5c: {  	_ =	swait.ge [sflag:s6], $0x1400  }
0x5d: {  	[sflag:s6] =	ssyncset.done $0x0  }
0x5e: {  	[sflag:s6] =	ssyncadd.s32 $0xFFFFEC00  }
0x5f: {  	[spmem:s25] =	stream.linear.scatter [tilespmem:s7], [sflag:$0x3], $0x1400, $0x38;
	[tilespmem:$0x1BC00] =	vst v63  }
0x60: {  	_ =	swait.ge [sflag:s6], $0x1400  }
0x61: {  	[sflag:s6] =	ssyncset.done $0x0  }
0x62: {  	[sflag:s6] =	ssyncadd.s32 $0xFFFFEC00  }
0x63: {  	[spmem:s26] =	stream.linear.scatter [tilespmem:s7], [sflag:$0x3], $0x1400, $0x38;
	[tilespmem:$0x1BC00] =	vst v63  }
0x64: {  	_ =	swait.ge [sflag:s6], $0x1400  }
0x65: {  	[sflag:s6] =	ssyncset.done $0x0  }
0x66: {  	[sflag:s6] =	ssyncadd.s32 $0xFFFFEC00  }
0x67: {  	[spmem:s28] =	stream.linear.scatter [tilespmem:s7], [sflag:$0x3], $0x1400, $0x38;
	[tilespmem:$0x1BC00] =	vst v63  }
0x68: {  	_ =	swait.ge [sflag:s6], $0x1400  }
0x69: {  	[sflag:s6] =	ssyncset.done $0x0  }
0x6a: {  	s17 =	rddreg [dreg:$0x5];
	[sflag:s6] =	ssyncadd.s32 $0xFFFFEC00  }
0x6b: {  	[tilespmem:s8], [sflag:$0x3] =	stream.linear.gather [hbm4b:s17+s4], $0x1400, $0x38;
	[tilespmem:$0x1BC00] =	vst v63  }
0x6c: {  	_ =	swait.ge [sflag:s6], $0x1400  }
0x6d: {  	[sflag:s6] =	ssyncset.done $0x0  }
0x6e: {  	[sflag:s6] =	ssyncadd.s32 $0xFFFFEC00  }
0x6f: {  	[bflag:$0x0] =	sbarrier.arrive $0xFFFF  }
0x70: {  	[tilespmem:s7], [sflag:$0x1] =	stream.linear.gather [hbm4b:s20+s4], $0x1400, $0x38;
	[tilespmem:$0x1BC00] =	vst v63  }
0x71: {  	_ = 	snop  }
0x72: {  	[tilespmem:s9], [sflag:$0x2] =	stream.linear.gather [hbm4b:s1+s4], $0x1400, $0x38;
	[tilespmem:$0x1BC00] =	vst v63  }
0x73: {  	_ =	swait.ge [sflag:s10], $0x1400  }
0x74: {  	[sflag:s10] =	ssyncset.done $0x0  }
0x75: {  	[sflag:s10] =	ssyncadd.s32 $0xFFFFEC00  }
0x76: {  	[spmem:s2] =	stream.indirect.scatter.add.f32 [tilespmem:s7], [sflag:$0x3], $0x80, s5, s11, $0xb8;
	[tilespmem:$0x1BC00] =	vst v63  }
0x77: {  	_ =	swait.ge [sflag:s6], $0x1400  }
0x78: {  	[sflag:s6] =	ssyncset.done $0x0  }
0x79: {  	[sflag:s6] =	ssyncadd.s32 $0xFFFFEC00  }
0x7a: {  	[spmem:s3] =	stream.indirect.scatter.add.f32 [tilespmem:s8], [sflag:$0x3], $0x80, s5, s11, $0xb8;
	[tilespmem:$0x1BC00] =	vst v63  }
0x7b: {  	_ =	swait.ge [sflag:s6], $0x1400  }
0x7c: {  	s19 =	sadd.s32 $0x0, s21;
	[sflag:s6] =	ssyncset.done $0x0  }
0x7d: {  	s16 =	sadd.s32 $0x500, s19;
	[sflag:s6] =	ssyncadd.s32 $0xFFFFEC00  }
0x7e: {  	[tilespmem:s7], [sflag:$0x1] =	stream.linear.gather [hbm4b:s16+s4], $0x1400, $0x38;
	[tilespmem:$0x1BC00] =	vst v63  }
0x7f: {  	_ =	swait.ge [sflag:s12], $0x1400  }
0x80: {  	[sflag:s12] =	ssyncset.done $0x0  }
0x81: {  	s22 =	simm.s32 $0x14080;
	[sflag:s12] =	ssyncadd.s32 $0xFFFFEC00  }
0x82: {  	[spmem:s2] =	stream.indirect.scatter.add.f32 [tilespmem:s9], [sflag:$0x3], $0x80, s22, s11, $0xb8;
	[tilespmem:$0x1BC00] =	vst v63  }
0x83: {  	_ =	swait.ge [sflag:s6], $0x1400  }
0x84: {  	[sflag:s6] =	ssyncset.done $0x0  }
0x85: {  	[sflag:s6] =	ssyncadd.s32 $0xFFFFEC00  }
0x86: {  	[spmem:s3] =	stream.indirect.scatter.add.f32 [tilespmem:s8], [sflag:$0x3], $0x80, s22, s11, $0xb8;
	[tilespmem:$0x1BC00] =	vst v63  }
0x87: {  	_ =	swait.ge [sflag:s6], $0x1400  }
0x88: {  	[sflag:s6] =	ssyncset.done $0x0  }
0x89: {  	s0 =	sadd.s32 $0x780, s19;
	[sflag:s6] =	ssyncadd.s32 $0xFFFFEC00  }
0x8a: {  	[tilespmem:s9], [sflag:$0x2] =	stream.linear.gather [hbm4b:s0+s4], $0x1400, $0x38;
	[tilespmem:$0x1BC00] =	vst v63  }
0x8b: {  	_ =	swait.ge [sflag:s10], $0x1400  }
0x8c: {  	[sflag:s10] =	ssyncset.done $0x0  }
0x8d: {  	s23 =	simm.s32 $0x14100;
	[sflag:s10] =	ssyncadd.s32 $0xFFFFEC00  }
0x8e: {  	[spmem:s2] =	stream.indirect.scatter.add.f32 [tilespmem:s7], [sflag:$0x3], $0x80, s23, s11, $0xb8;
	[tilespmem:$0x1BC00] =	vst v63  }
0x8f: {  	_ =	swait.ge [sflag:s6], $0x1400  }
0x90: {  	[sflag:s6] =	ssyncset.done $0x0  }
0x91: {  	[sflag:s6] =	ssyncadd.s32 $0xFFFFEC00  }
0x92: {  	[spmem:s3] =	stream.indirect.scatter.add.f32 [tilespmem:s8], [sflag:$0x3], $0x80, s23, s11, $0xb8;
	[tilespmem:$0x1BC00] =	vst v63  }
0x93: {  	s17 =	sadd.s32 $0x500, s21;
	_ =	swait.ge [sflag:s6], $0x1400  }
0x94: {  	s16 =	simm.s32 $0x14200;
	s0 =	simm.s32 $0xA00;
	[sflag:s6] =	ssyncset.done $0x0  }
.LBB2_2:
0x95: {  	s19 =	sadd.s32 $0x500, s17  }
0x96: {  	[sflag:s6] =	ssyncadd.s32 $0xFFFFEC00;
	s22 =	smov.u32 s0;
	s23 =	sadd.s32 $0x500, s0  }
0x97: {  	[tilespmem:s7], [sflag:$0x1] =	stream.linear.gather [hbm4b:s19+s4], $0x1400, $0x38;
	[tilespmem:$0x1BC00] =	vst v63  }
0x98: {  	p0 =	sne.s32 s0, $0x12C00;
	_ =	swait.ge [sflag:s12], $0x1400  }
0x99: {  	[sflag:s12] =	ssyncset.done $0x0  }
0x9a: {  	s0 =	sadd.s32 $0xFFFFFF80, s16;
	[sflag:s12] =	ssyncadd.s32 $0xFFFFEC00  }
0x9b: {  	[spmem:s2] =	stream.indirect.scatter.add.f32 [tilespmem:s9], [sflag:$0x3], $0x80, s0, s11, $0xb8;
	[tilespmem:$0x1BC00] =	vst v63  }
0x9c: {  	_ =	swait.ge [sflag:s6], $0x1400  }
0x9d: {  	[sflag:s6] =	ssyncset.done $0x0  }
0x9e: {  	[sflag:s6] =	ssyncadd.s32 $0xFFFFEC00  }
0x9f: {  	[spmem:s3] =	stream.indirect.scatter.add.f32 [tilespmem:s8], [sflag:$0x3], $0x80, s0, s11, $0xb8;
	[tilespmem:$0x1BC00] =	vst v63  }
0xa0: {  	_ =	swait.ge [sflag:s6], $0x1400  }
0xa1: {  	[sflag:s6] =	ssyncset.done $0x0  }
0xa2: {  	s0 =	sadd.s32 $0x780, s17;
	[sflag:s6] =	ssyncadd.s32 $0xFFFFEC00  }
0xa3: {  	[tilespmem:s9], [sflag:$0x2] =	stream.linear.gather [hbm4b:s0+s4], $0x1400, $0x38;
	[tilespmem:$0x1BC00] =	vst v63  }
0xa4: {  	_ =	swait.ge [sflag:s10], $0x1400  }
0xa5: {  	[sflag:s10] =	ssyncset.done $0x0  }
0xa6: {  	[sflag:s10] =	ssyncadd.s32 $0xFFFFEC00  }
0xa7: {  	[spmem:s2] =	stream.indirect.scatter.add.f32 [tilespmem:s7], [sflag:$0x3], $0x80, s16, s11, $0xb8;
	[tilespmem:$0x1BC00] =	vst v63  }
0xa8: {  	_ =	swait.ge [sflag:s6], $0x1400  }
.Ltmp0:
0xa9: {  	[sflag:s6] =	ssyncset.done $0x0;
	(pc) =	sbr.rel @p0 .LBB2_2-.Ltmp0, $4  }
0xaa: {  	[sflag:s6] =	ssyncadd.s32 $0xFFFFEC00  }
0xab: {  	[spmem:s3] =	stream.indirect.scatter.add.f32 [tilespmem:s8], [sflag:$0x3], $0x80, s16, s11, $0xb8;
	[tilespmem:$0x1BC00] =	vst v63  }
0xac: {  	s17 =	sadd.s32 s22, s21;
	_ =	swait.ge [sflag:s6], $0x1400  }
0xad: {  	s0 =	smov.u32 s23;
	s16 =	sadd.s32 $0x100, s16;
	[sflag:s6] =	ssyncset.done $0x0  }
0xae: {  	s0 =	sadd.s32 $0x500, s17;
	[sflag:s6] =	ssyncadd.s32 $0xFFFFEC00  }
0xaf: {  	[tilespmem:s7], [sflag:$0x1] =	stream.linear.gather [hbm4b:s0+s4], $0x1400, $0x38;
	[tilespmem:$0x1BC00] =	vst v63  }
0xb0: {  	_ =	swait.ge [sflag:s12], $0x1400  }
0xb1: {  	[sflag:s12] =	ssyncset.done $0x0  }
0xb2: {  	s22 =	sadd.s32 $0xFFFFFF80, s16;
	[sflag:s12] =	ssyncadd.s32 $0xFFFFEC00  }
0xb3: {  	[spmem:s2] =	stream.indirect.scatter.add.f32 [tilespmem:s9], [sflag:$0x3], $0x80, s22, s11, $0xb8;
	[tilespmem:$0x1BC00] =	vst v63  }
0xb4: {  	_ =	swait.ge [sflag:s6], $0x1400  }
0xb5: {  	[sflag:s6] =	ssyncset.done $0x0  }
0xb6: {  	[sflag:s6] =	ssyncadd.s32 $0xFFFFEC00  }
0xb7: {  	[spmem:s3] =	stream.indirect.scatter.add.f32 [tilespmem:s8], [sflag:$0x3], $0x80, s22, s11, $0xb8;
	[tilespmem:$0x1BC00] =	vst v63  }
0xb8: {  	_ =	swait.ge [sflag:s6], $0x1400  }
0xb9: {  	[sflag:s6] =	ssyncset.done $0x0  }
0xba: {  	s23 =	sadd.s32 $0x780, s17;
	[sflag:s6] =	ssyncadd.s32 $0xFFFFEC00  }
0xbb: {  	[tilespmem:s9], [sflag:$0x2] =	stream.linear.gather [hbm4b:s23+s4], $0x1400, $0x38;
	[tilespmem:$0x1BC00] =	vst v63  }
0xbc: {  	_ =	swait.ge [sflag:s10], $0x1400  }
0xbd: {  	[sflag:s10] =	ssyncset.done $0x0  }
0xbe: {  	[sflag:s10] =	ssyncadd.s32 $0xFFFFEC00  }
0xbf: {  	[spmem:s2] =	stream.indirect.scatter.add.f32 [tilespmem:s7], [sflag:$0x3], $0x80, s16, s11, $0xb8;
	[tilespmem:$0x1BC00] =	vst v63  }
0xc0: {  	_ =	swait.ge [sflag:s6], $0x1400  }
0xc1: {  	[sflag:s6] =	ssyncset.done $0x0  }
0xc2: {  	[sflag:s6] =	ssyncadd.s32 $0xFFFFEC00  }
0xc3: {  	[spmem:s3] =	stream.indirect.scatter.add.f32 [tilespmem:s8], [sflag:$0x3], $0x80, s16, s11, $0xb8;
	[tilespmem:$0x1BC00] =	vst v63  }
0xc4: {  	_ =	swait.ge [sflag:s6], $0x1400  }
0xc5: {  	[sflag:s6] =	ssyncset.done $0x0  }
0xc6: {  	s17 =	simm.s32 $0x0;
	s19 =	rddreg [dreg:$0x7];
	[sflag:s6] =	ssyncadd.s32 $0xFFFFEC00  }
0xc7: {  	[tilespmem:s7], [sflag:$0x1] =	stream.linear.gather [hbm4b:s19+s17], $0x1400, $0x38;
	[tilespmem:$0x1BC00] =	vst v63  }
0xc8: {  	_ =	swait.ge [sflag:s12], $0x1400  }
0xc9: {  	[sflag:s12] =	ssyncset.done $0x0  }
0xca: {  	[sflag:s12] =	ssyncadd.s32 $0xFFFFEC00  }
0xcb: {  	[spmem:s2] =	stream.indirect.scatter.add.f32 [tilespmem:s9], [sflag:$0x3], $0x80, s13, s11, $0xb8;
	[tilespmem:$0x1BC00] =	vst v63  }
0xcc: {  	_ =	swait.ge [sflag:s6], $0x1400  }
0xcd: {  	[sflag:s6] =	ssyncset.done $0x0  }
0xce: {  	[sflag:s6] =	ssyncadd.s32 $0xFFFFEC00  }
0xcf: {  	[spmem:s3] =	stream.indirect.scatter.add.f32 [tilespmem:s8], [sflag:$0x3], $0x80, s13, s11, $0xb8;
	[tilespmem:$0x1BC00] =	vst v63  }
0xd0: {  	_ =	swait.ge [sflag:s6], $0x1400  }
0xd1: {  	[sflag:s6] =	ssyncset.done $0x0  }
0xd2: {  	[sflag:s6] =	ssyncadd.s32 $0xFFFFEC00  }
0xd3: {  	_ =	swait.ge [sflag:s10], $0x1400  }
0xd4: {  	[sflag:s10] =	ssyncset.done $0x0  }
0xd5: {  	[sflag:s10] =	ssyncadd.s32 $0xFFFFEC00  }
0xd6: {  	[spmem:s2] =	stream.indirect.scatter.add.f32 [tilespmem:s7], [sflag:$0x3], $0x80, s14, s11, $0xb8;
	[tilespmem:$0x1BC00] =	vst v63  }
0xd7: {  	_ =	swait.ge [sflag:s6], $0x1400  }
0xd8: {  	[sflag:s6] =	ssyncset.done $0x0  }
0xd9: {  	[sflag:s6] =	ssyncadd.s32 $0xFFFFEC00  }
0xda: {  	[spmem:s3] =	stream.indirect.scatter.add.f32 [tilespmem:s8], [sflag:$0x3], $0x80, s14, s11, $0xb8;
	[tilespmem:$0x1BC00] =	vst v63  }
0xdb: {  	_ =	swait.ge [sflag:s6], $0x1400  }
0xdc: {  	[sflag:s6] =	ssyncset.done $0x0  }
0xdd: {  	[sflag:s6] =	ssyncadd.s32 $0xFFFFEC00  }
0xde: {  	[bflag:$0x0] =	sbarrier.arrive $0xFFFF  }
0xdf: {  	[tilespmem:s7], [sflag:$0x3] =	stream.linear.gather [spmem:s31], $0x1400, $0x38;
	[tilespmem:$0x1BC00] =	vst v63  }
0xe0: {  	_ =	swait.ge [sflag:s6], $0x1400  }
0xe1: {  	[sflag:s6] =	ssyncset.done $0x0  }
0xe2: {  	s22 =	sadd.s32 $0x0, s30;
	[sflag:s6] =	ssyncadd.s32 $0xFFFFEC00  }
0xe3: {  	[hbm4b:s22+s4] =	stream.linear.scatter [tilespmem:s7], [sflag:$0x3], $0x1400, $0x38;
	[tilespmem:$0x1BC00] =	vst v63  }
0xe4: {  	_ =	swait.ge [sflag:s6], $0x1400  }
0xe5: {  	[sflag:s6] =	ssyncset.done $0x0  }
0xe6: {  	[sflag:s6] =	ssyncadd.s32 $0xFFFFEC00  }
0xe7: {  	[tilespmem:s8], [sflag:$0x3] =	stream.linear.gather [spmem:s18], $0x1400, $0x38;
	[tilespmem:$0x1BC00] =	vst v63  }
0xe8: {  	_ =	swait.ge [sflag:s6], $0x1400  }
0xe9: {  	[sflag:s6] =	ssyncset.done $0x0  }
0xea: {  	s23 =	sadd.s32 $0x0, s29;
	[sflag:s6] =	ssyncadd.s32 $0xFFFFEC00  }
0xeb: {  	[hbm4b:s23+s4] =	stream.linear.scatter [tilespmem:s8], [sflag:$0x3], $0x1400, $0x38;
	[tilespmem:$0x1BC00] =	vst v63  }
0xec: {  	s0 =	smov.u32 s18;
	_ =	swait.ge [sflag:s6], $0x1400  }
0xed: {  	s16 =	simm.s32 $0x280;
	s17 =	smov.u32 s31;
	[sflag:s6] =	ssyncset.done $0x0  }
.LBB2_4:
0xee: {  	[sflag:s6] =	ssyncadd.s32 $0xFFFFEC00  }
0xef: {  	s17 =	sadd.s32 $0x1400, s17;
	s0 =	sadd.s32 $0x1400, s0;
	s19 =	smov.u32 s16  }
0xf0: {  	[tilespmem:s7], [sflag:$0x3] =	stream.linear.gather [spmem:s17], $0x1400, $0x38;
	[tilespmem:$0x1BC00] =	vst v63  }
0xf1: {  	p0 =	sne.s32 s16, $0x1180;
	s16 =	sadd.s32 $0x280, s16;
	_ =	swait.ge [sflag:s6], $0x1400  }
0xf2: {  	[sflag:s6] =	ssyncset.done $0x0  }
0xf3: {  	s22 =	sadd.s32 s19, s30;
	[sflag:s6] =	ssyncadd.s32 $0xFFFFEC00  }
0xf4: {  	[hbm4b:s22+s4] =	stream.linear.scatter [tilespmem:s7], [sflag:$0x3], $0x1400, $0x38;
	[tilespmem:$0x1BC00] =	vst v63  }
0xf5: {  	_ =	swait.ge [sflag:s6], $0x1400  }
0xf6: {  	[sflag:s6] =	ssyncset.done $0x0  }
0xf7: {  	[sflag:s6] =	ssyncadd.s32 $0xFFFFEC00  }
0xf8: {  	[tilespmem:s8], [sflag:$0x3] =	stream.linear.gather [spmem:s0], $0x1400, $0x38;
	[tilespmem:$0x1BC00] =	vst v63  }
0xf9: {  	_ =	swait.ge [sflag:s6], $0x1400  }
.Ltmp1:
0xfa: {  	[sflag:s6] =	ssyncset.done $0x0;
	(pc) =	sbr.rel @p0 .LBB2_4-.Ltmp1, $4  }
0xfb: {  	s19 =	sadd.s32 s19, s29;
	[sflag:s6] =	ssyncadd.s32 $0xFFFFEC00  }
0xfc: {  	[hbm4b:s19+s4] =	stream.linear.scatter [tilespmem:s8], [sflag:$0x3], $0x1400, $0x38;
	[tilespmem:$0x1BC00] =	vst v63  }
0xfd: {  	_ =	swait.ge [sflag:s6], $0x1400  }
0xfe: {  	[sflag:s6] =	ssyncset.done $0x0  }
0xff: {  	s15 =	sadd.s32 $0x1, s15;
	s0 =	rddreg [dreg:$0x8]  }
0x100: {  	p0 =	sne.s32 s15, s0  }
.Ltmp2:
0x101: {  	_ = 	snop;
	(pc) =	sbr.rel @p0 .LBB2_1-.Ltmp2, $2  }
0x102: {  	_ =	sdelay $0x2  }
0x103: {  	[sflag:s6] =	ssyncadd.s32 $0xFFFFEC00  }
0x104: {  	_ =	sfence.sel $0x180000  }
0x105: {  	[bflag:$0x0] =	sbarrier.arrive $0xFFFF  }
0x106: {  	_ =	strace $0x9000004D  }
0x107: {  	s0 =	stileid.u32;
	[bflag:$0x2] =	sbarrier.arrive $0xFFFF  }
0x108: {  	p0 =	sne.s32 s0, $0x0;
	s0 =	rddreg [dreg:$0x3]  }
0x109: {  	s0 =	sadd.s32 @!p0 $0x100000, s0  }
0x10a: {  	[sflag:s0] =	ssyncadd.tile.s32 @!p0 $0x1;
	_ =	shalt  }
.Lfunc_end2:
_tile_overlayer_lowered:
.L_overlay_start_2:
0x10b: {  	(tag) =	ssettag $0x2  }
0x10c: {  	s0 =	rddreg [dreg:$0x0];
	s2 =	stileid.u32  }
0x10d: {  	s1 =	rddreg [dreg:$0x1];
	p0 =	sne.s32 s2, $0x0  }
0x10e: {  	s3 =	rddreg [dreg:$0x2];
	[bflag:$0x3] =	sbarrier.arrive $0xFFFF;
	s2 =	simm.s32 @!p0 $0x1C03  }
0x10f: {  	[timem:s3], [sflag:s2] =	dma.local @!p0 [hbm:s0], s1  }
0x110: {  	s0 =	simm.s32 @!p0 $0x3  }
0x111: {  	_ =	swait.ge @!p0 [sflag:s0], s1  }
0x112: {  	s1 =	ssub.s32 @!p0 $0x0, s1;
	[sflag:s0] =	ssyncset.done @!p0 $0x0  }
0x113: {  	[sflag:s0] =	ssyncadd.s32 @!p0 s1  }
0x114: {  	[bflag:$0x3] =	sbarrier.arrive $0xFFFF  }
0x115: {  	_ =	shalt  }

// kernel: kernel.16.cloned.1.call-start
scs
__scs_entry_jumppad:
0x0: {  	(pc) =	sbr.rel $0x88, $3  }
0x1: {  	(tag) =	ssettag $0x0;
	lr =	simm.s32 $0x1  }
0x2: {  	[smem:$0x3F94] =	sst lr;
	_ =	strace $0xD0000000  }
0x3: {  	_ = 	snop  }
0x4: {  	_ = 	snop  }
0x5: {  	_ = 	snop  }
0x6: {  	_ = 	snop  }
0x7: {  	_ = 	snop  }
__scs_overlays_trampoline_lowered:
0x8: {  	[smem:$0x3FA3] =	sst s0  }
0x9: {  	[smem:$0x3FA4] =	sst s1  }
0xa: {  	[smem:$0x3FA5] =	sst s2  }
0xb: {  	[smem:$0x3FA6] =	sst s3  }
0xc: {  	[smem:$0x3FA7] =	sst s4  }
0xd: {  	[smem:$0x3FA8] =	sst s5  }
0xe: {  	[smem:$0x3FA9] =	sst s6  }
0xf: {  	[smem:$0x3FAA] =	sst s7  }
0x10: {  	[smem:$0x3FAB] =	sst s8  }
0x11: {  	[smem:$0x3FAC] =	sst s9;
	s0 =	simm.s32 @!p0 $0x0  }
0x12: {  	s1 =	sld [smem:$0x3F92];
	s0 =	simm.s32 @p0 $0x1  }
0x13: {  	[smem:$0x3FAD] =	sst s0;
	s0 =	simm.s32 @!p1 $0x0  }
0x14: {  	s2 =	sld [smem:$0x3F91];
	s0 =	simm.s32 @p1 $0x1  }
0x15: {  	[smem:$0x3FAE] =	sst s0;
	s0 =	simm.s32 @!p2 $0x0  }
0x16: {  	s3 =	sld [smem:$0x3FDB];
	s0 =	simm.s32 @p2 $0x1  }
0x17: {  	s4 =	simm.s32 $0x1BF5;
	[smem:$0x3FB0] =	sst s0  }
0x18: {  	s0 =	sld [smem:$0x3F93];
	_ =	swait.ge [sflag:s4], $0x0  }
0x19: {  	s7 =	sld [smem:$0x3F94]  }
0x1a: {  	s8 =	sadd.s32 $0xFFFFE003, lr  }
0x1b: {  	s9 =	sadd.s32 $0xFFFFFEF7, lr;
	s5 =	simm.s32 $0xFFFFFFFF;
	p2 =	slt.u32 s8, $0xFFFFF086  }
0x1c: {  	p1 =	slt.u32 s9, $0xF7A;
	s5 =	simm.s32 @!p2 $0x0  }
0x1d: {  	s5 =	simm.s32 @p1 $0x1;
	p0 =	seq.s32 s7, s2  }
0x1e: {  	s7 =	smul.u32 @!p0 $0xF7A, s2;
	p2 =	seq.s32 @!p0 s5, $0x0  }
0x1f: {  	s9 =	smul.u32 $0xF7A, s1;
	s8 =	simm.s32 @!p0 $0x1BF5;
	p2 =	por !p2, p0  }
0x20: {  	[sflag:s8] =	ssyncset.s32 @!p0 $0xFFFFF086;
	s6 =	sadd.s32 @!p0 s3, s7;
	s7 =	simm.s32 @!p0 $0x108  }
0x21: {  	s3 =	sadd.s32 s3, s9;
	s6 =	sadd.s32 @!p0 $0x88, s6;
	s7 =	simm.s32 @p2 $0x1082  }
0x22: {  	[simem:s7], [sflag:s8] =	dma.local @!p0 [hbm:s6], $0xF7A  }
0x23: {  	s9 =	sor.u32 $0xD0000000, s2;
	s6 =	simm.s32 $0x108;
	_ =	swait.ge @!p0 [sflag:s8], $0x0  }
0x24: {  	s3 =	sadd.s32 $0x88, s3;
	s6 =	simm.s32 @!p1 $0x1082;
	[sflag:s4] =	ssyncset.s32 $0xFFFFF086  }
0x25: {  	[simem:s6], [sflag:s4] =	dma.local [hbm:s3], $0xF7A  }
0x26: {  	[smem:$0x3F94] =	sst s1;
	(tag) =	ssettag s2;
	_ =	strace s9  }
0x27: {  	s1 =	sld [smem:$0x3FA4]  }
0x28: {  	s2 =	sld [smem:$0x3FA5]  }
0x29: {  	s4 =	sld [smem:$0x3FA7]  }
0x2a: {  	p0 =	seq.s32 s5, $0x0;
	s5 =	sld [smem:$0x3FA8]  }
0x2b: {  	s6 =	sld [smem:$0x3FA9]  }
0x2c: {  	s7 =	sld [smem:$0x3FAA]  }
0x2d: {  	s3 =	simm.s32 $0x108;
	s8 =	sld [smem:$0x3FAB]  }
0x2e: {  	s3 =	simm.s32 @!p0 $0x1082;
	s9 =	sld [smem:$0x3FAC]  }
0x2f: {  	lr =	sadd.s32 s0, s3;
	s0 =	sld [smem:$0x3FA3]  }
0x30: {  	s3 =	sld [smem:$0x3FA6]  }
0x31: {  	[smem:$0x3FAF] =	sst s10  }
0x32: {  	s10 =	sld [smem:$0x3FAD];
	_ =	sdelay $0x3  }
0x33: {  	p0 =	seq.s32 s10, $0x1;
	s10 =	sld [smem:$0x3FAF];
	_ =	sdelay $0x3  }
0x34: {  	[smem:$0x3FAF] =	sst s10  }
0x35: {  	s10 =	sld [smem:$0x3FAE];
	_ =	sdelay $0x3  }
0x36: {  	p1 =	seq.s32 s10, $0x1;
	s10 =	sld [smem:$0x3FAF];
	_ =	sdelay $0x3  }
0x37: {  	[smem:$0x3FAF] =	sst s10  }
0x38: {  	s10 =	sld [smem:$0x3FB0]  }
0x39: {  	_ = 	snop;
	(pc) =	sbr.ind lr, $3  }
0x3a: {  	_ = 	snop  }
0x3b: {  	_ = 	snop  }
0x3c: {  	p2 =	seq.s32 s10, $0x1;
	s10 =	sld [smem:$0x3FAF]  }
0x3d: {  	_ =	shalt  }
0x3e: {  	_ =	shalt  }
0x3f: {  	_ =	shalt  }
0x40: {  	_ =	shalt  }
0x41: {  	_ =	shalt  }
0x42: {  	_ =	shalt  }
0x43: {  	_ =	shalt  }
0x44: {  	_ =	shalt  }
0x45: {  	_ =	shalt  }
0x46: {  	_ =	shalt  }
0x47: {  	_ =	shalt  }
0x48: {  	_ =	shalt  }
0x49: {  	_ =	shalt  }
0x4a: {  	_ =	shalt  }
0x4b: {  	_ =	shalt  }
0x4c: {  	_ =	shalt  }
0x4d: {  	_ =	shalt  }
0x4e: {  	_ =	shalt  }
0x4f: {  	_ =	shalt  }
0x50: {  	_ =	shalt  }
0x51: {  	_ =	shalt  }
0x52: {  	_ =	shalt  }
0x53: {  	_ =	shalt  }
0x54: {  	_ =	shalt  }
0x55: {  	_ =	shalt  }
0x56: {  	_ =	shalt  }
0x57: {  	_ =	shalt  }
0x58: {  	_ =	shalt  }
0x59: {  	_ =	shalt  }
0x5a: {  	_ =	shalt  }
0x5b: {  	_ =	shalt  }
0x5c: {  	_ =	shalt  }
0x5d: {  	_ =	shalt  }
0x5e: {  	_ =	shalt  }
0x5f: {  	_ =	shalt  }
0x60: {  	_ =	shalt  }
0x61: {  	_ =	shalt  }
0x62: {  	_ =	shalt  }
0x63: {  	_ =	shalt  }
0x64: {  	_ =	shalt  }
0x65: {  	_ =	shalt  }
0x66: {  	_ =	shalt  }
0x67: {  	_ =	shalt  }
0x68: {  	_ =	shalt  }
0x69: {  	_ =	shalt  }
0x6a: {  	_ =	shalt  }
0x6b: {  	_ =	shalt  }
0x6c: {  	_ =	shalt  }
0x6d: {  	_ =	shalt  }
0x6e: {  	_ =	shalt  }
0x6f: {  	_ =	shalt  }
0x70: {  	_ =	shalt  }
0x71: {  	_ =	shalt  }
0x72: {  	_ =	shalt  }
0x73: {  	_ =	shalt  }
0x74: {  	_ =	shalt  }
0x75: {  	_ =	shalt  }
0x76: {  	_ =	shalt  }
0x77: {  	_ =	shalt  }
0x78: {  	_ =	shalt  }
0x79: {  	_ =	shalt  }
0x7a: {  	_ =	shalt  }
0x7b: {  	_ =	shalt  }
0x7c: {  	_ =	shalt  }
0x7d: {  	_ =	shalt  }
0x7e: {  	_ =	shalt  }
0x7f: {  	_ =	shalt  }
0x80: {  	_ =	shalt  }
0x81: {  	_ =	shalt  }
0x82: {  	_ =	shalt  }
0x83: {  	_ =	shalt  }
0x84: {  	_ =	shalt  }
0x85: {  	_ =	shalt  }
0x86: {  	_ =	shalt  }
0x87: {  	_ =	shalt  }
.Lfunc_end0:
.L_simem_size_0:
called_computation.2_lowered:
.L_overlay_start_0:
0x88: {  	s2 =	sld [smem:$0x3FD9]  }
0x89: {  	s3 =	sld [smem:$0x3FFE];
	_ =	sdelay $0x1  }
0x8a: {  	s1 =	srdreg.scid  }
0x8b: {  	s0 =	sand.u32 $0x1, s1  }
0x8c: {  	s15 =	sshll.u32 s0, $0xA;
	s2 =	sadd.s32 s3, s2  }
0x8d: {  	s2 =	sadd.s32 s2, s15  }
0x8e: {  	[smem:$0x3FBB] =	sst s2  }
0x8f: {  	_ = 	snop  }
0x90: {  	s2 =	sld [smem:$0x3FD0];
	_ =	sdelay $0x2  }
0x91: {  	s4 =	simm.s32 $0xB;
	s16 =	simm.s32 $0x10  }
0x92: {  	[smem:s16], [sflag:s4] =	dma.local [hbm:s2], $0x1  }
0x93: {  	_ =	swait.eq [sflag:s4], $0x1  }
0x94: {  	[sflag:s4] =	ssyncset.done $0x0  }
0x95: {  	s17 =	sld [smem:$0x10];
	[sflag:s4] =	ssyncadd.s32 $0xFFFFFFFF  }
0x96: {  	s18 =	sld [smem:$0x11];
	(tm) =	ssettm $0x1  }
0x97: {  	s19 =	sld [smem:$0x3FFB];
	_ =	sdelay $0x3  }
0x98: {  	_ =	strace s19  }
0x99: {  	s2 =	sld [smem:$0x3FFC];
	_ =	sdelay $0x3  }
0x9a: {  	_ =	strace s2  }
0x9b: {  	s2 =	sld [smem:$0x3FFD];
	_ =	sdelay $0x3  }
0x9c: {  	_ =	strace s2  }
0x9d: {  	_ =	strace $0x8FFFFFFF  }
0x9e: {  	s20 =	sld [smem:$0x3FDB];
	_ =	sdelay $0x1  }
0x9f: {  	s5 =	simm.s32 $_scs_section_size  }
0xa0: {  	s6 =	simm.s32 $_size__tile_overlayer_lowered;
	s7 =	simm.s32 $_tile_overlayer_lowered  }
0xa1: {  	s8 =	simm.s32 $0x1BFF;
	s21 =	sshll.u32 s7, $0x1;
	s5 =	sadd.s32 s5, s20  }
0xa2: {  	s22 =	simm.s32 $0x0;
	s6 =	sshll.u32 s6, $0x1;
	s7 =	sadd.s32 s21, s5  }
0xa3: {  	[timem:s22], [sflag:s8] =	dma.local [hbm:s7], s6  }
0xa4: {  	_ =	swait.ge [sflag:s8], s6  }
0xa5: {  	s6 =	ssub.s32 $0x0, s6;
	[sflag:s8] =	ssyncset.done $0x0  }
0xa6: {  	[sflag:s8] =	ssyncadd.s32 s6;
	_ =	sdelay $0x1  }
0xa7: {  	s23 =	simm.s32 $0x1B8B  }
0xa8: {  	_ =	swait.ge [sflag:s23], $0x1  }
0xa9: {  	[sflag:s23] =	ssyncset.done $0x0  }
0xaa: {  	[sflag:s23] =	ssyncadd.s32 $0xFFFFFFFF  }
0xab: {  	s6 =	sld [smem:$0x0]  }
0xac: {  	s7 =	sand.u32 $0xFFFFFFFE, s1  }
0xad: {  	p0 =	sne.s32 s1, s7  }
0xae: {  	s7 =	sshll.u32 @p0 s7, $0xE  }
0xaf: {  	s7 =	sadd.s32 @p0 $0x11B8D, s7;
	s8 =	sshll.u32 @p0 s6, $0x11  }
0xb0: {  	s7 =	sor.u32 @p0 s8, s7  }
0xb1: {  	[sflag:s7] =	ssyncadd.remote.s32 @p0 $0x1;
	_ =	sdelay $0x1  }
0xb2: {  	s7 =	simm.s32 @p0 $0x1B8D  }
0xb3: {  	_ =	swait.eq @p0 [sflag:s7], $0x1  }
0xb4: {  	[sflag:s7] =	ssyncadd.s32 @p0 $0xFFFFFFFF  }
0xb5: {  	s8 =	sshll.u32 @!p0 s1, $0xE  }
0xb6: {  	s8 =	sor.u32 @!p0 $0x4000, s8;
	s7 =	simm.s32 @!p0 $0x1B8D  }
0xb7: {  	s6 =	sshll.u32 @!p0 s6, $0x11;
	s8 =	sadd.s32 @!p0 $0x11B8D, s8;
	_ =	swait.eq @!p0 [sflag:s7], $0x1  }
0xb8: {  	s6 =	sor.u32 @!p0 s6, s8;
	[sflag:s7] =	ssyncadd.s32 @!p0 $0xFFFFFFFF  }
0xb9: {  	s25 =	simm.s32 $0x1B8E;
	s24 =	sld [smem:$0x3FFE];
	[sflag:s6] =	ssyncadd.remote.s32 @!p0 $0x1  }
0xba: {  	s26 =	simm.s32 $execute0_lowered;
	[smem:$0x3FD2] =	sst s25  }
0xbb: {  	s7 =	sshll.u32 s26, $0x1;
	_ =	strace $0x80000049;
	[dreg:$0x1] =	wrdreg $0xFFFFFFFF  }
0xbc: {  	s28 =	simm.s32 $_size_execute0_lowered;
	s5 =	sadd.s32 s5, s7;
	[dreg:$0x0] =	wrdreg $0x0  }
0xbd: {  	s7 =	sshll.u32 s28, $0x1;
	[dreg:$0x2] =	wrdreg s5  }
0xbe: {  	[dreg:$0x3] =	wrdreg s7  }
0xbf: {  	[dreg:$0x4] =	wrdreg $0xC0  }
0xc0: {  	_ =	task [dreg:s22], $0x5FFFF  }
0xc1: {  	[dreg:$0x1] =	wrdreg $0xFFFFFFFF  }
0xc2: {  	[dreg:$0x0] =	wrdreg $0x60  }
0xc3: {  	[dreg:$0x2] =	wrdreg s24  }
0xc4: {  	[dreg:$0x3] =	wrdreg s18  }
0xc5: {  	[dreg:$0x4] =	wrdreg s17  }
0xc6: {  	[dreg:$0x5] =	wrdreg $0xA  }
0xc7: {  	_ =	task.clear_ibuf [dreg:s22], $0x6FFFF;
	_ =	strace $0x90000049  }
0xc8: {  	s29 =	simm.s32 $0xA;
	_ =	strace $0x8000004B  }
0xc9: {  	_ =	swait.ge [sflag:s29], $0x1  }
0xca: {  	[sflag:s29] =	ssyncadd.s32 $0xFFFFFFFF  }
0xcb: {  	_ =	strace $0x9000004B  }
0xcc: {  	_ =	sfence  }
0xcd: {  	s30 =	sld [smem:$0x0];
	_ =	sdelay $0x2  }
0xce: {  	s31 =	sshll.u32 s1, $0xD;
	s1 =	sshrl.u32 s1, $0x2  }
0xcf: {  	s4 =	sand.u32 $0x4000, s31;
	s1 =	sadd.s32 s1, s30  }
0xd0: {  	s0 =	sor.u32 s4, s0;
	s1 =	sshll.u32 s1, $0x11  }
0xd1: {  	s0 =	sor.u32 s1, s0  }
0xd2: {  	s0 =	sadd.s32 $0x8F2B, s0  }
0xd3: {  	[sflag:s0] =	ssyncadd.remote.s32 $0x1  }
0xd4: {  	_ =	sfence.sel $0xFFFF  }
0xd5: {  	[dreg:$0x0] =	wrdreg $0xFFFFFFFF;
	(pc) =	sbr.abs _section_cstart, $3  }
0xd6: {  	[dreg:$0x1] =	wrdreg $0xFFFFFFFF  }
0xd7: {  	_ =	task.clear_ibuf [dreg:s22], $0x2FFFF;
	_ =	strace $0x9FFFFFFF  }
0xd8: {  	(tm) =	ssettm $0x7FFFFFFF  }
0xd9: {  	_ =	shalt  }
tec
execute0_lowered:
.L_overlay_start_1:
0x0: {  	(tag) =	ssettag $0x1  }
0x1: {  	s0 =	rddreg [dreg:$0x0]  }
0x2: {  	s1 =	rddreg [dreg:$0x1]  }
0x3: {  	s7 =	rddreg [dreg:$0x2];
	s2 =	simm.s32 $0x0  }
0x4: {  	s3 =	srdreg.scid;
	s11 =	stileid.u32;
	s18 =	simm.s32 $0x4000  }
0x5: {  	s19 =	simm.s32 $0x28;
	s20 =	simm.s32 $0x8000;
	s21 =	simm.s32 $0x9400  }
0x6: {  	s28 =	simm.s32 $0x2;
	s31 =	simm.s32 $0x0;
	[smem:$0x7FF] =	sst s2  }
0x7: {  	s12 =	sand.u32 $0x1, s3;
	s4 =	sshll.u32 s11, $0x1;
	s13 =	smul.u32 $0x138800, s11  }
0x8: {  	s3 =	sadd.s32 $0x22400, s0;
	s5 =	sadd.s32 $0x79C600, s0;
	s16 =	smul.u32 $0x27100, s11  }
0x9: {  	_ =	strace $0x8000004A;
	s6 =	ssub.s32 $0x2, s12;
	s15 =	smul.u32 $0x9C400, s12  }
0xa: {  	s8 =	sor.u32 s12, s4;
	s4 =	sadd.s32 $0x52B600, s0;
	s17 =	smul.u32 $0x13880, s12  }
0xb: {  	s9 =	sshrl.u32 s6, $0x1;
	s10 =	smul.u32 $0x9C400, s8;
	s23 =	sshll.u32 s8, $0xB  }
0xc: {  	s14 =	smul.u32 $0x13880, s8;
	s22 =	ssub.s32 s6, s9;
	s1 =	sadd.s32 s1, s23  }
0xd: {  	s7 =	sadd.s32 s7, s23;
	s26 =	sadd.s32 s15, s13;
	s30 =	sadd.s32 s17, s16  }
0xe: {  	s17 =	simm.s32 $0x3;
	s23 =	simm.s32 $0xA800;
	[dreg:$0x4] =	wrdreg s1  }
0xf: {  	s24 =	sshrl.u32 s10, $0x3;
	s12 =	smax.u32 s22, $0x1;
	s13 =	sadd.s32 s4, s14  }
0x10: {  	s29 =	sadd.s32 $0x1400, s26;
	s14 =	sadd.s32 s5, s14;
	s16 =	sadd.s32 $0x500, s30  }
0x11: {  	s26 =	simm.s32 $0x1;
	s25 =	sadd.s32 $0x13380, s24;
	s1 =	sadd.s32 $0x13600, s24  }
0x12: {  	s15 =	sshrl.u32 s29, $0x3;
	s8 =	sadd.s32 s4, s25;
	s9 =	sadd.s32 s5, s25  }
0x13: {  	s10 =	sadd.s32 s4, s1;
	s11 =	sadd.s32 s5, s1;
	s25 =	simm.s32 $0xBC00  }
.LBB2_1:
0x14: {  	s0 =	rddreg [dreg:$0x4]  }
0x15: {  	[tilespmem:s2], [sflag:$0x3] =	stream.linear.gather [hbm4b:s0+s2], $0x3E80, $0x38;
	[tilespmem:$0xD000] =	vst v63  }
0x16: {  	_ =	swait.ge [sflag:s17], $0x3E80  }
0x17: {  	[sflag:s17] =	ssyncset.done $0x0  }
0x18: {  	[sflag:s17] =	ssyncadd.s32 $0xFFFFC180  }
0x19: {  	[tilespmem:s18], [sflag:$0x3] =	stream.linear.gather [hbm4b:s7+s2], $0x3E80, $0x38;
	[tilespmem:$0xD000] =	vst v63  }
0x1a: {  	_ =	swait.ge [sflag:s17], $0x3E80  }
0x1b: {  	[sflag:s17] =	ssyncset.done $0x0  }
0x1c: {  	[sflag:s17] =	ssyncadd.s32 $0xFFFFC180  }
0x1d: {  	[tilespmem:s20], [sflag:$0x1] =	stream.indirect.gather [hbm4b:s3+s19], $0x80, s2, s19, $0xb8;
	[tilespmem:$0xD000] =	vst v63  }
0x1e: {  	_ = 	snop  }
0x1f: {  	[tilespmem:s21], [sflag:$0x1] =	stream.indirect.gather [hbm4b:s3+s19], $0x80, s18, s19, $0xb8;
	[tilespmem:$0xD000] =	vst v63  }
0x20: {  	s22 =	simm.s32 $0x80  }
0x21: {  	[tilespmem:s23], [sflag:$0x2] =	stream.indirect.gather [hbm4b:s3+s19], $0x80, s22, s19, $0xb8;
	[tilespmem:$0xD000] =	vst v63  }
0x22: {  	s24 =	simm.s32 $0x4080  }
0x23: {  	[tilespmem:s25], [sflag:$0x2] =	stream.indirect.gather [hbm4b:s3+s19], $0x80, s24, s19, $0xb8;
	[tilespmem:$0xD000] =	vst v63  }
0x24: {  	_ =	swait.ge [sflag:s26], $0x1400  }
0x25: {  	[sflag:s26] =	ssyncset.done $0x0  }
0x26: {  	[sflag:s26] =	ssyncadd.s32 $0xFFFFEC00  }
0x27: {  	_ =	swait.ge [sflag:s26], $0x1400  }
0x28: {  	[sflag:s26] =	ssyncset.done $0x0  }
0x29: {  	[sflag:s26] =	ssyncadd.s32 $0xFFFFEC00  }
0x2a: {  	[hbm4b:s13+s2] =	stream.linear.scatter [tilespmem:s20], [sflag:$0x3], $0x1400, $0x38;
	[tilespmem:$0xD000] =	vst v63  }
0x2b: {  	_ =	swait.ge [sflag:s17], $0x1400  }
0x2c: {  	[sflag:s17] =	ssyncset.done $0x0  }
0x2d: {  	[sflag:s17] =	ssyncadd.s32 $0xFFFFEC00  }
0x2e: {  	[hbm4b:s14+s2] =	stream.linear.scatter [tilespmem:s21], [sflag:$0x3], $0x1400, $0x38;
	[tilespmem:$0xD000] =	vst v63  }
0x2f: {  	_ =	swait.ge [sflag:s17], $0x1400  }
0x30: {  	[sflag:s17] =	ssyncset.done $0x0  }
0x31: {  	s29 =	simm.s32 $0x100;
	[sflag:s17] =	ssyncadd.s32 $0xFFFFEC00  }
0x32: {  	[tilespmem:s20], [sflag:$0x1] =	stream.indirect.gather [hbm4b:s3+s19], $0x80, s29, s19, $0xb8;
	[tilespmem:$0xD000] =	vst v63  }
0x33: {  	s30 =	simm.s32 $0x4100  }
0x34: {  	[tilespmem:s21], [sflag:$0x1] =	stream.indirect.gather [hbm4b:s3+s19], $0x80, s30, s19, $0xb8;
	[tilespmem:$0xD000] =	vst v63  }
0x35: {  	_ =	swait.ge [sflag:s28], $0x1400  }
0x36: {  	[sflag:s28] =	ssyncset.done $0x0  }
0x37: {  	[sflag:s28] =	ssyncadd.s32 $0xFFFFEC00  }
0x38: {  	_ =	swait.ge [sflag:s28], $0x1400  }
0x39: {  	[sflag:s28] =	ssyncset.done $0x0  }
0x3a: {  	s1 =	sadd.s32 s4, s15;
	[sflag:s28] =	ssyncadd.s32 $0xFFFFEC00  }
0x3b: {  	[hbm4b:s1+s2] =	stream.linear.scatter [tilespmem:s23], [sflag:$0x3], $0x1400, $0x38;
	[tilespmem:$0xD000] =	vst v63  }
0x3c: {  	_ =	swait.ge [sflag:s17], $0x1400  }
0x3d: {  	[sflag:s17] =	ssyncset.done $0x0  }
0x3e: {  	s6 =	sadd.s32 s5, s15;
	[sflag:s17] =	ssyncadd.s32 $0xFFFFEC00  }
0x3f: {  	[hbm4b:s6+s2] =	stream.linear.scatter [tilespmem:s25], [sflag:$0x3], $0x1400, $0x38;
	[tilespmem:$0xD000] =	vst v63  }
0x40: {  	_ =	swait.ge [sflag:s17], $0x1400  }
0x41: {  	[sflag:s17] =	ssyncset.done $0x0  }
0x42: {  	s22 =	simm.s32 $0x180;
	[sflag:s17] =	ssyncadd.s32 $0xFFFFEC00  }
0x43: {  	[tilespmem:s23], [sflag:$0x2] =	stream.indirect.gather [hbm4b:s3+s19], $0x80, s22, s19, $0xb8;
	[tilespmem:$0xD000] =	vst v63  }
0x44: {  	s24 =	simm.s32 $0x4180  }
0x45: {  	[tilespmem:s25], [sflag:$0x2] =	stream.indirect.gather [hbm4b:s3+s19], $0x80, s24, s19, $0xb8;
	[tilespmem:$0xD000] =	vst v63  }
0x46: {  	_ =	swait.ge [sflag:s26], $0x1400  }
0x47: {  	[sflag:s26] =	ssyncset.done $0x0  }
0x48: {  	[sflag:s26] =	ssyncadd.s32 $0xFFFFEC00  }
0x49: {  	_ =	swait.ge [sflag:s26], $0x1400  }
0x4a: {  	[sflag:s26] =	ssyncset.done $0x0  }
0x4b: {  	s29 =	sadd.s32 s4, s16;
	[sflag:s26] =	ssyncadd.s32 $0xFFFFEC00  }
0x4c: {  	[hbm4b:s29+s2] =	stream.linear.scatter [tilespmem:s20], [sflag:$0x3], $0x1400, $0x38;
	[tilespmem:$0xD000] =	vst v63  }
0x4d: {  	_ =	swait.ge [sflag:s17], $0x1400  }
0x4e: {  	[sflag:s17] =	ssyncset.done $0x0  }
0x4f: {  	s30 =	sadd.s32 s5, s16;
	[sflag:s17] =	ssyncadd.s32 $0xFFFFEC00  }
0x50: {  	[hbm4b:s30+s2] =	stream.linear.scatter [tilespmem:s21], [sflag:$0x3], $0x1400, $0x38;
	[tilespmem:$0xD000] =	vst v63  }
0x51: {  	s0 =	sadd.s32 $0x500, s5;
	s1 =	sadd.s32 $0x500, s4;
	_ =	swait.ge [sflag:s17], $0x1400  }
0x52: {  	s22 =	simm.s32 $0x100;
	s24 =	simm.s32 $0x800;
	[sflag:s17] =	ssyncset.done $0x0  }
.LBB2_2:
0x53: {  	s6 =	sadd.s32 $0x100, s22  }
0x54: {  	[sflag:s17] =	ssyncadd.s32 $0xFFFFEC00;
	s29 =	smov.u32 s24;
	s30 =	sadd.s32 $0x400, s24  }
0x55: {  	[tilespmem:s20], [sflag:$0x1] =	stream.indirect.gather [hbm4b:s3+s19], $0x80, s6, s19, $0xb8;
	[tilespmem:$0xD000] =	vst v63  }
0x56: {  	p0 =	sne.s32 s24, $0xF000;
	s6 =	sadd.s32 $0x4100, s22  }
0x57: {  	[tilespmem:s21], [sflag:$0x1] =	stream.indirect.gather [hbm4b:s3+s19], $0x80, s6, s19, $0xb8;
	[tilespmem:$0xD000] =	vst v63  }
0x58: {  	_ =	swait.ge [sflag:s28], $0x1400  }
0x59: {  	[sflag:s28] =	ssyncset.done $0x0  }
0x5a: {  	[sflag:s28] =	ssyncadd.s32 $0xFFFFEC00  }
0x5b: {  	_ =	swait.ge [sflag:s28], $0x1400  }
0x5c: {  	[sflag:s28] =	ssyncset.done $0x0  }
0x5d: {  	s6 =	sadd.s32 s1, s15;
	[sflag:s28] =	ssyncadd.s32 $0xFFFFEC00  }
0x5e: {  	[hbm4b:s6+s2] =	stream.linear.scatter [tilespmem:s23], [sflag:$0x3], $0x1400, $0x38;
	[tilespmem:$0xD000] =	vst v63  }
0x5f: {  	_ =	swait.ge [sflag:s17], $0x1400  }
0x60: {  	[sflag:s17] =	ssyncset.done $0x0  }
0x61: {  	s6 =	sadd.s32 s0, s15;
	[sflag:s17] =	ssyncadd.s32 $0xFFFFEC00  }
0x62: {  	[hbm4b:s6+s2] =	stream.linear.scatter [tilespmem:s25], [sflag:$0x3], $0x1400, $0x38;
	[tilespmem:$0xD000] =	vst v63  }
0x63: {  	_ =	swait.ge [sflag:s17], $0x1400  }
0x64: {  	[sflag:s17] =	ssyncset.done $0x0  }
0x65: {  	s6 =	sadd.s32 $0x180, s22;
	[sflag:s17] =	ssyncadd.s32 $0xFFFFEC00  }
0x66: {  	[tilespmem:s23], [sflag:$0x2] =	stream.indirect.gather [hbm4b:s3+s19], $0x80, s6, s19, $0xb8;
	[tilespmem:$0xD000] =	vst v63  }
0x67: {  	s6 =	sadd.s32 $0x4180, s22  }
0x68: {  	[tilespmem:s25], [sflag:$0x2] =	stream.indirect.gather [hbm4b:s3+s19], $0x80, s6, s19, $0xb8;
	[tilespmem:$0xD000] =	vst v63  }
0x69: {  	_ =	swait.ge [sflag:s26], $0x1400  }
0x6a: {  	[sflag:s26] =	ssyncset.done $0x0  }
0x6b: {  	[sflag:s26] =	ssyncadd.s32 $0xFFFFEC00  }
0x6c: {  	_ =	swait.ge [sflag:s26], $0x1400  }
0x6d: {  	[sflag:s26] =	ssyncset.done $0x0  }
0x6e: {  	s6 =	sadd.s32 s1, s16;
	[sflag:s26] =	ssyncadd.s32 $0xFFFFEC00  }
0x6f: {  	[hbm4b:s6+s2] =	stream.linear.scatter [tilespmem:s20], [sflag:$0x3], $0x1400, $0x38;
	[tilespmem:$0xD000] =	vst v63  }
0x70: {  	_ =	swait.ge [sflag:s17], $0x1400  }
.Ltmp0:
0x71: {  	[sflag:s17] =	ssyncset.done $0x0;
	(pc) =	sbr.rel @p0 .LBB2_2-.Ltmp0, $4  }
0x72: {  	s6 =	sadd.s32 s0, s16;
	[sflag:s17] =	ssyncadd.s32 $0xFFFFEC00  }
0x73: {  	[hbm4b:s6+s2] =	stream.linear.scatter [tilespmem:s21], [sflag:$0x3], $0x1400, $0x38;
	[tilespmem:$0xD000] =	vst v63  }
0x74: {  	s24 =	smov.u32 s30;
	s1 =	sadd.s32 $0x500, s1;
	_ =	swait.ge [sflag:s17], $0x1400  }
0x75: {  	s22 =	sshra.s32 s29, $0x2;
	s0 =	sadd.s32 $0x500, s0;
	[sflag:s17] =	ssyncset.done $0x0  }
0x76: {  	s6 =	sadd.s32 $0x100, s22;
	[sflag:s17] =	ssyncadd.s32 $0xFFFFEC00  }
0x77: {  	[tilespmem:s20], [sflag:$0x1] =	stream.indirect.gather [hbm4b:s3+s19], $0x80, s6, s19, $0xb8;
	[tilespmem:$0xD000] =	vst v63  }
0x78: {  	s29 =	sadd.s32 $0x4100, s22  }
0x79: {  	[tilespmem:s21], [sflag:$0x1] =	stream.indirect.gather [hbm4b:s3+s19], $0x80, s29, s19, $0xb8;
	[tilespmem:$0xD000] =	vst v63  }
0x7a: {  	_ =	swait.ge [sflag:s28], $0x1400  }
0x7b: {  	[sflag:s28] =	ssyncset.done $0x0  }
0x7c: {  	[sflag:s28] =	ssyncadd.s32 $0xFFFFEC00  }
0x7d: {  	_ =	swait.ge [sflag:s28], $0x1400  }
0x7e: {  	[sflag:s28] =	ssyncset.done $0x0  }
0x7f: {  	s30 =	sadd.s32 s1, s15;
	[sflag:s28] =	ssyncadd.s32 $0xFFFFEC00  }
0x80: {  	[hbm4b:s30+s2] =	stream.linear.scatter [tilespmem:s23], [sflag:$0x3], $0x1400, $0x38;
	[tilespmem:$0xD000] =	vst v63  }
0x81: {  	_ =	swait.ge [sflag:s17], $0x1400  }
0x82: {  	[sflag:s17] =	ssyncset.done $0x0  }
0x83: {  	s24 =	sadd.s32 s0, s15;
	[sflag:s17] =	ssyncadd.s32 $0xFFFFEC00  }
0x84: {  	[hbm4b:s24+s2] =	stream.linear.scatter [tilespmem:s25], [sflag:$0x3], $0x1400, $0x38;
	[tilespmem:$0xD000] =	vst v63  }
0x85: {  	_ =	swait.ge [sflag:s17], $0x1400  }
0x86: {  	[sflag:s17] =	ssyncset.done $0x0  }
0x87: {  	s29 =	sadd.s32 $0x180, s22;
	[sflag:s17] =	ssyncadd.s32 $0xFFFFEC00  }
0x88: {  	[tilespmem:s23], [sflag:$0x2] =	stream.indirect.gather [hbm4b:s3+s19], $0x80, s29, s19, $0xb8;
	[tilespmem:$0xD000] =	vst v63  }
0x89: {  	s30 =	sadd.s32 $0x4180, s22  }
0x8a: {  	[tilespmem:s25], [sflag:$0x2] =	stream.indirect.gather [hbm4b:s3+s19], $0x80, s30, s19, $0xb8;
	[tilespmem:$0xD000] =	vst v63  }
0x8b: {  	_ =	swait.ge [sflag:s26], $0x1400  }
0x8c: {  	[sflag:s26] =	ssyncset.done $0x0  }
0x8d: {  	[sflag:s26] =	ssyncadd.s32 $0xFFFFEC00  }
0x8e: {  	_ =	swait.ge [sflag:s26], $0x1400  }
0x8f: {  	[sflag:s26] =	ssyncset.done $0x0  }
0x90: {  	s22 =	sadd.s32 s1, s16;
	[sflag:s26] =	ssyncadd.s32 $0xFFFFEC00  }
0x91: {  	[hbm4b:s22+s2] =	stream.linear.scatter [tilespmem:s20], [sflag:$0x3], $0x1400, $0x38;
	[tilespmem:$0xD000] =	vst v63  }
0x92: {  	_ =	swait.ge [sflag:s17], $0x1400  }
0x93: {  	[sflag:s17] =	ssyncset.done $0x0  }
0x94: {  	s24 =	sadd.s32 s0, s16;
	[sflag:s17] =	ssyncadd.s32 $0xFFFFEC00  }
0x95: {  	[hbm4b:s24+s2] =	stream.linear.scatter [tilespmem:s21], [sflag:$0x3], $0x1400, $0x38;
	[tilespmem:$0xD000] =	vst v63  }
0x96: {  	_ =	swait.ge [sflag:s17], $0x1400  }
0x97: {  	[sflag:s17] =	ssyncset.done $0x0  }
0x98: {  	s29 =	simm.s32 $0x3E00;
	[sflag:s17] =	ssyncadd.s32 $0xFFFFEC00  }
0x99: {  	[tilespmem:s20], [sflag:$0x1] =	stream.indirect.gather [hbm4b:s3+s19], $0x80, s29, s19, $0xb8;
	[tilespmem:$0xD000] =	vst v63  }
0x9a: {  	s30 =	simm.s32 $0x7E00  }
0x9b: {  	[tilespmem:s21], [sflag:$0x1] =	stream.indirect.gather [hbm4b:s3+s19], $0x80, s30, s19, $0xb8;
	[tilespmem:$0xD000] =	vst v63  }
0x9c: {  	_ =	swait.ge [sflag:s28], $0x1400  }
0x9d: {  	[sflag:s28] =	ssyncset.done $0x0  }
0x9e: {  	[sflag:s28] =	ssyncadd.s32 $0xFFFFEC00  }
0x9f: {  	_ =	swait.ge [sflag:s28], $0x1400  }
0xa0: {  	[sflag:s28] =	ssyncset.done $0x0  }
0xa1: {  	[sflag:s28] =	ssyncadd.s32 $0xFFFFEC00  }
0xa2: {  	[hbm4b:s8+s2] =	stream.linear.scatter [tilespmem:s23], [sflag:$0x3], $0x1400, $0x38;
	[tilespmem:$0xD000] =	vst v63  }
0xa3: {  	_ =	swait.ge [sflag:s17], $0x1400  }
0xa4: {  	[sflag:s17] =	ssyncset.done $0x0  }
0xa5: {  	[sflag:s17] =	ssyncadd.s32 $0xFFFFEC00  }
0xa6: {  	[hbm4b:s9+s2] =	stream.linear.scatter [tilespmem:s25], [sflag:$0x3], $0x1400, $0x38;
	[tilespmem:$0xD000] =	vst v63  }
0xa7: {  	_ =	swait.ge [sflag:s17], $0x1400  }
0xa8: {  	[sflag:s17] =	ssyncset.done $0x0  }
0xa9: {  	[sflag:s17] =	ssyncadd.s32 $0xFFFFEC00  }
0xaa: {  	_ =	swait.ge [sflag:s26], $0x1400  }
0xab: {  	[sflag:s26] =	ssyncset.done $0x0  }
0xac: {  	[sflag:s26] =	ssyncadd.s32 $0xFFFFEC00  }
0xad: {  	_ =	swait.ge [sflag:s26], $0x1400  }
0xae: {  	[sflag:s26] =	ssyncset.done $0x0  }
0xaf: {  	[sflag:s26] =	ssyncadd.s32 $0xFFFFEC00  }
0xb0: {  	[hbm4b:s10+s2] =	stream.linear.scatter [tilespmem:s20], [sflag:$0x3], $0x1400, $0x38;
	[tilespmem:$0xD000] =	vst v63  }
0xb1: {  	s31 =	sadd.s32 $0x1, s31;
	_ =	swait.ge [sflag:s17], $0x1400  }
0xb2: {  	p0 =	sne.s32 s31, s12;
	[sflag:s17] =	ssyncset.done $0x0  }
.Ltmp1:
0xb3: {  	[sflag:s17] =	ssyncadd.s32 $0xFFFFEC00;
	(pc) =	sbr.rel @p0 .LBB2_1-.Ltmp1, $4  }
0xb4: {  	[hbm4b:s11+s2] =	stream.linear.scatter [tilespmem:s21], [sflag:$0x3], $0x1400, $0x38;
	[tilespmem:$0xD000] =	vst v63  }
0xb5: {  	_ =	swait.ge [sflag:s17], $0x1400  }
0xb6: {  	[sflag:s17] =	ssyncset.done $0x0  }
0xb7: {  	[sflag:s17] =	ssyncadd.s32 $0xFFFFEC00  }
0xb8: {  	_ =	sfence.sel $0x180000  }
0xb9: {  	[bflag:$0x0] =	sbarrier.arrive $0xFFFF  }
0xba: {  	_ =	strace $0x9000004A  }
0xbb: {  	s0 =	stileid.u32;
	[bflag:$0x2] =	sbarrier.arrive $0xFFFF  }
0xbc: {  	p0 =	sne.s32 s0, $0x0;
	s0 =	rddreg [dreg:$0x3]  }
0xbd: {  	s0 =	sadd.s32 @!p0 $0x100000, s0  }
0xbe: {  	[sflag:s0] =	ssyncadd.tile.s32 @!p0 $0x1;
	_ =	shalt  }
.Lfunc_end2:
_tile_overlayer_lowered:
.L_overlay_start_2:
0xbf: {  	(tag) =	ssettag $0x2  }
0xc0: {  	s0 =	rddreg [dreg:$0x0];
	s2 =	stileid.u32  }
0xc1: {  	s1 =	rddreg [dreg:$0x1];
	p0 =	sne.s32 s2, $0x0  }
0xc2: {  	s3 =	rddreg [dreg:$0x2];
	[bflag:$0x3] =	sbarrier.arrive $0xFFFF;
	s2 =	simm.s32 @!p0 $0x1C03  }
0xc3: {  	[timem:s3], [sflag:s2] =	dma.local @!p0 [hbm:s0], s1  }
0xc4: {  	s0 =	simm.s32 @!p0 $0x3  }
0xc5: {  	_ =	swait.ge @!p0 [sflag:s0], s1  }
0xc6: {  	s1 =	ssub.s32 @!p0 $0x0, s1;
	[sflag:s0] =	ssyncset.done @!p0 $0x0  }
0xc7: {  	[sflag:s0] =	ssyncadd.s32 @!p0 s1  }
0xc8: {  	[bflag:$0x3] =	sbarrier.arrive $0xFFFF  }
0xc9: {  	_ =	shalt  }

// kernel: kernel.19.cloned.1.call-start
scs
__scs_entry_jumppad:
0x0: {  	(pc) =	sbr.rel $0x88, $3  }
0x1: {  	(tag) =	ssettag $0x0;
	lr =	simm.s32 $0x1  }
0x2: {  	[smem:$0x3F94] =	sst lr;
	_ =	strace $0xD0000000  }
0x3: {  	_ = 	snop  }
0x4: {  	_ = 	snop  }
0x5: {  	_ = 	snop  }
0x6: {  	_ = 	snop  }
0x7: {  	_ = 	snop  }
__scs_overlays_trampoline_lowered:
0x8: {  	[smem:$0x3FA3] =	sst s0  }
0x9: {  	[smem:$0x3FA4] =	sst s1  }
0xa: {  	[smem:$0x3FA5] =	sst s2  }
0xb: {  	[smem:$0x3FA6] =	sst s3  }
0xc: {  	[smem:$0x3FA7] =	sst s4  }
0xd: {  	[smem:$0x3FA8] =	sst s5  }
0xe: {  	[smem:$0x3FA9] =	sst s6  }
0xf: {  	[smem:$0x3FAA] =	sst s7  }
0x10: {  	[smem:$0x3FAB] =	sst s8  }
0x11: {  	[smem:$0x3FAC] =	sst s9;
	s0 =	simm.s32 @!p0 $0x0  }
0x12: {  	s1 =	sld [smem:$0x3F92];
	s0 =	simm.s32 @p0 $0x1  }
0x13: {  	[smem:$0x3FAD] =	sst s0;
	s0 =	simm.s32 @!p1 $0x0  }
0x14: {  	s2 =	sld [smem:$0x3F91];
	s0 =	simm.s32 @p1 $0x1  }
0x15: {  	[smem:$0x3FAE] =	sst s0;
	s0 =	simm.s32 @!p2 $0x0  }
0x16: {  	s3 =	sld [smem:$0x3FDB];
	s0 =	simm.s32 @p2 $0x1  }
0x17: {  	s4 =	simm.s32 $0x1BF5;
	[smem:$0x3FB0] =	sst s0  }
0x18: {  	s0 =	sld [smem:$0x3F93];
	_ =	swait.ge [sflag:s4], $0x0  }
0x19: {  	s7 =	sld [smem:$0x3F94]  }
0x1a: {  	s8 =	sadd.s32 $0xFFFFE003, lr  }
0x1b: {  	s9 =	sadd.s32 $0xFFFFFEF7, lr;
	s5 =	simm.s32 $0xFFFFFFFF;
	p2 =	slt.u32 s8, $0xFFFFF086  }
0x1c: {  	p1 =	slt.u32 s9, $0xF7A;
	s5 =	simm.s32 @!p2 $0x0  }
0x1d: {  	s5 =	simm.s32 @p1 $0x1;
	p0 =	seq.s32 s7, s2  }
0x1e: {  	s7 =	smul.u32 @!p0 $0xF7A, s2;
	p2 =	seq.s32 @!p0 s5, $0x0  }
0x1f: {  	s9 =	smul.u32 $0xF7A, s1;
	s8 =	simm.s32 @!p0 $0x1BF5;
	p2 =	por !p2, p0  }
0x20: {  	[sflag:s8] =	ssyncset.s32 @!p0 $0xFFFFF086;
	s6 =	sadd.s32 @!p0 s3, s7;
	s7 =	simm.s32 @!p0 $0x108  }
0x21: {  	s3 =	sadd.s32 s3, s9;
	s6 =	sadd.s32 @!p0 $0x88, s6;
	s7 =	simm.s32 @p2 $0x1082  }
0x22: {  	[simem:s7], [sflag:s8] =	dma.local @!p0 [hbm:s6], $0xF7A  }
0x23: {  	s9 =	sor.u32 $0xD0000000, s2;
	s6 =	simm.s32 $0x108;
	_ =	swait.ge @!p0 [sflag:s8], $0x0  }
0x24: {  	s3 =	sadd.s32 $0x88, s3;
	s6 =	simm.s32 @!p1 $0x1082;
	[sflag:s4] =	ssyncset.s32 $0xFFFFF086  }
0x25: {  	[simem:s6], [sflag:s4] =	dma.local [hbm:s3], $0xF7A  }
0x26: {  	[smem:$0x3F94] =	sst s1;
	(tag) =	ssettag s2;
	_ =	strace s9  }
0x27: {  	s1 =	sld [smem:$0x3FA4]  }
0x28: {  	s2 =	sld [smem:$0x3FA5]  }
0x29: {  	s4 =	sld [smem:$0x3FA7]  }
0x2a: {  	p0 =	seq.s32 s5, $0x0;
	s5 =	sld [smem:$0x3FA8]  }
0x2b: {  	s6 =	sld [smem:$0x3FA9]  }
0x2c: {  	s7 =	sld [smem:$0x3FAA]  }
0x2d: {  	s3 =	simm.s32 $0x108;
	s8 =	sld [smem:$0x3FAB]  }
0x2e: {  	s3 =	simm.s32 @!p0 $0x1082;
	s9 =	sld [smem:$0x3FAC]  }
0x2f: {  	lr =	sadd.s32 s0, s3;
	s0 =	sld [smem:$0x3FA3]  }
0x30: {  	s3 =	sld [smem:$0x3FA6]  }
0x31: {  	[smem:$0x3FAF] =	sst s10  }
0x32: {  	s10 =	sld [smem:$0x3FAD];
	_ =	sdelay $0x3  }
0x33: {  	p0 =	seq.s32 s10, $0x1;
	s10 =	sld [smem:$0x3FAF];
	_ =	sdelay $0x3  }
0x34: {  	[smem:$0x3FAF] =	sst s10  }
0x35: {  	s10 =	sld [smem:$0x3FAE];
	_ =	sdelay $0x3  }
0x36: {  	p1 =	seq.s32 s10, $0x1;
	s10 =	sld [smem:$0x3FAF];
	_ =	sdelay $0x3  }
0x37: {  	[smem:$0x3FAF] =	sst s10  }
0x38: {  	s10 =	sld [smem:$0x3FB0]  }
0x39: {  	_ = 	snop;
	(pc) =	sbr.ind lr, $3  }
0x3a: {  	_ = 	snop  }
0x3b: {  	_ = 	snop  }
0x3c: {  	p2 =	seq.s32 s10, $0x1;
	s10 =	sld [smem:$0x3FAF]  }
0x3d: {  	_ =	shalt  }
0x3e: {  	_ =	shalt  }
0x3f: {  	_ =	shalt  }
0x40: {  	_ =	shalt  }
0x41: {  	_ =	shalt  }
0x42: {  	_ =	shalt  }
0x43: {  	_ =	shalt  }
0x44: {  	_ =	shalt  }
0x45: {  	_ =	shalt  }
0x46: {  	_ =	shalt  }
0x47: {  	_ =	shalt  }
0x48: {  	_ =	shalt  }
0x49: {  	_ =	shalt  }
0x4a: {  	_ =	shalt  }
0x4b: {  	_ =	shalt  }
0x4c: {  	_ =	shalt  }
0x4d: {  	_ =	shalt  }
0x4e: {  	_ =	shalt  }
0x4f: {  	_ =	shalt  }
0x50: {  	_ =	shalt  }
0x51: {  	_ =	shalt  }
0x52: {  	_ =	shalt  }
0x53: {  	_ =	shalt  }
0x54: {  	_ =	shalt  }
0x55: {  	_ =	shalt  }
0x56: {  	_ =	shalt  }
0x57: {  	_ =	shalt  }
0x58: {  	_ =	shalt  }
0x59: {  	_ =	shalt  }
0x5a: {  	_ =	shalt  }
0x5b: {  	_ =	shalt  }
0x5c: {  	_ =	shalt  }
0x5d: {  	_ =	shalt  }
0x5e: {  	_ =	shalt  }
0x5f: {  	_ =	shalt  }
0x60: {  	_ =	shalt  }
0x61: {  	_ =	shalt  }
0x62: {  	_ =	shalt  }
0x63: {  	_ =	shalt  }
0x64: {  	_ =	shalt  }
0x65: {  	_ =	shalt  }
0x66: {  	_ =	shalt  }
0x67: {  	_ =	shalt  }
0x68: {  	_ =	shalt  }
0x69: {  	_ =	shalt  }
0x6a: {  	_ =	shalt  }
0x6b: {  	_ =	shalt  }
0x6c: {  	_ =	shalt  }
0x6d: {  	_ =	shalt  }
0x6e: {  	_ =	shalt  }
0x6f: {  	_ =	shalt  }
0x70: {  	_ =	shalt  }
0x71: {  	_ =	shalt  }
0x72: {  	_ =	shalt  }
0x73: {  	_ =	shalt  }
0x74: {  	_ =	shalt  }
0x75: {  	_ =	shalt  }
0x76: {  	_ =	shalt  }
0x77: {  	_ =	shalt  }
0x78: {  	_ =	shalt  }
0x79: {  	_ =	shalt  }
0x7a: {  	_ =	shalt  }
0x7b: {  	_ =	shalt  }
0x7c: {  	_ =	shalt  }
0x7d: {  	_ =	shalt  }
0x7e: {  	_ =	shalt  }
0x7f: {  	_ =	shalt  }
0x80: {  	_ =	shalt  }
0x81: {  	_ =	shalt  }
0x82: {  	_ =	shalt  }
0x83: {  	_ =	shalt  }
0x84: {  	_ =	shalt  }
0x85: {  	_ =	shalt  }
0x86: {  	_ =	shalt  }
0x87: {  	_ =	shalt  }
.Lfunc_end0:
.L_simem_size_0:
called_computation.3_lowered:
.L_overlay_start_0:
0x88: {  	s2 =	sld [smem:$0x3FD9]  }
0x89: {  	s3 =	sld [smem:$0x3FFE];
	_ =	sdelay $0x1  }
0x8a: {  	s1 =	srdreg.scid  }
0x8b: {  	s0 =	sand.u32 $0x1, s1  }
0x8c: {  	s15 =	sshll.u32 s0, $0xA;
	s2 =	sadd.s32 s3, s2  }
0x8d: {  	s2 =	sadd.s32 s2, s15  }
0x8e: {  	[smem:$0x3FBB] =	sst s2  }
0x8f: {  	_ = 	snop  }
0x90: {  	s2 =	sld [smem:$0x3FD0];
	_ =	sdelay $0x2  }
0x91: {  	s16 =	simm.s32 $0xB;
	s4 =	simm.s32 $0x10  }
0x92: {  	[smem:s4], [sflag:s16] =	dma.local [hbm:s2], $0x1  }
0x93: {  	_ =	swait.eq [sflag:s16], $0x1  }
0x94: {  	[sflag:s16] =	ssyncset.done $0x0  }
0x95: {  	[sflag:s16] =	ssyncadd.s32 $0xFFFFFFFF  }
0x96: {  	s17 =	sld [smem:$0x11];
	(tm) =	ssettm $0x1  }
0x97: {  	s18 =	sld [smem:$0x3FFB];
	_ =	sdelay $0x3  }
0x98: {  	_ =	strace s18  }
0x99: {  	s2 =	sld [smem:$0x3FFC];
	_ =	sdelay $0x3  }
0x9a: {  	_ =	strace s2  }
0x9b: {  	s2 =	sld [smem:$0x3FFD];
	_ =	sdelay $0x3  }
0x9c: {  	_ =	strace s2  }
0x9d: {  	_ =	strace $0x8FFFFFFF  }
0x9e: {  	s19 =	sld [smem:$0x3FDB];
	_ =	sdelay $0x1  }
0x9f: {  	s20 =	simm.s32 $_scs_section_size  }
0xa0: {  	s5 =	simm.s32 $_size__tile_overlayer_lowered;
	s6 =	simm.s32 $_tile_overlayer_lowered  }
0xa1: {  	s7 =	simm.s32 $0x1BFF;
	s21 =	sshll.u32 s6, $0x1;
	s4 =	sadd.s32 s20, s19  }
0xa2: {  	s22 =	simm.s32 $0x0;
	s5 =	sshll.u32 s5, $0x1;
	s6 =	sadd.s32 s21, s4  }
0xa3: {  	[timem:s22], [sflag:s7] =	dma.local [hbm:s6], s5  }
0xa4: {  	_ =	swait.ge [sflag:s7], s5  }
0xa5: {  	s5 =	ssub.s32 $0x0, s5;
	[sflag:s7] =	ssyncset.done $0x0  }
0xa6: {  	[sflag:s7] =	ssyncadd.s32 s5;
	_ =	sdelay $0x1  }
0xa7: {  	s23 =	simm.s32 $0x1B8B  }
0xa8: {  	_ =	swait.ge [sflag:s23], $0x1  }
0xa9: {  	[sflag:s23] =	ssyncset.done $0x0  }
0xaa: {  	[sflag:s23] =	ssyncadd.s32 $0xFFFFFFFF  }
0xab: {  	s5 =	sld [smem:$0x0]  }
0xac: {  	s6 =	sand.u32 $0xFFFFFFFE, s1  }
0xad: {  	p0 =	sne.s32 s1, s6  }
0xae: {  	s6 =	sshll.u32 @p0 s6, $0xE  }
0xaf: {  	s6 =	sadd.s32 @p0 $0x11B8D, s6;
	s7 =	sshll.u32 @p0 s5, $0x11  }
0xb0: {  	s6 =	sor.u32 @p0 s7, s6  }
0xb1: {  	[sflag:s6] =	ssyncadd.remote.s32 @p0 $0x1;
	_ =	sdelay $0x1  }
0xb2: {  	s6 =	simm.s32 @p0 $0x1B8D  }
0xb3: {  	_ =	swait.eq @p0 [sflag:s6], $0x1  }
0xb4: {  	[sflag:s6] =	ssyncadd.s32 @p0 $0xFFFFFFFF  }
0xb5: {  	s7 =	sshll.u32 @!p0 s1, $0xE  }
0xb6: {  	s7 =	sor.u32 @!p0 $0x4000, s7;
	s6 =	simm.s32 @!p0 $0x1B8D  }
0xb7: {  	s5 =	sshll.u32 @!p0 s5, $0x11;
	s7 =	sadd.s32 @!p0 $0x11B8D, s7;
	_ =	swait.eq @!p0 [sflag:s6], $0x1  }
0xb8: {  	s5 =	sor.u32 @!p0 s5, s7;
	[sflag:s6] =	ssyncadd.s32 @!p0 $0xFFFFFFFF  }
0xb9: {  	s25 =	simm.s32 $0x1B8E;
	s24 =	sld [smem:$0x3FFE];
	[sflag:s5] =	ssyncadd.remote.s32 @!p0 $0x1  }
0xba: {  	s26 =	simm.s32 $execute0_lowered;
	[smem:$0x3FD2] =	sst s25  }
0xbb: {  	s6 =	sshll.u32 s26, $0x1;
	_ =	strace $0x8000004F;
	[dreg:$0x1] =	wrdreg $0xFFFFFFFF  }
0xbc: {  	s28 =	simm.s32 $_size_execute0_lowered;
	s4 =	sadd.s32 s4, s6;
	[dreg:$0x0] =	wrdreg $0x0  }
0xbd: {  	s6 =	sshll.u32 s28, $0x1;
	[dreg:$0x2] =	wrdreg s4  }
0xbe: {  	[dreg:$0x3] =	wrdreg s6  }
0xbf: {  	[dreg:$0x4] =	wrdreg $0xC0  }
0xc0: {  	_ =	task [dreg:s22], $0x5FFFF  }
0xc1: {  	[dreg:$0x1] =	wrdreg $0xFFFFFFFF  }
0xc2: {  	[dreg:$0x0] =	wrdreg $0x60  }
0xc3: {  	[dreg:$0x2] =	wrdreg s24  }
0xc4: {  	[dreg:$0x3] =	wrdreg s17  }
0xc5: {  	[dreg:$0x4] =	wrdreg $0x0  }
0xc6: {  	[dreg:$0x5] =	wrdreg $0xA0000  }
0xc7: {  	[dreg:$0x6] =	wrdreg $0xA  }
0xc8: {  	_ =	task.clear_ibuf [dreg:s22], $0x7FFFF;
	_ =	strace $0x9000004F  }
0xc9: {  	s29 =	simm.s32 $0xA;
	_ =	strace $0x80000051  }
0xca: {  	_ =	swait.ge [sflag:s29], $0x1  }
0xcb: {  	[sflag:s29] =	ssyncadd.s32 $0xFFFFFFFF  }
0xcc: {  	_ =	strace $0x90000051  }
0xcd: {  	_ =	sfence  }
0xce: {  	s30 =	sld [smem:$0x0];
	_ =	sdelay $0x2  }
0xcf: {  	s31 =	sshll.u32 s1, $0xD;
	s1 =	sshrl.u32 s1, $0x2  }
0xd0: {  	s4 =	sand.u32 $0x4000, s31;
	s1 =	sadd.s32 s1, s30  }
0xd1: {  	s0 =	sor.u32 s4, s0;
	s1 =	sshll.u32 s1, $0x11  }
0xd2: {  	s0 =	sor.u32 s1, s0  }
0xd3: {  	s0 =	sadd.s32 $0x8F2B, s0  }
0xd4: {  	[sflag:s0] =	ssyncadd.remote.s32 $0x1  }
0xd5: {  	_ =	sfence.sel $0xFFFF  }
0xd6: {  	[dreg:$0x0] =	wrdreg $0xFFFFFFFF;
	(pc) =	sbr.abs _section_cstart, $3  }
0xd7: {  	[dreg:$0x1] =	wrdreg $0xFFFFFFFF  }
0xd8: {  	_ =	task.clear_ibuf [dreg:s22], $0x2FFFF;
	_ =	strace $0x9FFFFFFF  }
0xd9: {  	(tm) =	ssettm $0x7FFFFFFF  }
tec
execute0_lowered:
.L_overlay_start_1:
0x0: {  	(tag) =	ssettag $0x1  }
0x1: {  	s0 =	rddreg [dreg:$0x0]  }
0x2: {  	s3 =	rddreg [dreg:$0x1]  }
0x3: {  	s1 =	rddreg [dreg:$0x2];
	s4 =	srdreg.scid  }
0x4: {  	s2 =	rddreg [dreg:$0x3];
	s13 =	stileid.u32;
	s5 =	sand.u32 $0x1, s4  }
0x5: {  	s4 =	simm.s32 $0x0;
	s7 =	smul.u32 $0xA000, s13;
	s8 =	sshll.u32 s13, $0x1  }
0x6: {  	s9 =	sadd.s32 $0x99600, s0;
	s11 =	sadd.s32 $0x12800, s0;
	s24 =	sadd.s32 $0x12400, s0  }
0x7: {  	s6 =	smul.u32 $0xA0000, s5;
	[smem:$0x7FF] =	sst s4;
	s8 =	sor.u32 s5, s8  }
0x8: {  	s25 =	ssub.s32 $0x2, s5;
	_ =	strace $0x80000050;
	[dreg:$0x5] =	wrdreg s11  }
0x9: {  	s10 =	smul.u32 $0x9C400, s8;
	[dreg:$0x6] =	wrdreg s24;
	s26 =	sshrl.u32 s25, $0x1  }
0xa: {  	s12 =	sshll.u32 s8, $0xB;
	s16 =	sadd.s32 s7, s1;
	s17 =	sor.u32 $0x1400, s7  }
0xb: {  	s18 =	sadd.s32 s7, s2;
	s20 =	sadd.s32 $0x2800, s7;
	s22 =	sadd.s32 $0x3C00, s7  }
0xc: {  	s24 =	smul.u32 $0x13880, s8;
	s8 =	simm.s32 $0x1A800;
	[dreg:$0xa] =	wrdreg s16  }
0xd: {  	s6 =	sadd.s32 s7, s6;
	s3 =	sadd.s32 s3, s12;
	[dreg:$0xb] =	wrdreg s18  }
0xe: {  	s19 =	sadd.s32 s17, s1;
	s21 =	sadd.s32 s20, s1;
	s23 =	sadd.s32 s22, s1  }
0xf: {  	s12 =	smul.u32 $0x13880, s5;
	s18 =	sadd.s32 $0x7800, s7;
	[dreg:$0x7] =	wrdreg s3  }
0x10: {  	s5 =	simm.s32 $0x14000;
	s6 =	sshrl.u32 s6, $0x3;
	[dreg:$0xc] =	wrdreg s19  }
0x11: {  	s10 =	sshrl.u32 s10, $0x3;
	s3 =	sadd.s32 s17, s2;
	[dreg:$0xe] =	wrdreg s21  }
0x12: {  	[dreg:$0x10] =	wrdreg s23;
	s19 =	sadd.s32 $0x8C00, s7;
	s0 =	sadd.s32 s6, s0  }
0x13: {  	s10 =	sadd.s32 s9, s10;
	s6 =	ssub.s32 s25, s26;
	[dreg:$0xd] =	wrdreg s3  }
0x14: {  	s3 =	sadd.s32 s22, s2;
	s25 =	sadd.s32 $0x5000, s7;
	s26 =	smul.u32 $0x27100, s13  }
0x15: {  	s22 =	smul.u32 $0x28000, s13;
	s28 =	sadd.s32 s19, s2;
	s13 =	simm.s32 $0x17D80  }
0x16: {  	s14 =	sadd.s32 $0x13600, s10;
	s15 =	smax.u32 s6, $0x1;
	[dreg:$0x11] =	wrdreg s3  }
0x17: {  	s6 =	sadd.s32 s20, s2;
	s11 =	sadd.s32 s25, s1;
	[dreg:$0x8] =	wrdreg s14  }
0x18: {  	s3 =	sadd.s32 s25, s2;
	s20 =	sadd.s32 s9, s24;
	[dreg:$0x9] =	wrdreg s15  }
0x19: {  	s24 =	sadd.s32 s18, s1;
	s25 =	sadd.s32 s18, s2;
	[dreg:$0xf] =	wrdreg s6  }
0x1a: {  	s29 =	sadd.s32 $0x30A600, s0;
	s30 =	sadd.s32 $0x12C00, s0;
	[dreg:$0x12] =	wrdreg s11  }
0x1b: {  	s10 =	simm.s32 $0x1;
	[dreg:$0x13] =	wrdreg s3;
	s14 =	sadd.s32 s26, s9  }
0x1c: {  	s15 =	sadd.s32 $0x6400, s7;
	s26 =	sadd.s32 s19, s1;
	s23 =	sshrl.u32 s22, $0x2  }
0x1d: {  	s3 =	sadd.s32 $0x280, s20;
	s6 =	simm.s32 $0x3;
	s7 =	simm.s32 $0x18000  }
0x1e: {  	s9 =	simm.s32 $0x19400;
	s11 =	simm.s32 $0x28;
	s21 =	sadd.s32 s12, s14  }
0x1f: {  	s16 =	sadd.s32 s15, s1;
	s17 =	sadd.s32 s15, s2;
	s31 =	sadd.s32 s23, s1  }
0x20: {  	s18 =	sadd.s32 s23, s2;
	s12 =	simm.s32 $0x2;
	[dreg:$0x14] =	wrdreg s16  }
0x21: {  	s14 =	simm.s32 $0x17E00;
	s15 =	simm.s32 $0x0;
	[dreg:$0x15] =	wrdreg s17  }
.LBB2_1:
0x22: {  	s0 =	rddreg [dreg:$0x7]  }
0x23: {  	[tilespmem:s5], [sflag:$0x3] =	stream.linear.gather [hbm4b:s0+s4], $0x3E80, $0x38;
	[tilespmem:$0x1BC00] =	vst v63  }
0x24: {  	_ =	swait.ge [sflag:s6], $0x3E80  }
0x25: {  	[sflag:s6] =	ssyncset.done $0x0  }
0x26: {  	s22 =	rddreg [dreg:$0x5];
	[sflag:s6] =	ssyncadd.s32 $0xFFFFC180  }
0x27: {  	[tilespmem:s7], [sflag:$0x3] =	stream.linear.gather [hbm4b:s22+s4], $0x1400, $0x38;
	[tilespmem:$0x1BC00] =	vst v63  }
0x28: {  	_ =	swait.ge [sflag:s6], $0x1400  }
0x29: {  	[sflag:s6] =	ssyncset.done $0x0  }
0x2a: {  	s23 =	rddreg [dreg:$0xa];
	[sflag:s6] =	ssyncadd.s32 $0xFFFFEC00  }
0x2b: {  	[spmem:s23] =	stream.linear.scatter [tilespmem:s7], [sflag:$0x3], $0x1400, $0x38;
	[tilespmem:$0x1BC00] =	vst v63  }
0x2c: {  	_ =	swait.ge [sflag:s6], $0x1400  }
0x2d: {  	[sflag:s6] =	ssyncset.done $0x0  }
0x2e: {  	s16 =	rddreg [dreg:$0xb];
	[sflag:s6] =	ssyncadd.s32 $0xFFFFEC00  }
0x2f: {  	[spmem:s16] =	stream.linear.scatter [tilespmem:s7], [sflag:$0x3], $0x1400, $0x38;
	[tilespmem:$0x1BC00] =	vst v63  }
0x30: {  	_ =	swait.ge [sflag:s6], $0x1400  }
0x31: {  	[sflag:s6] =	ssyncset.done $0x0  }
0x32: {  	s17 =	rddreg [dreg:$0xc];
	[sflag:s6] =	ssyncadd.s32 $0xFFFFEC00  }
0x33: {  	[spmem:s17] =	stream.linear.scatter [tilespmem:s7], [sflag:$0x3], $0x1400, $0x38;
	[tilespmem:$0x1BC00] =	vst v63  }
0x34: {  	_ =	swait.ge [sflag:s6], $0x1400  }
0x35: {  	[sflag:s6] =	ssyncset.done $0x0  }
0x36: {  	s19 =	rddreg [dreg:$0xd];
	[sflag:s6] =	ssyncadd.s32 $0xFFFFEC00  }
0x37: {  	[spmem:s19] =	stream.linear.scatter [tilespmem:s7], [sflag:$0x3], $0x1400, $0x38;
	[tilespmem:$0x1BC00] =	vst v63  }
0x38: {  	_ =	swait.ge [sflag:s6], $0x1400  }
0x39: {  	[sflag:s6] =	ssyncset.done $0x0  }
0x3a: {  	s22 =	rddreg [dreg:$0xe];
	[sflag:s6] =	ssyncadd.s32 $0xFFFFEC00  }
0x3b: {  	[spmem:s22] =	stream.linear.scatter [tilespmem:s7], [sflag:$0x3], $0x1400, $0x38;
	[tilespmem:$0x1BC00] =	vst v63  }
0x3c: {  	_ =	swait.ge [sflag:s6], $0x1400  }
0x3d: {  	[sflag:s6] =	ssyncset.done $0x0  }
0x3e: {  	s23 =	rddreg [dreg:$0xf];
	[sflag:s6] =	ssyncadd.s32 $0xFFFFEC00  }
0x3f: {  	[spmem:s23] =	stream.linear.scatter [tilespmem:s7], [sflag:$0x3], $0x1400, $0x38;
	[tilespmem:$0x1BC00] =	vst v63  }
0x40: {  	_ =	swait.ge [sflag:s6], $0x1400  }
0x41: {  	[sflag:s6] =	ssyncset.done $0x0  }
0x42: {  	s16 =	rddreg [dreg:$0x10];
	[sflag:s6] =	ssyncadd.s32 $0xFFFFEC00  }
0x43: {  	[spmem:s16] =	stream.linear.scatter [tilespmem:s7], [sflag:$0x3], $0x1400, $0x38;
	[tilespmem:$0x1BC00] =	vst v63  }
0x44: {  	_ =	swait.ge [sflag:s6], $0x1400  }
0x45: {  	[sflag:s6] =	ssyncset.done $0x0  }
0x46: {  	s17 =	rddreg [dreg:$0x11];
	[sflag:s6] =	ssyncadd.s32 $0xFFFFEC00  }
0x47: {  	[spmem:s17] =	stream.linear.scatter [tilespmem:s7], [sflag:$0x3], $0x1400, $0x38;
	[tilespmem:$0x1BC00] =	vst v63  }
0x48: {  	_ =	swait.ge [sflag:s6], $0x1400  }
0x49: {  	[sflag:s6] =	ssyncset.done $0x0  }
0x4a: {  	s19 =	rddreg [dreg:$0x12];
	[sflag:s6] =	ssyncadd.s32 $0xFFFFEC00  }
0x4b: {  	[spmem:s19] =	stream.linear.scatter [tilespmem:s7], [sflag:$0x3], $0x1400, $0x38;
	[tilespmem:$0x1BC00] =	vst v63  }
0x4c: {  	_ =	swait.ge [sflag:s6], $0x1400  }
0x4d: {  	[sflag:s6] =	ssyncset.done $0x0  }
0x4e: {  	s22 =	rddreg [dreg:$0x13];
	[sflag:s6] =	ssyncadd.s32 $0xFFFFEC00  }
0x4f: {  	[spmem:s22] =	stream.linear.scatter [tilespmem:s7], [sflag:$0x3], $0x1400, $0x38;
	[tilespmem:$0x1BC00] =	vst v63  }
0x50: {  	_ =	swait.ge [sflag:s6], $0x1400  }
0x51: {  	[sflag:s6] =	ssyncset.done $0x0  }
0x52: {  	s23 =	rddreg [dreg:$0x14];
	[sflag:s6] =	ssyncadd.s32 $0xFFFFEC00  }
0x53: {  	[spmem:s23] =	stream.linear.scatter [tilespmem:s7], [sflag:$0x3], $0x1400, $0x38;
	[tilespmem:$0x1BC00] =	vst v63  }
0x54: {  	_ =	swait.ge [sflag:s6], $0x1400  }
0x55: {  	[sflag:s6] =	ssyncset.done $0x0  }
0x56: {  	s16 =	rddreg [dreg:$0x15];
	[sflag:s6] =	ssyncadd.s32 $0xFFFFEC00  }
0x57: {  	[spmem:s16] =	stream.linear.scatter [tilespmem:s7], [sflag:$0x3], $0x1400, $0x38;
	[tilespmem:$0x1BC00] =	vst v63  }
0x58: {  	_ =	swait.ge [sflag:s6], $0x1400  }
0x59: {  	[sflag:s6] =	ssyncset.done $0x0  }
0x5a: {  	[sflag:s6] =	ssyncadd.s32 $0xFFFFEC00  }
0x5b: {  	[spmem:s24] =	stream.linear.scatter [tilespmem:s7], [sflag:$0x3], $0x1400, $0x38;
	[tilespmem:$0x1BC00] =	vst v63  }
0x5c: {  	_ =	swait.ge [sflag:s6], $0x1400  }
0x5d: {  	[sflag:s6] =	ssyncset.done $0x0  }
0x5e: {  	[sflag:s6] =	ssyncadd.s32 $0xFFFFEC00  }
0x5f: {  	[spmem:s25] =	stream.linear.scatter [tilespmem:s7], [sflag:$0x3], $0x1400, $0x38;
	[tilespmem:$0x1BC00] =	vst v63  }
0x60: {  	_ =	swait.ge [sflag:s6], $0x1400  }
0x61: {  	[sflag:s6] =	ssyncset.done $0x0  }
0x62: {  	[sflag:s6] =	ssyncadd.s32 $0xFFFFEC00  }
0x63: {  	[spmem:s26] =	stream.linear.scatter [tilespmem:s7], [sflag:$0x3], $0x1400, $0x38;
	[tilespmem:$0x1BC00] =	vst v63  }
0x64: {  	_ =	swait.ge [sflag:s6], $0x1400  }
0x65: {  	[sflag:s6] =	ssyncset.done $0x0  }
0x66: {  	[sflag:s6] =	ssyncadd.s32 $0xFFFFEC00  }
0x67: {  	[spmem:s28] =	stream.linear.scatter [tilespmem:s7], [sflag:$0x3], $0x1400, $0x38;
	[tilespmem:$0x1BC00] =	vst v63  }
0x68: {  	_ =	swait.ge [sflag:s6], $0x1400  }
0x69: {  	[sflag:s6] =	ssyncset.done $0x0  }
0x6a: {  	s17 =	rddreg [dreg:$0x6];
	[sflag:s6] =	ssyncadd.s32 $0xFFFFEC00  }
0x6b: {  	[tilespmem:s8], [sflag:$0x3] =	stream.linear.gather [hbm4b:s17+s4], $0x1400, $0x38;
	[tilespmem:$0x1BC00] =	vst v63  }
0x6c: {  	_ =	swait.ge [sflag:s6], $0x1400  }
0x6d: {  	[sflag:s6] =	ssyncset.done $0x0  }
0x6e: {  	[sflag:s6] =	ssyncadd.s32 $0xFFFFEC00  }
0x6f: {  	[bflag:$0x0] =	sbarrier.arrive $0xFFFF  }
0x70: {  	[tilespmem:s7], [sflag:$0x1] =	stream.linear.gather [hbm4b:s20+s4], $0x1400, $0x38;
	[tilespmem:$0x1BC00] =	vst v63  }
0x71: {  	_ = 	snop  }
0x72: {  	[tilespmem:s9], [sflag:$0x2] =	stream.linear.gather [hbm4b:s3+s4], $0x1400, $0x38;
	[tilespmem:$0x1BC00] =	vst v63  }
0x73: {  	_ =	swait.ge [sflag:s10], $0x1400  }
0x74: {  	[sflag:s10] =	ssyncset.done $0x0  }
0x75: {  	[sflag:s10] =	ssyncadd.s32 $0xFFFFEC00  }
0x76: {  	[spmem:s1] =	stream.indirect.scatter.add.f32 [tilespmem:s7], [sflag:$0x3], $0x80, s5, s11, $0xb8;
	[tilespmem:$0x1BC00] =	vst v63  }
0x77: {  	_ =	swait.ge [sflag:s6], $0x1400  }
0x78: {  	[sflag:s6] =	ssyncset.done $0x0  }
0x79: {  	[sflag:s6] =	ssyncadd.s32 $0xFFFFEC00  }
0x7a: {  	[spmem:s2] =	stream.indirect.scatter.add.f32 [tilespmem:s8], [sflag:$0x3], $0x80, s5, s11, $0xb8;
	[tilespmem:$0x1BC00] =	vst v63  }
0x7b: {  	_ =	swait.ge [sflag:s6], $0x1400  }
0x7c: {  	s19 =	sadd.s32 $0x0, s21;
	[sflag:s6] =	ssyncset.done $0x0  }
0x7d: {  	s16 =	sadd.s32 $0x500, s19;
	[sflag:s6] =	ssyncadd.s32 $0xFFFFEC00  }
0x7e: {  	[tilespmem:s7], [sflag:$0x1] =	stream.linear.gather [hbm4b:s16+s4], $0x1400, $0x38;
	[tilespmem:$0x1BC00] =	vst v63  }
0x7f: {  	_ =	swait.ge [sflag:s12], $0x1400  }
0x80: {  	[sflag:s12] =	ssyncset.done $0x0  }
0x81: {  	s22 =	simm.s32 $0x14080;
	[sflag:s12] =	ssyncadd.s32 $0xFFFFEC00  }
0x82: {  	[spmem:s1] =	stream.indirect.scatter.add.f32 [tilespmem:s9], [sflag:$0x3], $0x80, s22, s11, $0xb8;
	[tilespmem:$0x1BC00] =	vst v63  }
0x83: {  	_ =	swait.ge [sflag:s6], $0x1400  }
0x84: {  	[sflag:s6] =	ssyncset.done $0x0  }
0x85: {  	[sflag:s6] =	ssyncadd.s32 $0xFFFFEC00  }
0x86: {  	[spmem:s2] =	stream.indirect.scatter.add.f32 [tilespmem:s8], [sflag:$0x3], $0x80, s22, s11, $0xb8;
	[tilespmem:$0x1BC00] =	vst v63  }
0x87: {  	_ =	swait.ge [sflag:s6], $0x1400  }
0x88: {  	[sflag:s6] =	ssyncset.done $0x0  }
0x89: {  	s0 =	sadd.s32 $0x780, s19;
	[sflag:s6] =	ssyncadd.s32 $0xFFFFEC00  }
0x8a: {  	[tilespmem:s9], [sflag:$0x2] =	stream.linear.gather [hbm4b:s0+s4], $0x1400, $0x38;
	[tilespmem:$0x1BC00] =	vst v63  }
0x8b: {  	_ =	swait.ge [sflag:s10], $0x1400  }
0x8c: {  	[sflag:s10] =	ssyncset.done $0x0  }
0x8d: {  	s23 =	simm.s32 $0x14100;
	[sflag:s10] =	ssyncadd.s32 $0xFFFFEC00  }
0x8e: {  	[spmem:s1] =	stream.indirect.scatter.add.f32 [tilespmem:s7], [sflag:$0x3], $0x80, s23, s11, $0xb8;
	[tilespmem:$0x1BC00] =	vst v63  }
0x8f: {  	_ =	swait.ge [sflag:s6], $0x1400  }
0x90: {  	[sflag:s6] =	ssyncset.done $0x0  }
0x91: {  	[sflag:s6] =	ssyncadd.s32 $0xFFFFEC00  }
0x92: {  	[spmem:s2] =	stream.indirect.scatter.add.f32 [tilespmem:s8], [sflag:$0x3], $0x80, s23, s11, $0xb8;
	[tilespmem:$0x1BC00] =	vst v63  }
0x93: {  	s17 =	sadd.s32 $0x500, s21;
	_ =	swait.ge [sflag:s6], $0x1400  }
0x94: {  	s16 =	simm.s32 $0x14200;
	s0 =	simm.s32 $0xA00;
	[sflag:s6] =	ssyncset.done $0x0  }
.LBB2_2:
0x95: {  	s19 =	sadd.s32 $0x500, s17  }
0x96: {  	[sflag:s6] =	ssyncadd.s32 $0xFFFFEC00;
	s22 =	smov.u32 s0;
	s23 =	sadd.s32 $0x500, s0  }
0x97: {  	[tilespmem:s7], [sflag:$0x1] =	stream.linear.gather [hbm4b:s19+s4], $0x1400, $0x38;
	[tilespmem:$0x1BC00] =	vst v63  }
0x98: {  	p0 =	sne.s32 s0, $0x12C00;
	_ =	swait.ge [sflag:s12], $0x1400  }
0x99: {  	[sflag:s12] =	ssyncset.done $0x0  }
0x9a: {  	s0 =	sadd.s32 $0xFFFFFF80, s16;
	[sflag:s12] =	ssyncadd.s32 $0xFFFFEC00  }
0x9b: {  	[spmem:s1] =	stream.indirect.scatter.add.f32 [tilespmem:s9], [sflag:$0x3], $0x80, s0, s11, $0xb8;
	[tilespmem:$0x1BC00] =	vst v63  }
0x9c: {  	_ =	swait.ge [sflag:s6], $0x1400  }
0x9d: {  	[sflag:s6] =	ssyncset.done $0x0  }
0x9e: {  	[sflag:s6] =	ssyncadd.s32 $0xFFFFEC00  }
0x9f: {  	[spmem:s2] =	stream.indirect.scatter.add.f32 [tilespmem:s8], [sflag:$0x3], $0x80, s0, s11, $0xb8;
	[tilespmem:$0x1BC00] =	vst v63  }
0xa0: {  	_ =	swait.ge [sflag:s6], $0x1400  }
0xa1: {  	[sflag:s6] =	ssyncset.done $0x0  }
0xa2: {  	s0 =	sadd.s32 $0x780, s17;
	[sflag:s6] =	ssyncadd.s32 $0xFFFFEC00  }
0xa3: {  	[tilespmem:s9], [sflag:$0x2] =	stream.linear.gather [hbm4b:s0+s4], $0x1400, $0x38;
	[tilespmem:$0x1BC00] =	vst v63  }
0xa4: {  	_ =	swait.ge [sflag:s10], $0x1400  }
0xa5: {  	[sflag:s10] =	ssyncset.done $0x0  }
0xa6: {  	[sflag:s10] =	ssyncadd.s32 $0xFFFFEC00  }
0xa7: {  	[spmem:s1] =	stream.indirect.scatter.add.f32 [tilespmem:s7], [sflag:$0x3], $0x80, s16, s11, $0xb8;
	[tilespmem:$0x1BC00] =	vst v63  }
0xa8: {  	_ =	swait.ge [sflag:s6], $0x1400  }
.Ltmp0:
0xa9: {  	[sflag:s6] =	ssyncset.done $0x0;
	(pc) =	sbr.rel @p0 .LBB2_2-.Ltmp0, $4  }
0xaa: {  	[sflag:s6] =	ssyncadd.s32 $0xFFFFEC00  }
0xab: {  	[spmem:s2] =	stream.indirect.scatter.add.f32 [tilespmem:s8], [sflag:$0x3], $0x80, s16, s11, $0xb8;
	[tilespmem:$0x1BC00] =	vst v63  }
0xac: {  	s17 =	sadd.s32 s22, s21;
	_ =	swait.ge [sflag:s6], $0x1400  }
0xad: {  	s0 =	smov.u32 s23;
	s16 =	sadd.s32 $0x100, s16;
	[sflag:s6] =	ssyncset.done $0x0  }
0xae: {  	s0 =	sadd.s32 $0x500, s17;
	[sflag:s6] =	ssyncadd.s32 $0xFFFFEC00  }
0xaf: {  	[tilespmem:s7], [sflag:$0x1] =	stream.linear.gather [hbm4b:s0+s4], $0x1400, $0x38;
	[tilespmem:$0x1BC00] =	vst v63  }
0xb0: {  	_ =	swait.ge [sflag:s12], $0x1400  }
0xb1: {  	[sflag:s12] =	ssyncset.done $0x0  }
0xb2: {  	s22 =	sadd.s32 $0xFFFFFF80, s16;
	[sflag:s12] =	ssyncadd.s32 $0xFFFFEC00  }
0xb3: {  	[spmem:s1] =	stream.indirect.scatter.add.f32 [tilespmem:s9], [sflag:$0x3], $0x80, s22, s11, $0xb8;
	[tilespmem:$0x1BC00] =	vst v63  }
0xb4: {  	_ =	swait.ge [sflag:s6], $0x1400  }
0xb5: {  	[sflag:s6] =	ssyncset.done $0x0  }
0xb6: {  	[sflag:s6] =	ssyncadd.s32 $0xFFFFEC00  }
0xb7: {  	[spmem:s2] =	stream.indirect.scatter.add.f32 [tilespmem:s8], [sflag:$0x3], $0x80, s22, s11, $0xb8;
	[tilespmem:$0x1BC00] =	vst v63  }
0xb8: {  	_ =	swait.ge [sflag:s6], $0x1400  }
0xb9: {  	[sflag:s6] =	ssyncset.done $0x0  }
0xba: {  	s23 =	sadd.s32 $0x780, s17;
	[sflag:s6] =	ssyncadd.s32 $0xFFFFEC00  }
0xbb: {  	[tilespmem:s9], [sflag:$0x2] =	stream.linear.gather [hbm4b:s23+s4], $0x1400, $0x38;
	[tilespmem:$0x1BC00] =	vst v63  }
0xbc: {  	_ =	swait.ge [sflag:s10], $0x1400  }
0xbd: {  	[sflag:s10] =	ssyncset.done $0x0  }
0xbe: {  	[sflag:s10] =	ssyncadd.s32 $0xFFFFEC00  }
0xbf: {  	[spmem:s1] =	stream.indirect.scatter.add.f32 [tilespmem:s7], [sflag:$0x3], $0x80, s16, s11, $0xb8;
	[tilespmem:$0x1BC00] =	vst v63  }
0xc0: {  	_ =	swait.ge [sflag:s6], $0x1400  }
0xc1: {  	[sflag:s6] =	ssyncset.done $0x0  }
0xc2: {  	[sflag:s6] =	ssyncadd.s32 $0xFFFFEC00  }
0xc3: {  	[spmem:s2] =	stream.indirect.scatter.add.f32 [tilespmem:s8], [sflag:$0x3], $0x80, s16, s11, $0xb8;
	[tilespmem:$0x1BC00] =	vst v63  }
0xc4: {  	_ =	swait.ge [sflag:s6], $0x1400  }
0xc5: {  	[sflag:s6] =	ssyncset.done $0x0  }
0xc6: {  	s17 =	simm.s32 $0x0;
	s19 =	rddreg [dreg:$0x8];
	[sflag:s6] =	ssyncadd.s32 $0xFFFFEC00  }
0xc7: {  	[tilespmem:s7], [sflag:$0x1] =	stream.linear.gather [hbm4b:s19+s17], $0x1400, $0x38;
	[tilespmem:$0x1BC00] =	vst v63  }
0xc8: {  	_ =	swait.ge [sflag:s12], $0x1400  }
0xc9: {  	[sflag:s12] =	ssyncset.done $0x0  }
0xca: {  	[sflag:s12] =	ssyncadd.s32 $0xFFFFEC00  }
0xcb: {  	[spmem:s1] =	stream.indirect.scatter.add.f32 [tilespmem:s9], [sflag:$0x3], $0x80, s13, s11, $0xb8;
	[tilespmem:$0x1BC00] =	vst v63  }
0xcc: {  	_ =	swait.ge [sflag:s6], $0x1400  }
0xcd: {  	[sflag:s6] =	ssyncset.done $0x0  }
0xce: {  	[sflag:s6] =	ssyncadd.s32 $0xFFFFEC00  }
0xcf: {  	[spmem:s2] =	stream.indirect.scatter.add.f32 [tilespmem:s8], [sflag:$0x3], $0x80, s13, s11, $0xb8;
	[tilespmem:$0x1BC00] =	vst v63  }
0xd0: {  	_ =	swait.ge [sflag:s6], $0x1400  }
0xd1: {  	[sflag:s6] =	ssyncset.done $0x0  }
0xd2: {  	[sflag:s6] =	ssyncadd.s32 $0xFFFFEC00  }
0xd3: {  	_ =	swait.ge [sflag:s10], $0x1400  }
0xd4: {  	[sflag:s10] =	ssyncset.done $0x0  }
0xd5: {  	[sflag:s10] =	ssyncadd.s32 $0xFFFFEC00  }
0xd6: {  	[spmem:s1] =	stream.indirect.scatter.add.f32 [tilespmem:s7], [sflag:$0x3], $0x80, s14, s11, $0xb8;
	[tilespmem:$0x1BC00] =	vst v63  }
0xd7: {  	_ =	swait.ge [sflag:s6], $0x1400  }
0xd8: {  	[sflag:s6] =	ssyncset.done $0x0  }
0xd9: {  	[sflag:s6] =	ssyncadd.s32 $0xFFFFEC00  }
0xda: {  	[spmem:s2] =	stream.indirect.scatter.add.f32 [tilespmem:s8], [sflag:$0x3], $0x80, s14, s11, $0xb8;
	[tilespmem:$0x1BC00] =	vst v63  }
0xdb: {  	_ =	swait.ge [sflag:s6], $0x1400  }
0xdc: {  	[sflag:s6] =	ssyncset.done $0x0  }
0xdd: {  	[sflag:s6] =	ssyncadd.s32 $0xFFFFEC00  }
0xde: {  	[bflag:$0x0] =	sbarrier.arrive $0xFFFF  }
0xdf: {  	[tilespmem:s7], [sflag:$0x3] =	stream.linear.gather [spmem:s31], $0x1400, $0x38;
	[tilespmem:$0x1BC00] =	vst v63  }
0xe0: {  	_ =	swait.ge [sflag:s6], $0x1400  }
0xe1: {  	[sflag:s6] =	ssyncset.done $0x0  }
0xe2: {  	s22 =	sadd.s32 $0x0, s30;
	[sflag:s6] =	ssyncadd.s32 $0xFFFFEC00  }
0xe3: {  	[hbm4b:s22+s4] =	stream.linear.scatter [tilespmem:s7], [sflag:$0x3], $0x1400, $0x38;
	[tilespmem:$0x1BC00] =	vst v63  }
0xe4: {  	_ =	swait.ge [sflag:s6], $0x1400  }
0xe5: {  	[sflag:s6] =	ssyncset.done $0x0  }
0xe6: {  	[sflag:s6] =	ssyncadd.s32 $0xFFFFEC00  }
0xe7: {  	[tilespmem:s8], [sflag:$0x3] =	stream.linear.gather [spmem:s18], $0x1400, $0x38;
	[tilespmem:$0x1BC00] =	vst v63  }
0xe8: {  	_ =	swait.ge [sflag:s6], $0x1400  }
0xe9: {  	[sflag:s6] =	ssyncset.done $0x0  }
0xea: {  	s23 =	sadd.s32 $0x0, s29;
	[sflag:s6] =	ssyncadd.s32 $0xFFFFEC00  }
0xeb: {  	[hbm4b:s23+s4] =	stream.linear.scatter [tilespmem:s8], [sflag:$0x3], $0x1400, $0x38;
	[tilespmem:$0x1BC00] =	vst v63  }
0xec: {  	s0 =	smov.u32 s18;
	_ =	swait.ge [sflag:s6], $0x1400  }
0xed: {  	s16 =	simm.s32 $0x280;
	s17 =	smov.u32 s31;
	[sflag:s6] =	ssyncset.done $0x0  }
.LBB2_4:
0xee: {  	[sflag:s6] =	ssyncadd.s32 $0xFFFFEC00  }
0xef: {  	s17 =	sadd.s32 $0x1400, s17;
	s0 =	sadd.s32 $0x1400, s0;
	s19 =	smov.u32 s16  }
0xf0: {  	[tilespmem:s7], [sflag:$0x3] =	stream.linear.gather [spmem:s17], $0x1400, $0x38;
	[tilespmem:$0x1BC00] =	vst v63  }
0xf1: {  	p0 =	sne.s32 s16, $0x1180;
	s16 =	sadd.s32 $0x280, s16;
	_ =	swait.ge [sflag:s6], $0x1400  }
0xf2: {  	[sflag:s6] =	ssyncset.done $0x0  }
0xf3: {  	s22 =	sadd.s32 s19, s30;
	[sflag:s6] =	ssyncadd.s32 $0xFFFFEC00  }
0xf4: {  	[hbm4b:s22+s4] =	stream.linear.scatter [tilespmem:s7], [sflag:$0x3], $0x1400, $0x38;
	[tilespmem:$0x1BC00] =	vst v63  }
0xf5: {  	_ =	swait.ge [sflag:s6], $0x1400  }
0xf6: {  	[sflag:s6] =	ssyncset.done $0x0  }
0xf7: {  	[sflag:s6] =	ssyncadd.s32 $0xFFFFEC00  }
0xf8: {  	[tilespmem:s8], [sflag:$0x3] =	stream.linear.gather [spmem:s0], $0x1400, $0x38;
	[tilespmem:$0x1BC00] =	vst v63  }
0xf9: {  	_ =	swait.ge [sflag:s6], $0x1400  }
.Ltmp1:
0xfa: {  	[sflag:s6] =	ssyncset.done $0x0;
	(pc) =	sbr.rel @p0 .LBB2_4-.Ltmp1, $4  }
0xfb: {  	s19 =	sadd.s32 s19, s29;
	[sflag:s6] =	ssyncadd.s32 $0xFFFFEC00  }
0xfc: {  	[hbm4b:s19+s4] =	stream.linear.scatter [tilespmem:s8], [sflag:$0x3], $0x1400, $0x38;
	[tilespmem:$0x1BC00] =	vst v63  }
0xfd: {  	_ =	swait.ge [sflag:s6], $0x1400  }
0xfe: {  	[sflag:s6] =	ssyncset.done $0x0  }
0xff: {  	s15 =	sadd.s32 $0x1, s15;
	s0 =	rddreg [dreg:$0x9]  }
0x100: {  	p0 =	sne.s32 s15, s0  }
.Ltmp2:
0x101: {  	_ = 	snop;
	(pc) =	sbr.rel @p0 .LBB2_1-.Ltmp2, $2  }
0x102: {  	_ =	sdelay $0x2  }
0x103: {  	[sflag:s6] =	ssyncadd.s32 $0xFFFFEC00  }
0x104: {  	_ =	sfence.sel $0x180000  }
0x105: {  	[bflag:$0x0] =	sbarrier.arrive $0xFFFF  }
0x106: {  	_ =	strace $0x90000050  }
0x107: {  	s0 =	stileid.u32;
	[bflag:$0x2] =	sbarrier.arrive $0xFFFF  }
0x108: {  	p0 =	sne.s32 s0, $0x0;
	s0 =	rddreg [dreg:$0x4]  }
0x109: {  	s0 =	sadd.s32 @!p0 $0x100000, s0  }
0x10a: {  	[sflag:s0] =	ssyncadd.tile.s32 @!p0 $0x1;
	_ =	shalt  }
.Lfunc_end2:
_tile_overlayer_lowered:
.L_overlay_start_2:
0x10b: {  	(tag) =	ssettag $0x2  }
0x10c: {  	s0 =	rddreg [dreg:$0x0];
	s2 =	stileid.u32  }
0x10d: {  	s1 =	rddreg [dreg:$0x1];
	p0 =	sne.s32 s2, $0x0  }
0x10e: {  	s3 =	rddreg [dreg:$0x2];
	[bflag:$0x3] =	sbarrier.arrive $0xFFFF;
	s2 =	simm.s32 @!p0 $0x1C03  }
0x10f: {  	[timem:s3], [sflag:s2] =	dma.local @!p0 [hbm:s0], s1  }
0x110: {  	s0 =	simm.s32 @!p0 $0x3  }
0x111: {  	_ =	swait.ge @!p0 [sflag:s0], s1  }
0x112: {  	s1 =	ssub.s32 @!p0 $0x0, s1;
	[sflag:s0] =	ssyncset.done @!p0 $0x0  }
0x113: {  	[sflag:s0] =	ssyncadd.s32 @!p0 s1  }
0x114: {  	[bflag:$0x3] =	sbarrier.arrive $0xFFFF  }
0x115: {  	_ =	shalt  }

</sc_bundles>
